<compile_context>
chip_gen: v7x
topology: tpu7x:2x2x1
jax: 0.10.2.dev20260603
libtpu: 0.0.44.dev20260713+nightly
codegen_flags: <defaults>
</compile_context>

<pallas_src>
import functools

import jax
import jax.numpy as jnp
from jax import lax
from jax.experimental import pallas as pl
from jax.experimental.pallas import tpu as pltpu
from jax.experimental.pallas import tpu_sc as plsc

BATCH = 4096
FIELDS = 26
VOCAB = 100000
NC = 2
NS = 16
NW = NC * NS
BPW = BATCH // NW
LANES = 16
HBM_FIELDS = 13
STAGE = 6144
TAIL_LO = (VOCAB // 128) * 128
TAIL_BULK = TAIL_LO - NS * STAGE
TAIL_N = VOCAB - TAIL_LO

_mesh = plsc.VectorSubcoreMesh(core_axis_name="c", subcore_axis_name="s")


@functools.partial(
    pl.kernel,
    mesh=_mesh,
    out_type=jax.ShapeDtypeStruct((BATCH,), jnp.float32),
    scratch_types=[
        pltpu.VMEM((FIELDS * BPW,), jnp.int32),
        pltpu.VMEM((FIELDS * BPW,), jnp.float32),
        pltpu.VMEM((BPW,), jnp.float32),
        pltpu.VMEM((LANES,), jnp.float32),
        pltpu.VMEM_SHARED((VOCAB,), jnp.float32),
        pltpu.VMEM((2 * LANES,), jnp.int32),
        pltpu.VMEM((2 * LANES,), jnp.float32),
        pltpu.SemaphoreType.DMA,
        pltpu.SemaphoreType.DMA,
        pltpu.SemaphoreType.DMA,
    ],
)
def _sc_kernel(table_hbm, xr_hbm, bias_hbm, out_hbm,
               idxt_v, vals_v, out_v, bias_s, table_sh,
               tidx_v, tval_v, sem, sem_stage, sem_sh):
    cid = lax.axis_index("c")
    sid = lax.axis_index("s")
    wid = sid * NC + cid
    base = wid * BPW

    lo = sid * STAGE
    stage_h = pltpu.async_copy(
        table_hbm.at[0, pl.ds(lo, STAGE)],
        table_sh.at[pl.ds(lo, STAGE)], sem_stage)

    @pl.when(sid == NS - 1)
    def _stage_bulk_tail():
        pltpu.sync_copy(
            table_hbm.at[0, pl.ds(NS * STAGE, TAIL_BULK)],
            table_sh.at[pl.ds(NS * STAGE, TAIL_BULK)])

    @pl.when(sid == 0)
    def _stage_last_words():
        it = lax.iota(jnp.int32, LANES)
        tidx_v[pl.ds(0, LANES)] = it + TAIL_LO
        tidx_v[pl.ds(LANES, LANES)] = it + (TAIL_LO + LANES)
        pltpu.async_copy(
            table_hbm.at[0].at[tidx_v.at[pl.ds(0, TAIL_N)]],
            tval_v.at[pl.ds(0, TAIL_N)], sem_stage).wait()
        pltpu.sync_copy(tval_v.at[pl.ds(0, TAIL_N)],
                        table_sh.at[pl.ds(TAIL_LO, TAIL_N)])

    pltpu.sync_copy(bias_hbm, bias_s.at[pl.ds(0, 1)])
    idx_handles = [
        pltpu.async_copy(xr_hbm.at[j, pl.ds(base, BPW)],
                         idxt_v.at[pl.ds(j * BPW, BPW)], sem)
        for j in range(FIELDS)
    ]
    for h in idx_handles:
        h.wait()

    nh = HBM_FIELDS * BPW
    hbm_h = pltpu.async_copy(
        table_hbm.at[0].at[idxt_v.at[pl.ds(0, nh)]],
        vals_v.at[pl.ds(0, nh)], sem)

    stage_h.wait()
    plsc.subcore_barrier()
    ns = (FIELDS - HBM_FIELDS) * BPW
    sh_h = pltpu.async_copy(
        table_sh.at[idxt_v.at[pl.ds(nh, ns)]],
        vals_v.at[pl.ds(nh, ns)], sem_sh)

    hbm_h.wait()
    sh_h.wait()

    bvec = lax.broadcast(bias_s[...][0], (LANES,))
    accs = [bvec for _ in range(BPW // LANES)]
    for j in range(FIELDS):
        for k in range(BPW // LANES):
            accs[k] = accs[k] + vals_v[pl.ds(j * BPW + k * LANES, LANES)]
    for k in range(BPW // LANES):
        out_v[pl.ds(k * LANES, LANES)] = accs[k]

    pltpu.sync_copy(out_v, out_hbm.at[pl.ds(base, BPW)])


def kernel(x, fc_weight, bias):
    table = fc_weight.T
    xr = x.T
    out = _sc_kernel(table, xr, bias)
    return out.reshape(BATCH, 1)

# --- scband reference (transcript-rebuilt; emitter-appended) ---
"""Pipeline reference for scband-features-linear-49185965474000 (READ-ONLY COPY).

The authoritative reference and input builder live on the scoring server;
editing this copy changes nothing except your own understanding.
"""

import jax, jax.numpy as jnp
import numpy as np

FEATURE_NUM = 100000
OUTPUT_DIM = 1
BATCH = 4096
NUM_FIELDS = 26


def setup_inputs(seed: int = 0) -> dict:
    key = jax.random.key(seed)
    k1, k2 = jax.random.split(key)
    x = jax.random.randint(k1, (BATCH, NUM_FIELDS), 0, FEATURE_NUM, dtype=jnp.int64 if jax.config.jax_enable_x64 else jnp.int32).astype(jnp.int32)
    fc_weight = jax.random.normal(k2, (FEATURE_NUM, OUTPUT_DIM), dtype=jnp.float32) * 0.01
    bias = jnp.zeros((OUTPUT_DIM,), dtype=jnp.float32)
    return {"x": x, "fc_weight": fc_weight, "bias": bias}


def reference(x, fc_weight, bias):
    # embedding lookup: (B, F) -> (B, F, output_dim)
    emb = jnp.take(fc_weight, x, axis=0)
    # squeeze trailing singleton dim (output_dim == 1) -> (B, F)
    emb = jnp.squeeze(emb)
    # sum over fields, keepdim -> (B, 1), plus bias
    out = jnp.sum(emb, axis=1, keepdims=True) + bias
    return out

if __name__ == "__main__":
    import jax
    _d = setup_inputs()
    print(jax.jit(kernel)(*tuple(_d.values())))

</pallas_src>

<mosaic_0001>
#map = affine_map<(d0, d1) -> (0, 0)>
#map1 = affine_map<(d0, d1) -> (0)>
module attributes {stable_mosaic.version = 14 : i64} {
  func.func @_sc_kernel(%arg0: i32, %arg1: i32, %arg2: memref<1x100000xf32, #tpu.memory_space<hbm>>, %arg3: memref<26x4096xi32, #tpu.memory_space<hbm>>, %arg4: memref<1xf32, #tpu.memory_space<hbm>>, %arg5: memref<4096xf32, #tpu.memory_space<hbm>>, %arg6: memref<3328xi32, #tpu.memory_space<vmem>>, %arg7: memref<3328xf32, #tpu.memory_space<vmem>>, %arg8: memref<128xf32, #tpu.memory_space<vmem>>, %arg9: memref<16xf32, #tpu.memory_space<vmem>>, %arg10: memref<100000xf32, #tpu.memory_space<vmem_shared>>, %arg11: memref<32xi32, #tpu.memory_space<vmem>>, %arg12: memref<32xf32, #tpu.memory_space<vmem>>, %arg13: memref<!tpu.dma_semaphore, #tpu.memory_space<semaphore_mem>>, %arg14: memref<!tpu.dma_semaphore, #tpu.memory_space<semaphore_mem>>, %arg15: memref<!tpu.dma_semaphore, #tpu.memory_space<semaphore_mem>>) attributes {dimension_semantics = [#tpu.dimension_semantics<core_parallel>, #tpu.dimension_semantics<subcore_parallel>], iteration_bounds = array<i64: 2, 16>, scalar_prefetch = 0 : i64, scratch_operands = 10 : i64, tpu.core_type = #tpu.core_type<sc_vector_subcore>, window_params = [{transform_indices = #map}, {transform_indices = #map}, {transform_indices = #map1}, {transform_indices = #map1}]} {
    %mul3A = arith.constant 2 : i32
    %mul3A_0 = arith.muli %arg1, %mul3A : i32
    %add3A = arith.addi %mul3A_0, %arg0 : i32
    %mul3A_1 = arith.constant 128 : i32
    %mul3A_2 = arith.muli %add3A, %mul3A_1 : i32
    %mul3A_3 = arith.constant 6144 : i32
    %mul3A_4 = arith.muli %arg1, %mul3A_3 : i32
    %dma_start3A = arith.constant 0 : i32
    %dma_start3A_5 = tpu.memref_slice %arg10[%mul3A_4] : memref<100000xf32, #tpu.memory_space<vmem_shared>> -> memref<6144xf32, #tpu.memory_space<vmem_shared>>
    %dma_start3A_6 = tpu.memref_slice %arg2[%dma_start3A, %mul3A_4] : memref<1x100000xf32, #tpu.memory_space<hbm>> -> memref<1x6144xf32, #tpu.memory_space<hbm>>
    %dma_start3A_7 = tpu.memref_squeeze %dma_start3A_6 : memref<1x6144xf32, #tpu.memory_space<hbm>> -> memref<6144xf32, #tpu.memory_space<hbm>>
    tpu.enqueue_dma source(%dma_start3A_7 : memref<6144xf32, #tpu.memory_space<hbm>>) target(%dma_start3A_5 : memref<6144xf32, #tpu.memory_space<vmem_shared>>) target_semaphore(%arg14 : memref<!tpu.dma_semaphore, #tpu.memory_space<semaphore_mem>>)
    %eq3A = arith.constant 15 : i32
    %eq3A_8 = arith.cmpi eq, %arg1, %eq3A : i32
    %convert_element_type3A = arith.extui %eq3A_8 : i1 to i32
    %cond3A = arith.constant 0 : i32
    %cond3A_9 = arith.cmpi ne, %convert_element_type3A, %cond3A : i32
    scf.if %cond3A_9 {
      %run_scoped3A = arith.constant 0 : i32
      "tpu.region"() ({
        %run_scoped3A_1383 = tpu.sem_alloc : memref<!tpu.dma_semaphore, #tpu.memory_space<semaphore_mem>>
        %dma_start3A_1384 = arith.constant 98304 : i32
        %dma_start3A_1385 = tpu.memref_slice %arg10[%dma_start3A_1384] : memref<100000xf32, #tpu.memory_space<vmem_shared>> -> memref<1664xf32, #tpu.memory_space<vmem_shared>>
        %dma_start3A_1386 = arith.constant 98304 : i32
        %dma_start3A_1387 = tpu.memref_slice %arg2[%run_scoped3A, %dma_start3A_1386] : memref<1x100000xf32, #tpu.memory_space<hbm>> -> memref<1x1664xf32, #tpu.memory_space<hbm>>
        %dma_start3A_1388 = tpu.memref_squeeze %dma_start3A_1387 : memref<1x1664xf32, #tpu.memory_space<hbm>> -> memref<1664xf32, #tpu.memory_space<hbm>>
        tpu.enqueue_dma source(%dma_start3A_1388 : memref<1664xf32, #tpu.memory_space<hbm>>) target(%dma_start3A_1385 : memref<1664xf32, #tpu.memory_space<vmem_shared>>) target_semaphore(%run_scoped3A_1383 : memref<!tpu.dma_semaphore, #tpu.memory_space<semaphore_mem>>)
        %dma_wait3A_1389 = arith.constant 98304 : i32
        %dma_wait3A_1390 = tpu.memref_slice %arg10[%dma_wait3A_1389] : memref<100000xf32, #tpu.memory_space<vmem_shared>> -> memref<1664xf32, #tpu.memory_space<vmem_shared>>
        %dma_wait3A_1391 = arith.constant 98304 : i32
        %dma_wait3A_1392 = tpu.memref_slice %arg2[%run_scoped3A, %dma_wait3A_1391] : memref<1x100000xf32, #tpu.memory_space<hbm>> -> memref<1x1664xf32, #tpu.memory_space<hbm>>
        %dma_wait3A_1393 = tpu.memref_squeeze %dma_wait3A_1392 : memref<1x1664xf32, #tpu.memory_space<hbm>> -> memref<1664xf32, #tpu.memory_space<hbm>>
        tpu.wait_dma2 semaphore(%run_scoped3A_1383 : memref<!tpu.dma_semaphore, #tpu.memory_space<semaphore_mem>>) src(%dma_wait3A_1393 : memref<1664xf32, #tpu.memory_space<hbm>>) dst(%dma_wait3A_1390 : memref<1664xf32, #tpu.memory_space<vmem_shared>>)
        tpu.yield
      }) : () -> ()
    } else {
    }
    %eq3A_10 = arith.constant 0 : i32
    %eq3A_11 = arith.cmpi eq, %arg1, %eq3A_10 : i32
    %convert_element_type3A_12 = arith.extui %eq3A_11 : i1 to i32
    %cond3A_13 = arith.constant 0 : i32
    %cond3A_14 = arith.cmpi ne, %convert_element_type3A_12, %cond3A_13 : i32
    scf.if %cond3A_14 {
      %iota3A = tpu.iota {dimensions = array<i32: 0>} : vector<16xi32>
      %add3A_1383 = arith.constant 99968 : i32
      %add3A_1384 = vector.broadcast %add3A_1383 : i32 to vector<16xi32>
      %add3A_1385 = arith.addi %iota3A, %add3A_1384 : vector<16xi32>
      %swap3A_1386 = arith.constant 0 : index
      %swap3A_1387 = tpu.vector_load %arg11[%swap3A_1386] {strides = array<i32>} : memref<32xi32, #tpu.memory_space<vmem>>, vector<16xi32>,
      %swap3A_1388 = vector.shape_cast %swap3A_1387 : vector<16xi32> to vector<16xi32>
      %swap3A_1389 = vector.shape_cast %add3A_1385 : vector<16xi32> to vector<16xi32>
      tpu.vector_store %arg11[%swap3A_1386], %swap3A_1389 {strides = array<i32>} : memref<32xi32, #tpu.memory_space<vmem>>, vector<16xi32>,
      %add3A_1390 = arith.constant 99984 : i32
      %add3A_1391 = vector.broadcast %add3A_1390 : i32 to vector<16xi32>
      %add3A_1392 = arith.addi %iota3A, %add3A_1391 : vector<16xi32>
      %swap3A_1393 = arith.constant 16 : index
      %swap3A_1394 = tpu.vector_load %arg11[%swap3A_1393] {strides = array<i32>} : memref<32xi32, #tpu.memory_space<vmem>>, vector<16xi32>,
      %swap3A_1395 = vector.shape_cast %swap3A_1394 : vector<16xi32> to vector<16xi32>
      %swap3A_1396 = vector.shape_cast %add3A_1392 : vector<16xi32> to vector<16xi32>
      tpu.vector_store %arg11[%swap3A_1393], %swap3A_1396 {strides = array<i32>} : memref<32xi32, #tpu.memory_space<vmem>>, vector<16xi32>,
      %dma_start3A_1397 = arith.constant 0 : i32
      %dma_start3A_1398 = arith.constant 0 : i32
      %dma_start3A_1399 = tpu.memref_slice %arg12[%dma_start3A_1398] : memref<32xf32, #tpu.memory_space<vmem>> -> memref<32xf32, #tpu.memory_space<vmem>>
      %dma_start3A_1400 = arith.constant 0 : i32
      %dma_start3A_1401 = tpu.memref_slice %arg11[%dma_start3A_1400] : memref<32xi32, #tpu.memory_space<vmem>> -> memref<32xi32, #tpu.memory_space<vmem>>
      %dma_start3A_1402 = arith.constant 0 : i32
      %dma_start3A_1403 = tpu.memref_slice %arg2[%dma_start3A_1397, %dma_start3A_1402] : memref<1x100000xf32, #tpu.memory_space<hbm>> -> memref<1x100000xf32, #tpu.memory_space<hbm>>
      %dma_start3A_1404 = tpu.memref_squeeze %dma_start3A_1403 : memref<1x100000xf32, #tpu.memory_space<hbm>> -> memref<100000xf32, #tpu.memory_space<hbm>>
      %dma_start3A_1405 = arith.constant 0 : i32
      %dma_start3A_1406 = tpu.memref_slice %dma_start3A_1404[%dma_start3A_1405] : memref<100000xf32, #tpu.memory_space<hbm>> -> memref<100000xf32, #tpu.memory_space<hbm>>
      tpu.enqueue_indirect_dma source(%dma_start3A_1406 : memref<100000xf32, #tpu.memory_space<hbm>>) target(%dma_start3A_1399 : memref<32xf32, #tpu.memory_space<vmem>>) offsets(%dma_start3A_1401 : memref<32xi32, #tpu.memory_space<vmem>>) semaphore(%arg14 : memref<!tpu.dma_semaphore, #tpu.memory_space<semaphore_mem>>)
      %dma_wait3A_1407 = arith.constant 0 : i32
      %dma_wait3A_1408 = arith.constant 0 : i32
      %dma_wait3A_1409 = tpu.memref_slice %arg12[%dma_wait3A_1408] : memref<32xf32, #tpu.memory_space<vmem>> -> memref<32xf32, #tpu.memory_space<vmem>>
      %dma_wait3A_1410 = arith.constant 0 : i32
      %dma_wait3A_1411 = tpu.memref_slice %arg11[%dma_wait3A_1410] : memref<32xi32, #tpu.memory_space<vmem>> -> memref<32xi32, #tpu.memory_space<vmem>>
      %dma_wait3A_1412 = arith.constant 0 : i32
      %dma_wait3A_1413 = tpu.memref_slice %arg2[%dma_wait3A_1407, %dma_wait3A_1412] : memref<1x100000xf32, #tpu.memory_space<hbm>> -> memref<1x100000xf32, #tpu.memory_space<hbm>>
      %dma_wait3A_1414 = tpu.memref_squeeze %dma_wait3A_1413 : memref<1x100000xf32, #tpu.memory_space<hbm>> -> memref<100000xf32, #tpu.memory_space<hbm>>
      %dma_wait3A_1415 = arith.constant 0 : i32
      %dma_wait3A_1416 = tpu.memref_slice %dma_wait3A_1414[%dma_wait3A_1415] : memref<100000xf32, #tpu.memory_space<hbm>> -> memref<100000xf32, #tpu.memory_space<hbm>>
      tpu.wait_indirect_dma semaphore(%arg14 : memref<!tpu.dma_semaphore, #tpu.memory_space<semaphore_mem>>) src(%dma_wait3A_1416 : memref<100000xf32, #tpu.memory_space<hbm>>) dst(%dma_wait3A_1409 : memref<32xf32, #tpu.memory_space<vmem>>)
      "tpu.region"() ({
        %run_scoped3A = tpu.sem_alloc : memref<!tpu.dma_semaphore, #tpu.memory_space<semaphore_mem>>
        %dma_start3A_1417 = arith.constant 0 : i32
        %dma_start3A_1418 = tpu.memref_slice %arg12[%dma_start3A_1417] : memref<32xf32, #tpu.memory_space<vmem>> -> memref<32xf32, #tpu.memory_space<vmem>>
        %dma_start3A_1419 = arith.constant 99968 : i32
        %dma_start3A_1420 = tpu.memref_slice %arg10[%dma_start3A_1419] : memref<100000xf32, #tpu.memory_space<vmem_shared>> -> memref<32xf32, #tpu.memory_space<vmem_shared>>
        %dma_start3A_1421 = arith.constant 99968 : i32
        %dma_start3A_1422 = tpu.memref_slice %arg10[%dma_start3A_1421] : memref<100000xf32, #tpu.memory_space<vmem_shared>> -> memref<32xf32, #tpu.memory_space<vmem_shared>>
        %dma_start3A_1423 = arith.constant 0 : i32
        %dma_start3A_1424 = tpu.memref_slice %arg12[%dma_start3A_1423] : memref<32xf32, #tpu.memory_space<vmem>> -> memref<32xf32, #tpu.memory_space<vmem>>
        tpu.enqueue_dma source(%dma_start3A_1424 : memref<32xf32, #tpu.memory_space<vmem>>) target(%dma_start3A_1422 : memref<32xf32, #tpu.memory_space<vmem_shared>>) target_semaphore(%run_scoped3A : memref<!tpu.dma_semaphore, #tpu.memory_space<semaphore_mem>>)
        %dma_wait3A_1425 = arith.constant 0 : i32
        %dma_wait3A_1426 = tpu.memref_slice %arg12[%dma_wait3A_1425] : memref<32xf32, #tpu.memory_space<vmem>> -> memref<32xf32, #tpu.memory_space<vmem>>
        %dma_wait3A_1427 = arith.constant 99968 : i32
        %dma_wait3A_1428 = tpu.memref_slice %arg10[%dma_wait3A_1427] : memref<100000xf32, #tpu.memory_space<vmem_shared>> -> memref<32xf32, #tpu.memory_space<vmem_shared>>
        %dma_wait3A_1429 = arith.constant 99968 : i32
        %dma_wait3A_1430 = tpu.memref_slice %arg10[%dma_wait3A_1429] : memref<100000xf32, #tpu.memory_space<vmem_shared>> -> memref<32xf32, #tpu.memory_space<vmem_shared>>
        %dma_wait3A_1431 = arith.constant 0 : i32
        %dma_wait3A_1432 = tpu.memref_slice %arg12[%dma_wait3A_1431] : memref<32xf32, #tpu.memory_space<vmem>> -> memref<32xf32, #tpu.memory_space<vmem>>
        tpu.wait_dma2 semaphore(%run_scoped3A : memref<!tpu.dma_semaphore, #tpu.memory_space<semaphore_mem>>) src(%dma_wait3A_1432 : memref<32xf32, #tpu.memory_space<vmem>>) dst(%dma_wait3A_1430 : memref<32xf32, #tpu.memory_space<vmem_shared>>)
        tpu.yield
      }) : () -> ()
    } else {
    }
    "tpu.region"() ({
      %run_scoped3A = tpu.sem_alloc : memref<!tpu.dma_semaphore, #tpu.memory_space<semaphore_mem>>
      %dma_start3A_1383 = arith.constant 0 : i32
      %dma_start3A_1384 = tpu.memref_slice %arg9[%dma_start3A_1383] : memref<16xf32, #tpu.memory_space<vmem>> -> memref<1xf32, #tpu.memory_space<vmem>>
      %dma_start3A_1385 = arith.constant 0 : i32
      %dma_start3A_1386 = tpu.memref_slice %arg9[%dma_start3A_1385] : memref<16xf32, #tpu.memory_space<vmem>> -> memref<1xf32, #tpu.memory_space<vmem>>
      tpu.enqueue_dma source(%arg4 : memref<1xf32, #tpu.memory_space<hbm>>) target(%dma_start3A_1386 : memref<1xf32, #tpu.memory_space<vmem>>) target_semaphore(%run_scoped3A : memref<!tpu.dma_semaphore, #tpu.memory_space<semaphore_mem>>)
      %dma_wait3A_1387 = arith.constant 0 : i32
      %dma_wait3A_1388 = tpu.memref_slice %arg9[%dma_wait3A_1387] : memref<16xf32, #tpu.memory_space<vmem>> -> memref<1xf32, #tpu.memory_space<vmem>>
      %dma_wait3A_1389 = arith.constant 0 : i32
      %dma_wait3A_1390 = tpu.memref_slice %arg9[%dma_wait3A_1389] : memref<16xf32, #tpu.memory_space<vmem>> -> memref<1xf32, #tpu.memory_space<vmem>>
      tpu.wait_dma2 semaphore(%run_scoped3A : memref<!tpu.dma_semaphore, #tpu.memory_space<semaphore_mem>>) src(%arg4 : memref<1xf32, #tpu.memory_space<hbm>>) dst(%dma_wait3A_1390 : memref<1xf32, #tpu.memory_space<vmem>>)
      tpu.yield
    }) : () -> ()
    %dma_start3A_15 = arith.constant 0 : i32
    %dma_start3A_16 = arith.constant 0 : i32
    %dma_start3A_17 = tpu.memref_slice %arg6[%dma_start3A_16] : memref<3328xi32, #tpu.memory_space<vmem>> -> memref<128xi32, #tpu.memory_space<vmem>>
    %dma_start3A_18 = tpu.memref_slice %arg3[%dma_start3A_15, %mul3A_2] : memref<26x4096xi32, #tpu.memory_space<hbm>> -> memref<1x128xi32, #tpu.memory_space<hbm>>
    %dma_start3A_19 = tpu.memref_squeeze %dma_start3A_18 : memref<1x128xi32, #tpu.memory_space<hbm>> -> memref<128xi32, #tpu.memory_space<hbm>>
    %dma_start3A_20 = arith.constant 0 : i32
    %dma_start3A_21 = tpu.memref_slice %arg6[%dma_start3A_20] : memref<3328xi32, #tpu.memory_space<vmem>> -> memref<128xi32, #tpu.memory_space<vmem>>
    %dma_start3A_22 = tpu.memref_slice %arg3[%dma_start3A_15, %mul3A_2] : memref<26x4096xi32, #tpu.memory_space<hbm>> -> memref<1x128xi32, #tpu.memory_space<hbm>>
    %dma_start3A_23 = tpu.memref_squeeze %dma_start3A_22 : memref<1x128xi32, #tpu.memory_space<hbm>> -> memref<128xi32, #tpu.memory_space<hbm>>
    tpu.enqueue_dma source(%dma_start3A_23 : memref<128xi32, #tpu.memory_space<hbm>>) target(%dma_start3A_21 : memref<128xi32, #tpu.memory_space<vmem>>) target_semaphore(%arg13 : memref<!tpu.dma_semaphore, #tpu.memory_space<semaphore_mem>>)
    %dma_start3A_24 = arith.constant 1 : i32
    %dma_start3A_25 = arith.constant 128 : i32
    %dma_start3A_26 = tpu.memref_slice %arg6[%dma_start3A_25] : memref<3328xi32, #tpu.memory_space<vmem>> -> memref<128xi32, #tpu.memory_space<vmem>>
    %dma_start3A_27 = tpu.memref_slice %arg3[%dma_start3A_24, %mul3A_2] : memref<26x4096xi32, #tpu.memory_space<hbm>> -> memref<1x128xi32, #tpu.memory_space<hbm>>
    %dma_start3A_28 = tpu.memref_squeeze %dma_start3A_27 : memref<1x128xi32, #tpu.memory_space<hbm>> -> memref<128xi32, #tpu.memory_space<hbm>>
    %dma_start3A_29 = arith.constant 128 : i32
    %dma_start3A_30 = tpu.memref_slice %arg6[%dma_start3A_29] : memref<3328xi32, #tpu.memory_space<vmem>> -> memref<128xi32, #tpu.memory_space<vmem>>
    %dma_start3A_31 = tpu.memref_slice %arg3[%dma_start3A_24, %mul3A_2] : memref<26x4096xi32, #tpu.memory_space<hbm>> -> memref<1x128xi32, #tpu.memory_space<hbm>>
    %dma_start3A_32 = tpu.memref_squeeze %dma_start3A_31 : memref<1x128xi32, #tpu.memory_space<hbm>> -> memref<128xi32, #tpu.memory_space<hbm>>
    tpu.enqueue_dma source(%dma_start3A_32 : memref<128xi32, #tpu.memory_space<hbm>>) target(%dma_start3A_30 : memref<128xi32, #tpu.memory_space<vmem>>) target_semaphore(%arg13 : memref<!tpu.dma_semaphore, #tpu.memory_space<semaphore_mem>>)
    %dma_start3A_33 = arith.constant 2 : i32
    %dma_start3A_34 = arith.constant 256 : i32
    %dma_start3A_35 = tpu.memref_slice %arg6[%dma_start3A_34] : memref<3328xi32, #tpu.memory_space<vmem>> -> memref<128xi32, #tpu.memory_space<vmem>>
    %dma_start3A_36 = tpu.memref_slice %arg3[%dma_start3A_33, %mul3A_2] : memref<26x4096xi32, #tpu.memory_space<hbm>> -> memref<1x128xi32, #tpu.memory_space<hbm>>
    %dma_start3A_37 = tpu.memref_squeeze %dma_start3A_36 : memref<1x128xi32, #tpu.memory_space<hbm>> -> memref<128xi32, #tpu.memory_space<hbm>>
    %dma_start3A_38 = arith.constant 256 : i32
    %dma_start3A_39 = tpu.memref_slice %arg6[%dma_start3A_38] : memref<3328xi32, #tpu.memory_space<vmem>> -> memref<128xi32, #tpu.memory_space<vmem>>
    %dma_start3A_40 = tpu.memref_slice %arg3[%dma_start3A_33, %mul3A_2] : memref<26x4096xi32, #tpu.memory_space<hbm>> -> memref<1x128xi32, #tpu.memory_space<hbm>>
    %dma_start3A_41 = tpu.memref_squeeze %dma_start3A_40 : memref<1x128xi32, #tpu.memory_space<hbm>> -> memref<128xi32, #tpu.memory_space<hbm>>
    tpu.enqueue_dma source(%dma_start3A_41 : memref<128xi32, #tpu.memory_space<hbm>>) target(%dma_start3A_39 : memref<128xi32, #tpu.memory_space<vmem>>) target_semaphore(%arg13 : memref<!tpu.dma_semaphore, #tpu.memory_space<semaphore_mem>>)
    %dma_start3A_42 = arith.constant 3 : i32
    %dma_start3A_43 = arith.constant 384 : i32
    %dma_start3A_44 = tpu.memref_slice %arg6[%dma_start3A_43] : memref<3328xi32, #tpu.memory_space<vmem>> -> memref<128xi32, #tpu.memory_space<vmem>>
    %dma_start3A_45 = tpu.memref_slice %arg3[%dma_start3A_42, %mul3A_2] : memref<26x4096xi32, #tpu.memory_space<hbm>> -> memref<1x128xi32, #tpu.memory_space<hbm>>
    %dma_start3A_46 = tpu.memref_squeeze %dma_start3A_45 : memref<1x128xi32, #tpu.memory_space<hbm>> -> memref<128xi32, #tpu.memory_space<hbm>>
    %dma_start3A_47 = arith.constant 384 : i32
    %dma_start3A_48 = tpu.memref_slice %arg6[%dma_start3A_47] : memref<3328xi32, #tpu.memory_space<vmem>> -> memref<128xi32, #tpu.memory_space<vmem>>
    %dma_start3A_49 = tpu.memref_slice %arg3[%dma_start3A_42, %mul3A_2] : memref<26x4096xi32, #tpu.memory_space<hbm>> -> memref<1x128xi32, #tpu.memory_space<hbm>>
    %dma_start3A_50 = tpu.memref_squeeze %dma_start3A_49 : memref<1x128xi32, #tpu.memory_space<hbm>> -> memref<128xi32, #tpu.memory_space<hbm>>
    tpu.enqueue_dma source(%dma_start3A_50 : memref<128xi32, #tpu.memory_space<hbm>>) target(%dma_start3A_48 : memref<128xi32, #tpu.memory_space<vmem>>) target_semaphore(%arg13 : memref<!tpu.dma_semaphore, #tpu.memory_space<semaphore_mem>>)
    %dma_start3A_51 = arith.constant 4 : i32
    %dma_start3A_52 = arith.constant 512 : i32
    %dma_start3A_53 = tpu.memref_slice %arg6[%dma_start3A_52] : memref<3328xi32, #tpu.memory_space<vmem>> -> memref<128xi32, #tpu.memory_space<vmem>>
    %dma_start3A_54 = tpu.memref_slice %arg3[%dma_start3A_51, %mul3A_2] : memref<26x4096xi32, #tpu.memory_space<hbm>> -> memref<1x128xi32, #tpu.memory_space<hbm>>
    %dma_start3A_55 = tpu.memref_squeeze %dma_start3A_54 : memref<1x128xi32, #tpu.memory_space<hbm>> -> memref<128xi32, #tpu.memory_space<hbm>>
    %dma_start3A_56 = arith.constant 512 : i32
    %dma_start3A_57 = tpu.memref_slice %arg6[%dma_start3A_56] : memref<3328xi32, #tpu.memory_space<vmem>> -> memref<128xi32, #tpu.memory_space<vmem>>
    %dma_start3A_58 = tpu.memref_slice %arg3[%dma_start3A_51, %mul3A_2] : memref<26x4096xi32, #tpu.memory_space<hbm>> -> memref<1x128xi32, #tpu.memory_space<hbm>>
    %dma_start3A_59 = tpu.memref_squeeze %dma_start3A_58 : memref<1x128xi32, #tpu.memory_space<hbm>> -> memref<128xi32, #tpu.memory_space<hbm>>
    tpu.enqueue_dma source(%dma_start3A_59 : memref<128xi32, #tpu.memory_space<hbm>>) target(%dma_start3A_57 : memref<128xi32, #tpu.memory_space<vmem>>) target_semaphore(%arg13 : memref<!tpu.dma_semaphore, #tpu.memory_space<semaphore_mem>>)
    %dma_start3A_60 = arith.constant 5 : i32
    %dma_start3A_61 = arith.constant 640 : i32
    %dma_start3A_62 = tpu.memref_slice %arg6[%dma_start3A_61] : memref<3328xi32, #tpu.memory_space<vmem>> -> memref<128xi32, #tpu.memory_space<vmem>>
    %dma_start3A_63 = tpu.memref_slice %arg3[%dma_start3A_60, %mul3A_2] : memref<26x4096xi32, #tpu.memory_space<hbm>> -> memref<1x128xi32, #tpu.memory_space<hbm>>
    %dma_start3A_64 = tpu.memref_squeeze %dma_start3A_63 : memref<1x128xi32, #tpu.memory_space<hbm>> -> memref<128xi32, #tpu.memory_space<hbm>>
    %dma_start3A_65 = arith.constant 640 : i32
    %dma_start3A_66 = tpu.memref_slice %arg6[%dma_start3A_65] : memref<3328xi32, #tpu.memory_space<vmem>> -> memref<128xi32, #tpu.memory_space<vmem>>
    %dma_start3A_67 = tpu.memref_slice %arg3[%dma_start3A_60, %mul3A_2] : memref<26x4096xi32, #tpu.memory_space<hbm>> -> memref<1x128xi32, #tpu.memory_space<hbm>>
    %dma_start3A_68 = tpu.memref_squeeze %dma_start3A_67 : memref<1x128xi32, #tpu.memory_space<hbm>> -> memref<128xi32, #tpu.memory_space<hbm>>
    tpu.enqueue_dma source(%dma_start3A_68 : memref<128xi32, #tpu.memory_space<hbm>>) target(%dma_start3A_66 : memref<128xi32, #tpu.memory_space<vmem>>) target_semaphore(%arg13 : memref<!tpu.dma_semaphore, #tpu.memory_space<semaphore_mem>>)
    %dma_start3A_69 = arith.constant 6 : i32
    %dma_start3A_70 = arith.constant 768 : i32
    %dma_start3A_71 = tpu.memref_slice %arg6[%dma_start3A_70] : memref<3328xi32, #tpu.memory_space<vmem>> -> memref<128xi32, #tpu.memory_space<vmem>>
    %dma_start3A_72 = tpu.memref_slice %arg3[%dma_start3A_69, %mul3A_2] : memref<26x4096xi32, #tpu.memory_space<hbm>> -> memref<1x128xi32, #tpu.memory_space<hbm>>
    %dma_start3A_73 = tpu.memref_squeeze %dma_start3A_72 : memref<1x128xi32, #tpu.memory_space<hbm>> -> memref<128xi32, #tpu.memory_space<hbm>>
    %dma_start3A_74 = arith.constant 768 : i32
    %dma_start3A_75 = tpu.memref_slice %arg6[%dma_start3A_74] : memref<3328xi32, #tpu.memory_space<vmem>> -> memref<128xi32, #tpu.memory_space<vmem>>
    %dma_start3A_76 = tpu.memref_slice %arg3[%dma_start3A_69, %mul3A_2] : memref<26x4096xi32, #tpu.memory_space<hbm>> -> memref<1x128xi32, #tpu.memory_space<hbm>>
    %dma_start3A_77 = tpu.memref_squeeze %dma_start3A_76 : memref<1x128xi32, #tpu.memory_space<hbm>> -> memref<128xi32, #tpu.memory_space<hbm>>
    tpu.enqueue_dma source(%dma_start3A_77 : memref<128xi32, #tpu.memory_space<hbm>>) target(%dma_start3A_75 : memref<128xi32, #tpu.memory_space<vmem>>) target_semaphore(%arg13 : memref<!tpu.dma_semaphore, #tpu.memory_space<semaphore_mem>>)
    %dma_start3A_78 = arith.constant 7 : i32
    %dma_start3A_79 = arith.constant 896 : i32
    %dma_start3A_80 = tpu.memref_slice %arg6[%dma_start3A_79] : memref<3328xi32, #tpu.memory_space<vmem>> -> memref<128xi32, #tpu.memory_space<vmem>>
    %dma_start3A_81 = tpu.memref_slice %arg3[%dma_start3A_78, %mul3A_2] : memref<26x4096xi32, #tpu.memory_space<hbm>> -> memref<1x128xi32, #tpu.memory_space<hbm>>
    %dma_start3A_82 = tpu.memref_squeeze %dma_start3A_81 : memref<1x128xi32, #tpu.memory_space<hbm>> -> memref<128xi32, #tpu.memory_space<hbm>>
    %dma_start3A_83 = arith.constant 896 : i32
    %dma_start3A_84 = tpu.memref_slice %arg6[%dma_start3A_83] : memref<3328xi32, #tpu.memory_space<vmem>> -> memref<128xi32, #tpu.memory_space<vmem>>
    %dma_start3A_85 = tpu.memref_slice %arg3[%dma_start3A_78, %mul3A_2] : memref<26x4096xi32, #tpu.memory_space<hbm>> -> memref<1x128xi32, #tpu.memory_space<hbm>>
    %dma_start3A_86 = tpu.memref_squeeze %dma_start3A_85 : memref<1x128xi32, #tpu.memory_space<hbm>> -> memref<128xi32, #tpu.memory_space<hbm>>
    tpu.enqueue_dma source(%dma_start3A_86 : memref<128xi32, #tpu.memory_space<hbm>>) target(%dma_start3A_84 : memref<128xi32, #tpu.memory_space<vmem>>) target_semaphore(%arg13 : memref<!tpu.dma_semaphore, #tpu.memory_space<semaphore_mem>>)
    %dma_start3A_87 = arith.constant 8 : i32
    %dma_start3A_88 = arith.constant 1024 : i32
    %dma_start3A_89 = tpu.memref_slice %arg6[%dma_start3A_88] : memref<3328xi32, #tpu.memory_space<vmem>> -> memref<128xi32, #tpu.memory_space<vmem>>
    %dma_start3A_90 = tpu.memref_slice %arg3[%dma_start3A_87, %mul3A_2] : memref<26x4096xi32, #tpu.memory_space<hbm>> -> memref<1x128xi32, #tpu.memory_space<hbm>>
    %dma_start3A_91 = tpu.memref_squeeze %dma_start3A_90 : memref<1x128xi32, #tpu.memory_space<hbm>> -> memref<128xi32, #tpu.memory_space<hbm>>
    %dma_start3A_92 = arith.constant 1024 : i32
    %dma_start3A_93 = tpu.memref_slice %arg6[%dma_start3A_92] : memref<3328xi32, #tpu.memory_space<vmem>> -> memref<128xi32, #tpu.memory_space<vmem>>
    %dma_start3A_94 = tpu.memref_slice %arg3[%dma_start3A_87, %mul3A_2] : memref<26x4096xi32, #tpu.memory_space<hbm>> -> memref<1x128xi32, #tpu.memory_space<hbm>>
    %dma_start3A_95 = tpu.memref_squeeze %dma_start3A_94 : memref<1x128xi32, #tpu.memory_space<hbm>> -> memref<128xi32, #tpu.memory_space<hbm>>
    tpu.enqueue_dma source(%dma_start3A_95 : memref<128xi32, #tpu.memory_space<hbm>>) target(%dma_start3A_93 : memref<128xi32, #tpu.memory_space<vmem>>) target_semaphore(%arg13 : memref<!tpu.dma_semaphore, #tpu.memory_space<semaphore_mem>>)
    %dma_start3A_96 = arith.constant 9 : i32
    %dma_start3A_97 = arith.constant 1152 : i32
    %dma_start3A_98 = tpu.memref_slice %arg6[%dma_start3A_97] : memref<3328xi32, #tpu.memory_space<vmem>> -> memref<128xi32, #tpu.memory_space<vmem>>
    %dma_start3A_99 = tpu.memref_slice %arg3[%dma_start3A_96, %mul3A_2] : memref<26x4096xi32, #tpu.memory_space<hbm>> -> memref<1x128xi32, #tpu.memory_space<hbm>>
    %dma_start3A_100 = tpu.memref_squeeze %dma_start3A_99 : memref<1x128xi32, #tpu.memory_space<hbm>> -> memref<128xi32, #tpu.memory_space<hbm>>
    %dma_start3A_101 = arith.constant 1152 : i32
    %dma_start3A_102 = tpu.memref_slice %arg6[%dma_start3A_101] : memref<3328xi32, #tpu.memory_space<vmem>> -> memref<128xi32, #tpu.memory_space<vmem>>
    %dma_start3A_103 = tpu.memref_slice %arg3[%dma_start3A_96, %mul3A_2] : memref<26x4096xi32, #tpu.memory_space<hbm>> -> memref<1x128xi32, #tpu.memory_space<hbm>>
    %dma_start3A_104 = tpu.memref_squeeze %dma_start3A_103 : memref<1x128xi32, #tpu.memory_space<hbm>> -> memref<128xi32, #tpu.memory_space<hbm>>
    tpu.enqueue_dma source(%dma_start3A_104 : memref<128xi32, #tpu.memory_space<hbm>>) target(%dma_start3A_102 : memref<128xi32, #tpu.memory_space<vmem>>) target_semaphore(%arg13 : memref<!tpu.dma_semaphore, #tpu.memory_space<semaphore_mem>>)
    %dma_start3A_105 = arith.constant 10 : i32
    %dma_start3A_106 = arith.constant 1280 : i32
    %dma_start3A_107 = tpu.memref_slice %arg6[%dma_start3A_106] : memref<3328xi32, #tpu.memory_space<vmem>> -> memref<128xi32, #tpu.memory_space<vmem>>
    %dma_start3A_108 = tpu.memref_slice %arg3[%dma_start3A_105, %mul3A_2] : memref<26x4096xi32, #tpu.memory_space<hbm>> -> memref<1x128xi32, #tpu.memory_space<hbm>>
    %dma_start3A_109 = tpu.memref_squeeze %dma_start3A_108 : memref<1x128xi32, #tpu.memory_space<hbm>> -> memref<128xi32, #tpu.memory_space<hbm>>
    %dma_start3A_110 = arith.constant 1280 : i32
    %dma_start3A_111 = tpu.memref_slice %arg6[%dma_start3A_110] : memref<3328xi32, #tpu.memory_space<vmem>> -> memref<128xi32, #tpu.memory_space<vmem>>
    %dma_start3A_112 = tpu.memref_slice %arg3[%dma_start3A_105, %mul3A_2] : memref<26x4096xi32, #tpu.memory_space<hbm>> -> memref<1x128xi32, #tpu.memory_space<hbm>>
    %dma_start3A_113 = tpu.memref_squeeze %dma_start3A_112 : memref<1x128xi32, #tpu.memory_space<hbm>> -> memref<128xi32, #tpu.memory_space<hbm>>
    tpu.enqueue_dma source(%dma_start3A_113 : memref<128xi32, #tpu.memory_space<hbm>>) target(%dma_start3A_111 : memref<128xi32, #tpu.memory_space<vmem>>) target_semaphore(%arg13 : memref<!tpu.dma_semaphore, #tpu.memory_space<semaphore_mem>>)
    %dma_start3A_114 = arith.constant 11 : i32
    %dma_start3A_115 = arith.constant 1408 : i32
    %dma_start3A_116 = tpu.memref_slice %arg6[%dma_start3A_115] : memref<3328xi32, #tpu.memory_space<vmem>> -> memref<128xi32, #tpu.memory_space<vmem>>
    %dma_start3A_117 = tpu.memref_slice %arg3[%dma_start3A_114, %mul3A_2] : memref<26x4096xi32, #tpu.memory_space<hbm>> -> memref<1x128xi32, #tpu.memory_space<hbm>>
    %dma_start3A_118 = tpu.memref_squeeze %dma_start3A_117 : memref<1x128xi32, #tpu.memory_space<hbm>> -> memref<128xi32, #tpu.memory_space<hbm>>
    %dma_start3A_119 = arith.constant 1408 : i32
    %dma_start3A_120 = tpu.memref_slice %arg6[%dma_start3A_119] : memref<3328xi32, #tpu.memory_space<vmem>> -> memref<128xi32, #tpu.memory_space<vmem>>
    %dma_start3A_121 = tpu.memref_slice %arg3[%dma_start3A_114, %mul3A_2] : memref<26x4096xi32, #tpu.memory_space<hbm>> -> memref<1x128xi32, #tpu.memory_space<hbm>>
    %dma_start3A_122 = tpu.memref_squeeze %dma_start3A_121 : memref<1x128xi32, #tpu.memory_space<hbm>> -> memref<128xi32, #tpu.memory_space<hbm>>
    tpu.enqueue_dma source(%dma_start3A_122 : memref<128xi32, #tpu.memory_space<hbm>>) target(%dma_start3A_120 : memref<128xi32, #tpu.memory_space<vmem>>) target_semaphore(%arg13 : memref<!tpu.dma_semaphore, #tpu.memory_space<semaphore_mem>>)
    %dma_start3A_123 = arith.constant 12 : i32
    %dma_start3A_124 = arith.constant 1536 : i32
    %dma_start3A_125 = tpu.memref_slice %arg6[%dma_start3A_124] : memref<3328xi32, #tpu.memory_space<vmem>> -> memref<128xi32, #tpu.memory_space<vmem>>
    %dma_start3A_126 = tpu.memref_slice %arg3[%dma_start3A_123, %mul3A_2] : memref<26x4096xi32, #tpu.memory_space<hbm>> -> memref<1x128xi32, #tpu.memory_space<hbm>>
    %dma_start3A_127 = tpu.memref_squeeze %dma_start3A_126 : memref<1x128xi32, #tpu.memory_space<hbm>> -> memref<128xi32, #tpu.memory_space<hbm>>
    %dma_start3A_128 = arith.constant 1536 : i32
    %dma_start3A_129 = tpu.memref_slice %arg6[%dma_start3A_128] : memref<3328xi32, #tpu.memory_space<vmem>> -> memref<128xi32, #tpu.memory_space<vmem>>
    %dma_start3A_130 = tpu.memref_slice %arg3[%dma_start3A_123, %mul3A_2] : memref<26x4096xi32, #tpu.memory_space<hbm>> -> memref<1x128xi32, #tpu.memory_space<hbm>>
    %dma_start3A_131 = tpu.memref_squeeze %dma_start3A_130 : memref<1x128xi32, #tpu.memory_space<hbm>> -> memref<128xi32, #tpu.memory_space<hbm>>
    tpu.enqueue_dma source(%dma_start3A_131 : memref<128xi32, #tpu.memory_space<hbm>>) target(%dma_start3A_129 : memref<128xi32, #tpu.memory_space<vmem>>) target_semaphore(%arg13 : memref<!tpu.dma_semaphore, #tpu.memory_space<semaphore_mem>>)
    %dma_start3A_132 = arith.constant 13 : i32
    %dma_start3A_133 = arith.constant 1664 : i32
    %dma_start3A_134 = tpu.memref_slice %arg6[%dma_start3A_133] : memref<3328xi32, #tpu.memory_space<vmem>> -> memref<128xi32, #tpu.memory_space<vmem>>
    %dma_start3A_135 = tpu.memref_slice %arg3[%dma_start3A_132, %mul3A_2] : memref<26x4096xi32, #tpu.memory_space<hbm>> -> memref<1x128xi32, #tpu.memory_space<hbm>>
    %dma_start3A_136 = tpu.memref_squeeze %dma_start3A_135 : memref<1x128xi32, #tpu.memory_space<hbm>> -> memref<128xi32, #tpu.memory_space<hbm>>
    %dma_start3A_137 = arith.constant 1664 : i32
    %dma_start3A_138 = tpu.memref_slice %arg6[%dma_start3A_137] : memref<3328xi32, #tpu.memory_space<vmem>> -> memref<128xi32, #tpu.memory_space<vmem>>
    %dma_start3A_139 = tpu.memref_slice %arg3[%dma_start3A_132, %mul3A_2] : memref<26x4096xi32, #tpu.memory_space<hbm>> -> memref<1x128xi32, #tpu.memory_space<hbm>>
    %dma_start3A_140 = tpu.memref_squeeze %dma_start3A_139 : memref<1x128xi32, #tpu.memory_space<hbm>> -> memref<128xi32, #tpu.memory_space<hbm>>
    tpu.enqueue_dma source(%dma_start3A_140 : memref<128xi32, #tpu.memory_space<hbm>>) target(%dma_start3A_138 : memref<128xi32, #tpu.memory_space<vmem>>) target_semaphore(%arg13 : memref<!tpu.dma_semaphore, #tpu.memory_space<semaphore_mem>>)
    %dma_start3A_141 = arith.constant 14 : i32
    %dma_start3A_142 = arith.constant 1792 : i32
    %dma_start3A_143 = tpu.memref_slice %arg6[%dma_start3A_142] : memref<3328xi32, #tpu.memory_space<vmem>> -> memref<128xi32, #tpu.memory_space<vmem>>
    %dma_start3A_144 = tpu.memref_slice %arg3[%dma_start3A_141, %mul3A_2] : memref<26x4096xi32, #tpu.memory_space<hbm>> -> memref<1x128xi32, #tpu.memory_space<hbm>>
    %dma_start3A_145 = tpu.memref_squeeze %dma_start3A_144 : memref<1x128xi32, #tpu.memory_space<hbm>> -> memref<128xi32, #tpu.memory_space<hbm>>
    %dma_start3A_146 = arith.constant 1792 : i32
    %dma_start3A_147 = tpu.memref_slice %arg6[%dma_start3A_146] : memref<3328xi32, #tpu.memory_space<vmem>> -> memref<128xi32, #tpu.memory_space<vmem>>
    %dma_start3A_148 = tpu.memref_slice %arg3[%dma_start3A_141, %mul3A_2] : memref<26x4096xi32, #tpu.memory_space<hbm>> -> memref<1x128xi32, #tpu.memory_space<hbm>>
    %dma_start3A_149 = tpu.memref_squeeze %dma_start3A_148 : memref<1x128xi32, #tpu.memory_space<hbm>> -> memref<128xi32, #tpu.memory_space<hbm>>
    tpu.enqueue_dma source(%dma_start3A_149 : memref<128xi32, #tpu.memory_space<hbm>>) target(%dma_start3A_147 : memref<128xi32, #tpu.memory_space<vmem>>) target_semaphore(%arg13 : memref<!tpu.dma_semaphore, #tpu.memory_space<semaphore_mem>>)
    %dma_start3A_150 = arith.constant 15 : i32
    %dma_start3A_151 = arith.constant 1920 : i32
    %dma_start3A_152 = tpu.memref_slice %arg6[%dma_start3A_151] : memref<3328xi32, #tpu.memory_space<vmem>> -> memref<128xi32, #tpu.memory_space<vmem>>
    %dma_start3A_153 = tpu.memref_slice %arg3[%dma_start3A_150, %mul3A_2] : memref<26x4096xi32, #tpu.memory_space<hbm>> -> memref<1x128xi32, #tpu.memory_space<hbm>>
    %dma_start3A_154 = tpu.memref_squeeze %dma_start3A_153 : memref<1x128xi32, #tpu.memory_space<hbm>> -> memref<128xi32, #tpu.memory_space<hbm>>
    %dma_start3A_155 = arith.constant 1920 : i32
    %dma_start3A_156 = tpu.memref_slice %arg6[%dma_start3A_155] : memref<3328xi32, #tpu.memory_space<vmem>> -> memref<128xi32, #tpu.memory_space<vmem>>
    %dma_start3A_157 = tpu.memref_slice %arg3[%dma_start3A_150, %mul3A_2] : memref<26x4096xi32, #tpu.memory_space<hbm>> -> memref<1x128xi32, #tpu.memory_space<hbm>>
    %dma_start3A_158 = tpu.memref_squeeze %dma_start3A_157 : memref<1x128xi32, #tpu.memory_space<hbm>> -> memref<128xi32, #tpu.memory_space<hbm>>
    tpu.enqueue_dma source(%dma_start3A_158 : memref<128xi32, #tpu.memory_space<hbm>>) target(%dma_start3A_156 : memref<128xi32, #tpu.memory_space<vmem>>) target_semaphore(%arg13 : memref<!tpu.dma_semaphore, #tpu.memory_space<semaphore_mem>>)
    %dma_start3A_159 = arith.constant 16 : i32
    %dma_start3A_160 = arith.constant 2048 : i32
    %dma_start3A_161 = tpu.memref_slice %arg6[%dma_start3A_160] : memref<3328xi32, #tpu.memory_space<vmem>> -> memref<128xi32, #tpu.memory_space<vmem>>
    %dma_start3A_162 = tpu.memref_slice %arg3[%dma_start3A_159, %mul3A_2] : memref<26x4096xi32, #tpu.memory_space<hbm>> -> memref<1x128xi32, #tpu.memory_space<hbm>>
    %dma_start3A_163 = tpu.memref_squeeze %dma_start3A_162 : memref<1x128xi32, #tpu.memory_space<hbm>> -> memref<128xi32, #tpu.memory_space<hbm>>
    %dma_start3A_164 = arith.constant 2048 : i32
    %dma_start3A_165 = tpu.memref_slice %arg6[%dma_start3A_164] : memref<3328xi32, #tpu.memory_space<vmem>> -> memref<128xi32, #tpu.memory_space<vmem>>
    %dma_start3A_166 = tpu.memref_slice %arg3[%dma_start3A_159, %mul3A_2] : memref<26x4096xi32, #tpu.memory_space<hbm>> -> memref<1x128xi32, #tpu.memory_space<hbm>>
    %dma_start3A_167 = tpu.memref_squeeze %dma_start3A_166 : memref<1x128xi32, #tpu.memory_space<hbm>> -> memref<128xi32, #tpu.memory_space<hbm>>
    tpu.enqueue_dma source(%dma_start3A_167 : memref<128xi32, #tpu.memory_space<hbm>>) target(%dma_start3A_165 : memref<128xi32, #tpu.memory_space<vmem>>) target_semaphore(%arg13 : memref<!tpu.dma_semaphore, #tpu.memory_space<semaphore_mem>>)
    %dma_start3A_168 = arith.constant 17 : i32
    %dma_start3A_169 = arith.constant 2176 : i32
    %dma_start3A_170 = tpu.memref_slice %arg6[%dma_start3A_169] : memref<3328xi32, #tpu.memory_space<vmem>> -> memref<128xi32, #tpu.memory_space<vmem>>
    %dma_start3A_171 = tpu.memref_slice %arg3[%dma_start3A_168, %mul3A_2] : memref<26x4096xi32, #tpu.memory_space<hbm>> -> memref<1x128xi32, #tpu.memory_space<hbm>>
    %dma_start3A_172 = tpu.memref_squeeze %dma_start3A_171 : memref<1x128xi32, #tpu.memory_space<hbm>> -> memref<128xi32, #tpu.memory_space<hbm>>
    %dma_start3A_173 = arith.constant 2176 : i32
    %dma_start3A_174 = tpu.memref_slice %arg6[%dma_start3A_173] : memref<3328xi32, #tpu.memory_space<vmem>> -> memref<128xi32, #tpu.memory_space<vmem>>
    %dma_start3A_175 = tpu.memref_slice %arg3[%dma_start3A_168, %mul3A_2] : memref<26x4096xi32, #tpu.memory_space<hbm>> -> memref<1x128xi32, #tpu.memory_space<hbm>>
    %dma_start3A_176 = tpu.memref_squeeze %dma_start3A_175 : memref<1x128xi32, #tpu.memory_space<hbm>> -> memref<128xi32, #tpu.memory_space<hbm>>
    tpu.enqueue_dma source(%dma_start3A_176 : memref<128xi32, #tpu.memory_space<hbm>>) target(%dma_start3A_174 : memref<128xi32, #tpu.memory_space<vmem>>) target_semaphore(%arg13 : memref<!tpu.dma_semaphore, #tpu.memory_space<semaphore_mem>>)
    %dma_start3A_177 = arith.constant 18 : i32
    %dma_start3A_178 = arith.constant 2304 : i32
    %dma_start3A_179 = tpu.memref_slice %arg6[%dma_start3A_178] : memref<3328xi32, #tpu.memory_space<vmem>> -> memref<128xi32, #tpu.memory_space<vmem>>
    %dma_start3A_180 = tpu.memref_slice %arg3[%dma_start3A_177, %mul3A_2] : memref<26x4096xi32, #tpu.memory_space<hbm>> -> memref<1x128xi32, #tpu.memory_space<hbm>>
    %dma_start3A_181 = tpu.memref_squeeze %dma_start3A_180 : memref<1x128xi32, #tpu.memory_space<hbm>> -> memref<128xi32, #tpu.memory_space<hbm>>
    %dma_start3A_182 = arith.constant 2304 : i32
    %dma_start3A_183 = tpu.memref_slice %arg6[%dma_start3A_182] : memref<3328xi32, #tpu.memory_space<vmem>> -> memref<128xi32, #tpu.memory_space<vmem>>
    %dma_start3A_184 = tpu.memref_slice %arg3[%dma_start3A_177, %mul3A_2] : memref<26x4096xi32, #tpu.memory_space<hbm>> -> memref<1x128xi32, #tpu.memory_space<hbm>>
    %dma_start3A_185 = tpu.memref_squeeze %dma_start3A_184 : memref<1x128xi32, #tpu.memory_space<hbm>> -> memref<128xi32, #tpu.memory_space<hbm>>
    tpu.enqueue_dma source(%dma_start3A_185 : memref<128xi32, #tpu.memory_space<hbm>>) target(%dma_start3A_183 : memref<128xi32, #tpu.memory_space<vmem>>) target_semaphore(%arg13 : memref<!tpu.dma_semaphore, #tpu.memory_space<semaphore_mem>>)
    %dma_start3A_186 = arith.constant 19 : i32
    %dma_start3A_187 = arith.constant 2432 : i32
    %dma_start3A_188 = tpu.memref_slice %arg6[%dma_start3A_187] : memref<3328xi32, #tpu.memory_space<vmem>> -> memref<128xi32, #tpu.memory_space<vmem>>
    %dma_start3A_189 = tpu.memref_slice %arg3[%dma_start3A_186, %mul3A_2] : memref<26x4096xi32, #tpu.memory_space<hbm>> -> memref<1x128xi32, #tpu.memory_space<hbm>>
    %dma_start3A_190 = tpu.memref_squeeze %dma_start3A_189 : memref<1x128xi32, #tpu.memory_space<hbm>> -> memref<128xi32, #tpu.memory_space<hbm>>
    %dma_start3A_191 = arith.constant 2432 : i32
    %dma_start3A_192 = tpu.memref_slice %arg6[%dma_start3A_191] : memref<3328xi32, #tpu.memory_space<vmem>> -> memref<128xi32, #tpu.memory_space<vmem>>
    %dma_start3A_193 = tpu.memref_slice %arg3[%dma_start3A_186, %mul3A_2] : memref<26x4096xi32, #tpu.memory_space<hbm>> -> memref<1x128xi32, #tpu.memory_space<hbm>>
    %dma_start3A_194 = tpu.memref_squeeze %dma_start3A_193 : memref<1x128xi32, #tpu.memory_space<hbm>> -> memref<128xi32, #tpu.memory_space<hbm>>
    tpu.enqueue_dma source(%dma_start3A_194 : memref<128xi32, #tpu.memory_space<hbm>>) target(%dma_start3A_192 : memref<128xi32, #tpu.memory_space<vmem>>) target_semaphore(%arg13 : memref<!tpu.dma_semaphore, #tpu.memory_space<semaphore_mem>>)
    %dma_start3A_195 = arith.constant 20 : i32
    %dma_start3A_196 = arith.constant 2560 : i32
    %dma_start3A_197 = tpu.memref_slice %arg6[%dma_start3A_196] : memref<3328xi32, #tpu.memory_space<vmem>> -> memref<128xi32, #tpu.memory_space<vmem>>
    %dma_start3A_198 = tpu.memref_slice %arg3[%dma_start3A_195, %mul3A_2] : memref<26x4096xi32, #tpu.memory_space<hbm>> -> memref<1x128xi32, #tpu.memory_space<hbm>>
    %dma_start3A_199 = tpu.memref_squeeze %dma_start3A_198 : memref<1x128xi32, #tpu.memory_space<hbm>> -> memref<128xi32, #tpu.memory_space<hbm>>
    %dma_start3A_200 = arith.constant 2560 : i32
    %dma_start3A_201 = tpu.memref_slice %arg6[%dma_start3A_200] : memref<3328xi32, #tpu.memory_space<vmem>> -> memref<128xi32, #tpu.memory_space<vmem>>
    %dma_start3A_202 = tpu.memref_slice %arg3[%dma_start3A_195, %mul3A_2] : memref<26x4096xi32, #tpu.memory_space<hbm>> -> memref<1x128xi32, #tpu.memory_space<hbm>>
    %dma_start3A_203 = tpu.memref_squeeze %dma_start3A_202 : memref<1x128xi32, #tpu.memory_space<hbm>> -> memref<128xi32, #tpu.memory_space<hbm>>
    tpu.enqueue_dma source(%dma_start3A_203 : memref<128xi32, #tpu.memory_space<hbm>>) target(%dma_start3A_201 : memref<128xi32, #tpu.memory_space<vmem>>) target_semaphore(%arg13 : memref<!tpu.dma_semaphore, #tpu.memory_space<semaphore_mem>>)
    %dma_start3A_204 = arith.constant 21 : i32
    %dma_start3A_205 = arith.constant 2688 : i32
    %dma_start3A_206 = tpu.memref_slice %arg6[%dma_start3A_205] : memref<3328xi32, #tpu.memory_space<vmem>> -> memref<128xi32, #tpu.memory_space<vmem>>
    %dma_start3A_207 = tpu.memref_slice %arg3[%dma_start3A_204, %mul3A_2] : memref<26x4096xi32, #tpu.memory_space<hbm>> -> memref<1x128xi32, #tpu.memory_space<hbm>>
    %dma_start3A_208 = tpu.memref_squeeze %dma_start3A_207 : memref<1x128xi32, #tpu.memory_space<hbm>> -> memref<128xi32, #tpu.memory_space<hbm>>
    %dma_start3A_209 = arith.constant 2688 : i32
    %dma_start3A_210 = tpu.memref_slice %arg6[%dma_start3A_209] : memref<3328xi32, #tpu.memory_space<vmem>> -> memref<128xi32, #tpu.memory_space<vmem>>
    %dma_start3A_211 = tpu.memref_slice %arg3[%dma_start3A_204, %mul3A_2] : memref<26x4096xi32, #tpu.memory_space<hbm>> -> memref<1x128xi32, #tpu.memory_space<hbm>>
    %dma_start3A_212 = tpu.memref_squeeze %dma_start3A_211 : memref<1x128xi32, #tpu.memory_space<hbm>> -> memref<128xi32, #tpu.memory_space<hbm>>
    tpu.enqueue_dma source(%dma_start3A_212 : memref<128xi32, #tpu.memory_space<hbm>>) target(%dma_start3A_210 : memref<128xi32, #tpu.memory_space<vmem>>) target_semaphore(%arg13 : memref<!tpu.dma_semaphore, #tpu.memory_space<semaphore_mem>>)
    %dma_start3A_213 = arith.constant 22 : i32
    %dma_start3A_214 = arith.constant 2816 : i32
    %dma_start3A_215 = tpu.memref_slice %arg6[%dma_start3A_214] : memref<3328xi32, #tpu.memory_space<vmem>> -> memref<128xi32, #tpu.memory_space<vmem>>
    %dma_start3A_216 = tpu.memref_slice %arg3[%dma_start3A_213, %mul3A_2] : memref<26x4096xi32, #tpu.memory_space<hbm>> -> memref<1x128xi32, #tpu.memory_space<hbm>>
    %dma_start3A_217 = tpu.memref_squeeze %dma_start3A_216 : memref<1x128xi32, #tpu.memory_space<hbm>> -> memref<128xi32, #tpu.memory_space<hbm>>
    %dma_start3A_218 = arith.constant 2816 : i32
    %dma_start3A_219 = tpu.memref_slice %arg6[%dma_start3A_218] : memref<3328xi32, #tpu.memory_space<vmem>> -> memref<128xi32, #tpu.memory_space<vmem>>
    %dma_start3A_220 = tpu.memref_slice %arg3[%dma_start3A_213, %mul3A_2] : memref<26x4096xi32, #tpu.memory_space<hbm>> -> memref<1x128xi32, #tpu.memory_space<hbm>>
    %dma_start3A_221 = tpu.memref_squeeze %dma_start3A_220 : memref<1x128xi32, #tpu.memory_space<hbm>> -> memref<128xi32, #tpu.memory_space<hbm>>
    tpu.enqueue_dma source(%dma_start3A_221 : memref<128xi32, #tpu.memory_space<hbm>>) target(%dma_start3A_219 : memref<128xi32, #tpu.memory_space<vmem>>) target_semaphore(%arg13 : memref<!tpu.dma_semaphore, #tpu.memory_space<semaphore_mem>>)
    %dma_start3A_222 = arith.constant 23 : i32
    %dma_start3A_223 = arith.constant 2944 : i32
    %dma_start3A_224 = tpu.memref_slice %arg6[%dma_start3A_223] : memref<3328xi32, #tpu.memory_space<vmem>> -> memref<128xi32, #tpu.memory_space<vmem>>
    %dma_start3A_225 = tpu.memref_slice %arg3[%dma_start3A_222, %mul3A_2] : memref<26x4096xi32, #tpu.memory_space<hbm>> -> memref<1x128xi32, #tpu.memory_space<hbm>>
    %dma_start3A_226 = tpu.memref_squeeze %dma_start3A_225 : memref<1x128xi32, #tpu.memory_space<hbm>> -> memref<128xi32, #tpu.memory_space<hbm>>
    %dma_start3A_227 = arith.constant 2944 : i32
    %dma_start3A_228 = tpu.memref_slice %arg6[%dma_start3A_227] : memref<3328xi32, #tpu.memory_space<vmem>> -> memref<128xi32, #tpu.memory_space<vmem>>
    %dma_start3A_229 = tpu.memref_slice %arg3[%dma_start3A_222, %mul3A_2] : memref<26x4096xi32, #tpu.memory_space<hbm>> -> memref<1x128xi32, #tpu.memory_space<hbm>>
    %dma_start3A_230 = tpu.memref_squeeze %dma_start3A_229 : memref<1x128xi32, #tpu.memory_space<hbm>> -> memref<128xi32, #tpu.memory_space<hbm>>
    tpu.enqueue_dma source(%dma_start3A_230 : memref<128xi32, #tpu.memory_space<hbm>>) target(%dma_start3A_228 : memref<128xi32, #tpu.memory_space<vmem>>) target_semaphore(%arg13 : memref<!tpu.dma_semaphore, #tpu.memory_space<semaphore_mem>>)
    %dma_start3A_231 = arith.constant 24 : i32
    %dma_start3A_232 = arith.constant 3072 : i32
    %dma_start3A_233 = tpu.memref_slice %arg6[%dma_start3A_232] : memref<3328xi32, #tpu.memory_space<vmem>> -> memref<128xi32, #tpu.memory_space<vmem>>
    %dma_start3A_234 = tpu.memref_slice %arg3[%dma_start3A_231, %mul3A_2] : memref<26x4096xi32, #tpu.memory_space<hbm>> -> memref<1x128xi32, #tpu.memory_space<hbm>>
    %dma_start3A_235 = tpu.memref_squeeze %dma_start3A_234 : memref<1x128xi32, #tpu.memory_space<hbm>> -> memref<128xi32, #tpu.memory_space<hbm>>
    %dma_start3A_236 = arith.constant 3072 : i32
    %dma_start3A_237 = tpu.memref_slice %arg6[%dma_start3A_236] : memref<3328xi32, #tpu.memory_space<vmem>> -> memref<128xi32, #tpu.memory_space<vmem>>
    %dma_start3A_238 = tpu.memref_slice %arg3[%dma_start3A_231, %mul3A_2] : memref<26x4096xi32, #tpu.memory_space<hbm>> -> memref<1x128xi32, #tpu.memory_space<hbm>>
    %dma_start3A_239 = tpu.memref_squeeze %dma_start3A_238 : memref<1x128xi32, #tpu.memory_space<hbm>> -> memref<128xi32, #tpu.memory_space<hbm>>
    tpu.enqueue_dma source(%dma_start3A_239 : memref<128xi32, #tpu.memory_space<hbm>>) target(%dma_start3A_237 : memref<128xi32, #tpu.memory_space<vmem>>) target_semaphore(%arg13 : memref<!tpu.dma_semaphore, #tpu.memory_space<semaphore_mem>>)
    %dma_start3A_240 = arith.constant 25 : i32
    %dma_start3A_241 = arith.constant 3200 : i32
    %dma_start3A_242 = tpu.memref_slice %arg6[%dma_start3A_241] : memref<3328xi32, #tpu.memory_space<vmem>> -> memref<128xi32, #tpu.memory_space<vmem>>
    %dma_start3A_243 = tpu.memref_slice %arg3[%dma_start3A_240, %mul3A_2] : memref<26x4096xi32, #tpu.memory_space<hbm>> -> memref<1x128xi32, #tpu.memory_space<hbm>>
    %dma_start3A_244 = tpu.memref_squeeze %dma_start3A_243 : memref<1x128xi32, #tpu.memory_space<hbm>> -> memref<128xi32, #tpu.memory_space<hbm>>
    %dma_start3A_245 = arith.constant 3200 : i32
    %dma_start3A_246 = tpu.memref_slice %arg6[%dma_start3A_245] : memref<3328xi32, #tpu.memory_space<vmem>> -> memref<128xi32, #tpu.memory_space<vmem>>
    %dma_start3A_247 = tpu.memref_slice %arg3[%dma_start3A_240, %mul3A_2] : memref<26x4096xi32, #tpu.memory_space<hbm>> -> memref<1x128xi32, #tpu.memory_space<hbm>>
    %dma_start3A_248 = tpu.memref_squeeze %dma_start3A_247 : memref<1x128xi32, #tpu.memory_space<hbm>> -> memref<128xi32, #tpu.memory_space<hbm>>
    tpu.enqueue_dma source(%dma_start3A_248 : memref<128xi32, #tpu.memory_space<hbm>>) target(%dma_start3A_246 : memref<128xi32, #tpu.memory_space<vmem>>) target_semaphore(%arg13 : memref<!tpu.dma_semaphore, #tpu.memory_space<semaphore_mem>>)
    %dma_wait3A = arith.constant 0 : i32
    %dma_wait3A_249 = arith.constant 0 : i32
    %dma_wait3A_250 = tpu.memref_slice %arg6[%dma_wait3A_249] : memref<3328xi32, #tpu.memory_space<vmem>> -> memref<128xi32, #tpu.memory_space<vmem>>
    %dma_wait3A_251 = tpu.memref_slice %arg3[%dma_wait3A, %mul3A_2] : memref<26x4096xi32, #tpu.memory_space<hbm>> -> memref<1x128xi32, #tpu.memory_space<hbm>>
    %dma_wait3A_252 = tpu.memref_squeeze %dma_wait3A_251 : memref<1x128xi32, #tpu.memory_space<hbm>> -> memref<128xi32, #tpu.memory_space<hbm>>
    %dma_wait3A_253 = arith.constant 0 : i32
    %dma_wait3A_254 = tpu.memref_slice %arg6[%dma_wait3A_253] : memref<3328xi32, #tpu.memory_space<vmem>> -> memref<128xi32, #tpu.memory_space<vmem>>
    %dma_wait3A_255 = tpu.memref_slice %arg3[%dma_wait3A, %mul3A_2] : memref<26x4096xi32, #tpu.memory_space<hbm>> -> memref<1x128xi32, #tpu.memory_space<hbm>>
    %dma_wait3A_256 = tpu.memref_squeeze %dma_wait3A_255 : memref<1x128xi32, #tpu.memory_space<hbm>> -> memref<128xi32, #tpu.memory_space<hbm>>
    tpu.wait_dma2 semaphore(%arg13 : memref<!tpu.dma_semaphore, #tpu.memory_space<semaphore_mem>>) src(%dma_wait3A_256 : memref<128xi32, #tpu.memory_space<hbm>>) dst(%dma_wait3A_254 : memref<128xi32, #tpu.memory_space<vmem>>)
    %dma_wait3A_257 = arith.constant 1 : i32
    %dma_wait3A_258 = arith.constant 128 : i32
    %dma_wait3A_259 = tpu.memref_slice %arg6[%dma_wait3A_258] : memref<3328xi32, #tpu.memory_space<vmem>> -> memref<128xi32, #tpu.memory_space<vmem>>
    %dma_wait3A_260 = tpu.memref_slice %arg3[%dma_wait3A_257, %mul3A_2] : memref<26x4096xi32, #tpu.memory_space<hbm>> -> memref<1x128xi32, #tpu.memory_space<hbm>>
    %dma_wait3A_261 = tpu.memref_squeeze %dma_wait3A_260 : memref<1x128xi32, #tpu.memory_space<hbm>> -> memref<128xi32, #tpu.memory_space<hbm>>
    %dma_wait3A_262 = arith.constant 128 : i32
    %dma_wait3A_263 = tpu.memref_slice %arg6[%dma_wait3A_262] : memref<3328xi32, #tpu.memory_space<vmem>> -> memref<128xi32, #tpu.memory_space<vmem>>
    %dma_wait3A_264 = tpu.memref_slice %arg3[%dma_wait3A_257, %mul3A_2] : memref<26x4096xi32, #tpu.memory_space<hbm>> -> memref<1x128xi32, #tpu.memory_space<hbm>>
    %dma_wait3A_265 = tpu.memref_squeeze %dma_wait3A_264 : memref<1x128xi32, #tpu.memory_space<hbm>> -> memref<128xi32, #tpu.memory_space<hbm>>
    tpu.wait_dma2 semaphore(%arg13 : memref<!tpu.dma_semaphore, #tpu.memory_space<semaphore_mem>>) src(%dma_wait3A_265 : memref<128xi32, #tpu.memory_space<hbm>>) dst(%dma_wait3A_263 : memref<128xi32, #tpu.memory_space<vmem>>)
    %dma_wait3A_266 = arith.constant 2 : i32
    %dma_wait3A_267 = arith.constant 256 : i32
    %dma_wait3A_268 = tpu.memref_slice %arg6[%dma_wait3A_267] : memref<3328xi32, #tpu.memory_space<vmem>> -> memref<128xi32, #tpu.memory_space<vmem>>
    %dma_wait3A_269 = tpu.memref_slice %arg3[%dma_wait3A_266, %mul3A_2] : memref<26x4096xi32, #tpu.memory_space<hbm>> -> memref<1x128xi32, #tpu.memory_space<hbm>>
    %dma_wait3A_270 = tpu.memref_squeeze %dma_wait3A_269 : memref<1x128xi32, #tpu.memory_space<hbm>> -> memref<128xi32, #tpu.memory_space<hbm>>
    %dma_wait3A_271 = arith.constant 256 : i32
    %dma_wait3A_272 = tpu.memref_slice %arg6[%dma_wait3A_271] : memref<3328xi32, #tpu.memory_space<vmem>> -> memref<128xi32, #tpu.memory_space<vmem>>
    %dma_wait3A_273 = tpu.memref_slice %arg3[%dma_wait3A_266, %mul3A_2] : memref<26x4096xi32, #tpu.memory_space<hbm>> -> memref<1x128xi32, #tpu.memory_space<hbm>>
    %dma_wait3A_274 = tpu.memref_squeeze %dma_wait3A_273 : memref<1x128xi32, #tpu.memory_space<hbm>> -> memref<128xi32, #tpu.memory_space<hbm>>
    tpu.wait_dma2 semaphore(%arg13 : memref<!tpu.dma_semaphore, #tpu.memory_space<semaphore_mem>>) src(%dma_wait3A_274 : memref<128xi32, #tpu.memory_space<hbm>>) dst(%dma_wait3A_272 : memref<128xi32, #tpu.memory_space<vmem>>)
    %dma_wait3A_275 = arith.constant 3 : i32
    %dma_wait3A_276 = arith.constant 384 : i32
    %dma_wait3A_277 = tpu.memref_slice %arg6[%dma_wait3A_276] : memref<3328xi32, #tpu.memory_space<vmem>> -> memref<128xi32, #tpu.memory_space<vmem>>
    %dma_wait3A_278 = tpu.memref_slice %arg3[%dma_wait3A_275, %mul3A_2] : memref<26x4096xi32, #tpu.memory_space<hbm>> -> memref<1x128xi32, #tpu.memory_space<hbm>>
    %dma_wait3A_279 = tpu.memref_squeeze %dma_wait3A_278 : memref<1x128xi32, #tpu.memory_space<hbm>> -> memref<128xi32, #tpu.memory_space<hbm>>
    %dma_wait3A_280 = arith.constant 384 : i32
    %dma_wait3A_281 = tpu.memref_slice %arg6[%dma_wait3A_280] : memref<3328xi32, #tpu.memory_space<vmem>> -> memref<128xi32, #tpu.memory_space<vmem>>
    %dma_wait3A_282 = tpu.memref_slice %arg3[%dma_wait3A_275, %mul3A_2] : memref<26x4096xi32, #tpu.memory_space<hbm>> -> memref<1x128xi32, #tpu.memory_space<hbm>>
    %dma_wait3A_283 = tpu.memref_squeeze %dma_wait3A_282 : memref<1x128xi32, #tpu.memory_space<hbm>> -> memref<128xi32, #tpu.memory_space<hbm>>
    tpu.wait_dma2 semaphore(%arg13 : memref<!tpu.dma_semaphore, #tpu.memory_space<semaphore_mem>>) src(%dma_wait3A_283 : memref<128xi32, #tpu.memory_space<hbm>>) dst(%dma_wait3A_281 : memref<128xi32, #tpu.memory_space<vmem>>)
    %dma_wait3A_284 = arith.constant 4 : i32
    %dma_wait3A_285 = arith.constant 512 : i32
    %dma_wait3A_286 = tpu.memref_slice %arg6[%dma_wait3A_285] : memref<3328xi32, #tpu.memory_space<vmem>> -> memref<128xi32, #tpu.memory_space<vmem>>
    %dma_wait3A_287 = tpu.memref_slice %arg3[%dma_wait3A_284, %mul3A_2] : memref<26x4096xi32, #tpu.memory_space<hbm>> -> memref<1x128xi32, #tpu.memory_space<hbm>>
    %dma_wait3A_288 = tpu.memref_squeeze %dma_wait3A_287 : memref<1x128xi32, #tpu.memory_space<hbm>> -> memref<128xi32, #tpu.memory_space<hbm>>
    %dma_wait3A_289 = arith.constant 512 : i32
    %dma_wait3A_290 = tpu.memref_slice %arg6[%dma_wait3A_289] : memref<3328xi32, #tpu.memory_space<vmem>> -> memref<128xi32, #tpu.memory_space<vmem>>
    %dma_wait3A_291 = tpu.memref_slice %arg3[%dma_wait3A_284, %mul3A_2] : memref<26x4096xi32, #tpu.memory_space<hbm>> -> memref<1x128xi32, #tpu.memory_space<hbm>>
    %dma_wait3A_292 = tpu.memref_squeeze %dma_wait3A_291 : memref<1x128xi32, #tpu.memory_space<hbm>> -> memref<128xi32, #tpu.memory_space<hbm>>
    tpu.wait_dma2 semaphore(%arg13 : memref<!tpu.dma_semaphore, #tpu.memory_space<semaphore_mem>>) src(%dma_wait3A_292 : memref<128xi32, #tpu.memory_space<hbm>>) dst(%dma_wait3A_290 : memref<128xi32, #tpu.memory_space<vmem>>)
    %dma_wait3A_293 = arith.constant 5 : i32
    %dma_wait3A_294 = arith.constant 640 : i32
    %dma_wait3A_295 = tpu.memref_slice %arg6[%dma_wait3A_294] : memref<3328xi32, #tpu.memory_space<vmem>> -> memref<128xi32, #tpu.memory_space<vmem>>
    %dma_wait3A_296 = tpu.memref_slice %arg3[%dma_wait3A_293, %mul3A_2] : memref<26x4096xi32, #tpu.memory_space<hbm>> -> memref<1x128xi32, #tpu.memory_space<hbm>>
    %dma_wait3A_297 = tpu.memref_squeeze %dma_wait3A_296 : memref<1x128xi32, #tpu.memory_space<hbm>> -> memref<128xi32, #tpu.memory_space<hbm>>
    %dma_wait3A_298 = arith.constant 640 : i32
    %dma_wait3A_299 = tpu.memref_slice %arg6[%dma_wait3A_298] : memref<3328xi32, #tpu.memory_space<vmem>> -> memref<128xi32, #tpu.memory_space<vmem>>
    %dma_wait3A_300 = tpu.memref_slice %arg3[%dma_wait3A_293, %mul3A_2] : memref<26x4096xi32, #tpu.memory_space<hbm>> -> memref<1x128xi32, #tpu.memory_space<hbm>>
    %dma_wait3A_301 = tpu.memref_squeeze %dma_wait3A_300 : memref<1x128xi32, #tpu.memory_space<hbm>> -> memref<128xi32, #tpu.memory_space<hbm>>
    tpu.wait_dma2 semaphore(%arg13 : memref<!tpu.dma_semaphore, #tpu.memory_space<semaphore_mem>>) src(%dma_wait3A_301 : memref<128xi32, #tpu.memory_space<hbm>>) dst(%dma_wait3A_299 : memref<128xi32, #tpu.memory_space<vmem>>)
    %dma_wait3A_302 = arith.constant 6 : i32
    %dma_wait3A_303 = arith.constant 768 : i32
    %dma_wait3A_304 = tpu.memref_slice %arg6[%dma_wait3A_303] : memref<3328xi32, #tpu.memory_space<vmem>> -> memref<128xi32, #tpu.memory_space<vmem>>
    %dma_wait3A_305 = tpu.memref_slice %arg3[%dma_wait3A_302, %mul3A_2] : memref<26x4096xi32, #tpu.memory_space<hbm>> -> memref<1x128xi32, #tpu.memory_space<hbm>>
    %dma_wait3A_306 = tpu.memref_squeeze %dma_wait3A_305 : memref<1x128xi32, #tpu.memory_space<hbm>> -> memref<128xi32, #tpu.memory_space<hbm>>
    %dma_wait3A_307 = arith.constant 768 : i32
    %dma_wait3A_308 = tpu.memref_slice %arg6[%dma_wait3A_307] : memref<3328xi32, #tpu.memory_space<vmem>> -> memref<128xi32, #tpu.memory_space<vmem>>
    %dma_wait3A_309 = tpu.memref_slice %arg3[%dma_wait3A_302, %mul3A_2] : memref<26x4096xi32, #tpu.memory_space<hbm>> -> memref<1x128xi32, #tpu.memory_space<hbm>>
    %dma_wait3A_310 = tpu.memref_squeeze %dma_wait3A_309 : memref<1x128xi32, #tpu.memory_space<hbm>> -> memref<128xi32, #tpu.memory_space<hbm>>
    tpu.wait_dma2 semaphore(%arg13 : memref<!tpu.dma_semaphore, #tpu.memory_space<semaphore_mem>>) src(%dma_wait3A_310 : memref<128xi32, #tpu.memory_space<hbm>>) dst(%dma_wait3A_308 : memref<128xi32, #tpu.memory_space<vmem>>)
    %dma_wait3A_311 = arith.constant 7 : i32
    %dma_wait3A_312 = arith.constant 896 : i32
    %dma_wait3A_313 = tpu.memref_slice %arg6[%dma_wait3A_312] : memref<3328xi32, #tpu.memory_space<vmem>> -> memref<128xi32, #tpu.memory_space<vmem>>
    %dma_wait3A_314 = tpu.memref_slice %arg3[%dma_wait3A_311, %mul3A_2] : memref<26x4096xi32, #tpu.memory_space<hbm>> -> memref<1x128xi32, #tpu.memory_space<hbm>>
    %dma_wait3A_315 = tpu.memref_squeeze %dma_wait3A_314 : memref<1x128xi32, #tpu.memory_space<hbm>> -> memref<128xi32, #tpu.memory_space<hbm>>
    %dma_wait3A_316 = arith.constant 896 : i32
    %dma_wait3A_317 = tpu.memref_slice %arg6[%dma_wait3A_316] : memref<3328xi32, #tpu.memory_space<vmem>> -> memref<128xi32, #tpu.memory_space<vmem>>
    %dma_wait3A_318 = tpu.memref_slice %arg3[%dma_wait3A_311, %mul3A_2] : memref<26x4096xi32, #tpu.memory_space<hbm>> -> memref<1x128xi32, #tpu.memory_space<hbm>>
    %dma_wait3A_319 = tpu.memref_squeeze %dma_wait3A_318 : memref<1x128xi32, #tpu.memory_space<hbm>> -> memref<128xi32, #tpu.memory_space<hbm>>
    tpu.wait_dma2 semaphore(%arg13 : memref<!tpu.dma_semaphore, #tpu.memory_space<semaphore_mem>>) src(%dma_wait3A_319 : memref<128xi32, #tpu.memory_space<hbm>>) dst(%dma_wait3A_317 : memref<128xi32, #tpu.memory_space<vmem>>)
    %dma_wait3A_320 = arith.constant 8 : i32
    %dma_wait3A_321 = arith.constant 1024 : i32
    %dma_wait3A_322 = tpu.memref_slice %arg6[%dma_wait3A_321] : memref<3328xi32, #tpu.memory_space<vmem>> -> memref<128xi32, #tpu.memory_space<vmem>>
    %dma_wait3A_323 = tpu.memref_slice %arg3[%dma_wait3A_320, %mul3A_2] : memref<26x4096xi32, #tpu.memory_space<hbm>> -> memref<1x128xi32, #tpu.memory_space<hbm>>
    %dma_wait3A_324 = tpu.memref_squeeze %dma_wait3A_323 : memref<1x128xi32, #tpu.memory_space<hbm>> -> memref<128xi32, #tpu.memory_space<hbm>>
    %dma_wait3A_325 = arith.constant 1024 : i32
    %dma_wait3A_326 = tpu.memref_slice %arg6[%dma_wait3A_325] : memref<3328xi32, #tpu.memory_space<vmem>> -> memref<128xi32, #tpu.memory_space<vmem>>
    %dma_wait3A_327 = tpu.memref_slice %arg3[%dma_wait3A_320, %mul3A_2] : memref<26x4096xi32, #tpu.memory_space<hbm>> -> memref<1x128xi32, #tpu.memory_space<hbm>>
    %dma_wait3A_328 = tpu.memref_squeeze %dma_wait3A_327 : memref<1x128xi32, #tpu.memory_space<hbm>> -> memref<128xi32, #tpu.memory_space<hbm>>
    tpu.wait_dma2 semaphore(%arg13 : memref<!tpu.dma_semaphore, #tpu.memory_space<semaphore_mem>>) src(%dma_wait3A_328 : memref<128xi32, #tpu.memory_space<hbm>>) dst(%dma_wait3A_326 : memref<128xi32, #tpu.memory_space<vmem>>)
    %dma_wait3A_329 = arith.constant 9 : i32
    %dma_wait3A_330 = arith.constant 1152 : i32
    %dma_wait3A_331 = tpu.memref_slice %arg6[%dma_wait3A_330] : memref<3328xi32, #tpu.memory_space<vmem>> -> memref<128xi32, #tpu.memory_space<vmem>>
    %dma_wait3A_332 = tpu.memref_slice %arg3[%dma_wait3A_329, %mul3A_2] : memref<26x4096xi32, #tpu.memory_space<hbm>> -> memref<1x128xi32, #tpu.memory_space<hbm>>
    %dma_wait3A_333 = tpu.memref_squeeze %dma_wait3A_332 : memref<1x128xi32, #tpu.memory_space<hbm>> -> memref<128xi32, #tpu.memory_space<hbm>>
    %dma_wait3A_334 = arith.constant 1152 : i32
    %dma_wait3A_335 = tpu.memref_slice %arg6[%dma_wait3A_334] : memref<3328xi32, #tpu.memory_space<vmem>> -> memref<128xi32, #tpu.memory_space<vmem>>
    %dma_wait3A_336 = tpu.memref_slice %arg3[%dma_wait3A_329, %mul3A_2] : memref<26x4096xi32, #tpu.memory_space<hbm>> -> memref<1x128xi32, #tpu.memory_space<hbm>>
    %dma_wait3A_337 = tpu.memref_squeeze %dma_wait3A_336 : memref<1x128xi32, #tpu.memory_space<hbm>> -> memref<128xi32, #tpu.memory_space<hbm>>
    tpu.wait_dma2 semaphore(%arg13 : memref<!tpu.dma_semaphore, #tpu.memory_space<semaphore_mem>>) src(%dma_wait3A_337 : memref<128xi32, #tpu.memory_space<hbm>>) dst(%dma_wait3A_335 : memref<128xi32, #tpu.memory_space<vmem>>)
    %dma_wait3A_338 = arith.constant 10 : i32
    %dma_wait3A_339 = arith.constant 1280 : i32
    %dma_wait3A_340 = tpu.memref_slice %arg6[%dma_wait3A_339] : memref<3328xi32, #tpu.memory_space<vmem>> -> memref<128xi32, #tpu.memory_space<vmem>>
    %dma_wait3A_341 = tpu.memref_slice %arg3[%dma_wait3A_338, %mul3A_2] : memref<26x4096xi32, #tpu.memory_space<hbm>> -> memref<1x128xi32, #tpu.memory_space<hbm>>
    %dma_wait3A_342 = tpu.memref_squeeze %dma_wait3A_341 : memref<1x128xi32, #tpu.memory_space<hbm>> -> memref<128xi32, #tpu.memory_space<hbm>>
    %dma_wait3A_343 = arith.constant 1280 : i32
    %dma_wait3A_344 = tpu.memref_slice %arg6[%dma_wait3A_343] : memref<3328xi32, #tpu.memory_space<vmem>> -> memref<128xi32, #tpu.memory_space<vmem>>
    %dma_wait3A_345 = tpu.memref_slice %arg3[%dma_wait3A_338, %mul3A_2] : memref<26x4096xi32, #tpu.memory_space<hbm>> -> memref<1x128xi32, #tpu.memory_space<hbm>>
    %dma_wait3A_346 = tpu.memref_squeeze %dma_wait3A_345 : memref<1x128xi32, #tpu.memory_space<hbm>> -> memref<128xi32, #tpu.memory_space<hbm>>
    tpu.wait_dma2 semaphore(%arg13 : memref<!tpu.dma_semaphore, #tpu.memory_space<semaphore_mem>>) src(%dma_wait3A_346 : memref<128xi32, #tpu.memory_space<hbm>>) dst(%dma_wait3A_344 : memref<128xi32, #tpu.memory_space<vmem>>)
    %dma_wait3A_347 = arith.constant 11 : i32
    %dma_wait3A_348 = arith.constant 1408 : i32
    %dma_wait3A_349 = tpu.memref_slice %arg6[%dma_wait3A_348] : memref<3328xi32, #tpu.memory_space<vmem>> -> memref<128xi32, #tpu.memory_space<vmem>>
    %dma_wait3A_350 = tpu.memref_slice %arg3[%dma_wait3A_347, %mul3A_2] : memref<26x4096xi32, #tpu.memory_space<hbm>> -> memref<1x128xi32, #tpu.memory_space<hbm>>
    %dma_wait3A_351 = tpu.memref_squeeze %dma_wait3A_350 : memref<1x128xi32, #tpu.memory_space<hbm>> -> memref<128xi32, #tpu.memory_space<hbm>>
    %dma_wait3A_352 = arith.constant 1408 : i32
    %dma_wait3A_353 = tpu.memref_slice %arg6[%dma_wait3A_352] : memref<3328xi32, #tpu.memory_space<vmem>> -> memref<128xi32, #tpu.memory_space<vmem>>
    %dma_wait3A_354 = tpu.memref_slice %arg3[%dma_wait3A_347, %mul3A_2] : memref<26x4096xi32, #tpu.memory_space<hbm>> -> memref<1x128xi32, #tpu.memory_space<hbm>>
    %dma_wait3A_355 = tpu.memref_squeeze %dma_wait3A_354 : memref<1x128xi32, #tpu.memory_space<hbm>> -> memref<128xi32, #tpu.memory_space<hbm>>
    tpu.wait_dma2 semaphore(%arg13 : memref<!tpu.dma_semaphore, #tpu.memory_space<semaphore_mem>>) src(%dma_wait3A_355 : memref<128xi32, #tpu.memory_space<hbm>>) dst(%dma_wait3A_353 : memref<128xi32, #tpu.memory_space<vmem>>)
    %dma_wait3A_356 = arith.constant 12 : i32
    %dma_wait3A_357 = arith.constant 1536 : i32
    %dma_wait3A_358 = tpu.memref_slice %arg6[%dma_wait3A_357] : memref<3328xi32, #tpu.memory_space<vmem>> -> memref<128xi32, #tpu.memory_space<vmem>>
    %dma_wait3A_359 = tpu.memref_slice %arg3[%dma_wait3A_356, %mul3A_2] : memref<26x4096xi32, #tpu.memory_space<hbm>> -> memref<1x128xi32, #tpu.memory_space<hbm>>
    %dma_wait3A_360 = tpu.memref_squeeze %dma_wait3A_359 : memref<1x128xi32, #tpu.memory_space<hbm>> -> memref<128xi32, #tpu.memory_space<hbm>>
    %dma_wait3A_361 = arith.constant 1536 : i32
    %dma_wait3A_362 = tpu.memref_slice %arg6[%dma_wait3A_361] : memref<3328xi32, #tpu.memory_space<vmem>> -> memref<128xi32, #tpu.memory_space<vmem>>
    %dma_wait3A_363 = tpu.memref_slice %arg3[%dma_wait3A_356, %mul3A_2] : memref<26x4096xi32, #tpu.memory_space<hbm>> -> memref<1x128xi32, #tpu.memory_space<hbm>>
    %dma_wait3A_364 = tpu.memref_squeeze %dma_wait3A_363 : memref<1x128xi32, #tpu.memory_space<hbm>> -> memref<128xi32, #tpu.memory_space<hbm>>
    tpu.wait_dma2 semaphore(%arg13 : memref<!tpu.dma_semaphore, #tpu.memory_space<semaphore_mem>>) src(%dma_wait3A_364 : memref<128xi32, #tpu.memory_space<hbm>>) dst(%dma_wait3A_362 : memref<128xi32, #tpu.memory_space<vmem>>)
    %dma_wait3A_365 = arith.constant 13 : i32
    %dma_wait3A_366 = arith.constant 1664 : i32
    %dma_wait3A_367 = tpu.memref_slice %arg6[%dma_wait3A_366] : memref<3328xi32, #tpu.memory_space<vmem>> -> memref<128xi32, #tpu.memory_space<vmem>>
    %dma_wait3A_368 = tpu.memref_slice %arg3[%dma_wait3A_365, %mul3A_2] : memref<26x4096xi32, #tpu.memory_space<hbm>> -> memref<1x128xi32, #tpu.memory_space<hbm>>
    %dma_wait3A_369 = tpu.memref_squeeze %dma_wait3A_368 : memref<1x128xi32, #tpu.memory_space<hbm>> -> memref<128xi32, #tpu.memory_space<hbm>>
    %dma_wait3A_370 = arith.constant 1664 : i32
    %dma_wait3A_371 = tpu.memref_slice %arg6[%dma_wait3A_370] : memref<3328xi32, #tpu.memory_space<vmem>> -> memref<128xi32, #tpu.memory_space<vmem>>
    %dma_wait3A_372 = tpu.memref_slice %arg3[%dma_wait3A_365, %mul3A_2] : memref<26x4096xi32, #tpu.memory_space<hbm>> -> memref<1x128xi32, #tpu.memory_space<hbm>>
    %dma_wait3A_373 = tpu.memref_squeeze %dma_wait3A_372 : memref<1x128xi32, #tpu.memory_space<hbm>> -> memref<128xi32, #tpu.memory_space<hbm>>
    tpu.wait_dma2 semaphore(%arg13 : memref<!tpu.dma_semaphore, #tpu.memory_space<semaphore_mem>>) src(%dma_wait3A_373 : memref<128xi32, #tpu.memory_space<hbm>>) dst(%dma_wait3A_371 : memref<128xi32, #tpu.memory_space<vmem>>)
    %dma_wait3A_374 = arith.constant 14 : i32
    %dma_wait3A_375 = arith.constant 1792 : i32
    %dma_wait3A_376 = tpu.memref_slice %arg6[%dma_wait3A_375] : memref<3328xi32, #tpu.memory_space<vmem>> -> memref<128xi32, #tpu.memory_space<vmem>>
    %dma_wait3A_377 = tpu.memref_slice %arg3[%dma_wait3A_374, %mul3A_2] : memref<26x4096xi32, #tpu.memory_space<hbm>> -> memref<1x128xi32, #tpu.memory_space<hbm>>
    %dma_wait3A_378 = tpu.memref_squeeze %dma_wait3A_377 : memref<1x128xi32, #tpu.memory_space<hbm>> -> memref<128xi32, #tpu.memory_space<hbm>>
    %dma_wait3A_379 = arith.constant 1792 : i32
    %dma_wait3A_380 = tpu.memref_slice %arg6[%dma_wait3A_379] : memref<3328xi32, #tpu.memory_space<vmem>> -> memref<128xi32, #tpu.memory_space<vmem>>
    %dma_wait3A_381 = tpu.memref_slice %arg3[%dma_wait3A_374, %mul3A_2] : memref<26x4096xi32, #tpu.memory_space<hbm>> -> memref<1x128xi32, #tpu.memory_space<hbm>>
    %dma_wait3A_382 = tpu.memref_squeeze %dma_wait3A_381 : memref<1x128xi32, #tpu.memory_space<hbm>> -> memref<128xi32, #tpu.memory_space<hbm>>
    tpu.wait_dma2 semaphore(%arg13 : memref<!tpu.dma_semaphore, #tpu.memory_space<semaphore_mem>>) src(%dma_wait3A_382 : memref<128xi32, #tpu.memory_space<hbm>>) dst(%dma_wait3A_380 : memref<128xi32, #tpu.memory_space<vmem>>)
    %dma_wait3A_383 = arith.constant 15 : i32
    %dma_wait3A_384 = arith.constant 1920 : i32
    %dma_wait3A_385 = tpu.memref_slice %arg6[%dma_wait3A_384] : memref<3328xi32, #tpu.memory_space<vmem>> -> memref<128xi32, #tpu.memory_space<vmem>>
    %dma_wait3A_386 = tpu.memref_slice %arg3[%dma_wait3A_383, %mul3A_2] : memref<26x4096xi32, #tpu.memory_space<hbm>> -> memref<1x128xi32, #tpu.memory_space<hbm>>
    %dma_wait3A_387 = tpu.memref_squeeze %dma_wait3A_386 : memref<1x128xi32, #tpu.memory_space<hbm>> -> memref<128xi32, #tpu.memory_space<hbm>>
    %dma_wait3A_388 = arith.constant 1920 : i32
    %dma_wait3A_389 = tpu.memref_slice %arg6[%dma_wait3A_388] : memref<3328xi32, #tpu.memory_space<vmem>> -> memref<128xi32, #tpu.memory_space<vmem>>
    %dma_wait3A_390 = tpu.memref_slice %arg3[%dma_wait3A_383, %mul3A_2] : memref<26x4096xi32, #tpu.memory_space<hbm>> -> memref<1x128xi32, #tpu.memory_space<hbm>>
    %dma_wait3A_391 = tpu.memref_squeeze %dma_wait3A_390 : memref<1x128xi32, #tpu.memory_space<hbm>> -> memref<128xi32, #tpu.memory_space<hbm>>
    tpu.wait_dma2 semaphore(%arg13 : memref<!tpu.dma_semaphore, #tpu.memory_space<semaphore_mem>>) src(%dma_wait3A_391 : memref<128xi32, #tpu.memory_space<hbm>>) dst(%dma_wait3A_389 : memref<128xi32, #tpu.memory_space<vmem>>)
    %dma_wait3A_392 = arith.constant 16 : i32
    %dma_wait3A_393 = arith.constant 2048 : i32
    %dma_wait3A_394 = tpu.memref_slice %arg6[%dma_wait3A_393] : memref<3328xi32, #tpu.memory_space<vmem>> -> memref<128xi32, #tpu.memory_space<vmem>>
    %dma_wait3A_395 = tpu.memref_slice %arg3[%dma_wait3A_392, %mul3A_2] : memref<26x4096xi32, #tpu.memory_space<hbm>> -> memref<1x128xi32, #tpu.memory_space<hbm>>
    %dma_wait3A_396 = tpu.memref_squeeze %dma_wait3A_395 : memref<1x128xi32, #tpu.memory_space<hbm>> -> memref<128xi32, #tpu.memory_space<hbm>>
    %dma_wait3A_397 = arith.constant 2048 : i32
    %dma_wait3A_398 = tpu.memref_slice %arg6[%dma_wait3A_397] : memref<3328xi32, #tpu.memory_space<vmem>> -> memref<128xi32, #tpu.memory_space<vmem>>
    %dma_wait3A_399 = tpu.memref_slice %arg3[%dma_wait3A_392, %mul3A_2] : memref<26x4096xi32, #tpu.memory_space<hbm>> -> memref<1x128xi32, #tpu.memory_space<hbm>>
    %dma_wait3A_400 = tpu.memref_squeeze %dma_wait3A_399 : memref<1x128xi32, #tpu.memory_space<hbm>> -> memref<128xi32, #tpu.memory_space<hbm>>
    tpu.wait_dma2 semaphore(%arg13 : memref<!tpu.dma_semaphore, #tpu.memory_space<semaphore_mem>>) src(%dma_wait3A_400 : memref<128xi32, #tpu.memory_space<hbm>>) dst(%dma_wait3A_398 : memref<128xi32, #tpu.memory_space<vmem>>)
    %dma_wait3A_401 = arith.constant 17 : i32
    %dma_wait3A_402 = arith.constant 2176 : i32
    %dma_wait3A_403 = tpu.memref_slice %arg6[%dma_wait3A_402] : memref<3328xi32, #tpu.memory_space<vmem>> -> memref<128xi32, #tpu.memory_space<vmem>>
    %dma_wait3A_404 = tpu.memref_slice %arg3[%dma_wait3A_401, %mul3A_2] : memref<26x4096xi32, #tpu.memory_space<hbm>> -> memref<1x128xi32, #tpu.memory_space<hbm>>
    %dma_wait3A_405 = tpu.memref_squeeze %dma_wait3A_404 : memref<1x128xi32, #tpu.memory_space<hbm>> -> memref<128xi32, #tpu.memory_space<hbm>>
    %dma_wait3A_406 = arith.constant 2176 : i32
    %dma_wait3A_407 = tpu.memref_slice %arg6[%dma_wait3A_406] : memref<3328xi32, #tpu.memory_space<vmem>> -> memref<128xi32, #tpu.memory_space<vmem>>
    %dma_wait3A_408 = tpu.memref_slice %arg3[%dma_wait3A_401, %mul3A_2] : memref<26x4096xi32, #tpu.memory_space<hbm>> -> memref<1x128xi32, #tpu.memory_space<hbm>>
    %dma_wait3A_409 = tpu.memref_squeeze %dma_wait3A_408 : memref<1x128xi32, #tpu.memory_space<hbm>> -> memref<128xi32, #tpu.memory_space<hbm>>
    tpu.wait_dma2 semaphore(%arg13 : memref<!tpu.dma_semaphore, #tpu.memory_space<semaphore_mem>>) src(%dma_wait3A_409 : memref<128xi32, #tpu.memory_space<hbm>>) dst(%dma_wait3A_407 : memref<128xi32, #tpu.memory_space<vmem>>)
    %dma_wait3A_410 = arith.constant 18 : i32
    %dma_wait3A_411 = arith.constant 2304 : i32
    %dma_wait3A_412 = tpu.memref_slice %arg6[%dma_wait3A_411] : memref<3328xi32, #tpu.memory_space<vmem>> -> memref<128xi32, #tpu.memory_space<vmem>>
    %dma_wait3A_413 = tpu.memref_slice %arg3[%dma_wait3A_410, %mul3A_2] : memref<26x4096xi32, #tpu.memory_space<hbm>> -> memref<1x128xi32, #tpu.memory_space<hbm>>
    %dma_wait3A_414 = tpu.memref_squeeze %dma_wait3A_413 : memref<1x128xi32, #tpu.memory_space<hbm>> -> memref<128xi32, #tpu.memory_space<hbm>>
    %dma_wait3A_415 = arith.constant 2304 : i32
    %dma_wait3A_416 = tpu.memref_slice %arg6[%dma_wait3A_415] : memref<3328xi32, #tpu.memory_space<vmem>> -> memref<128xi32, #tpu.memory_space<vmem>>
    %dma_wait3A_417 = tpu.memref_slice %arg3[%dma_wait3A_410, %mul3A_2] : memref<26x4096xi32, #tpu.memory_space<hbm>> -> memref<1x128xi32, #tpu.memory_space<hbm>>
    %dma_wait3A_418 = tpu.memref_squeeze %dma_wait3A_417 : memref<1x128xi32, #tpu.memory_space<hbm>> -> memref<128xi32, #tpu.memory_space<hbm>>
    tpu.wait_dma2 semaphore(%arg13 : memref<!tpu.dma_semaphore, #tpu.memory_space<semaphore_mem>>) src(%dma_wait3A_418 : memref<128xi32, #tpu.memory_space<hbm>>) dst(%dma_wait3A_416 : memref<128xi32, #tpu.memory_space<vmem>>)
    %dma_wait3A_419 = arith.constant 19 : i32
    %dma_wait3A_420 = arith.constant 2432 : i32
    %dma_wait3A_421 = tpu.memref_slice %arg6[%dma_wait3A_420] : memref<3328xi32, #tpu.memory_space<vmem>> -> memref<128xi32, #tpu.memory_space<vmem>>
    %dma_wait3A_422 = tpu.memref_slice %arg3[%dma_wait3A_419, %mul3A_2] : memref<26x4096xi32, #tpu.memory_space<hbm>> -> memref<1x128xi32, #tpu.memory_space<hbm>>
    %dma_wait3A_423 = tpu.memref_squeeze %dma_wait3A_422 : memref<1x128xi32, #tpu.memory_space<hbm>> -> memref<128xi32, #tpu.memory_space<hbm>>
    %dma_wait3A_424 = arith.constant 2432 : i32
    %dma_wait3A_425 = tpu.memref_slice %arg6[%dma_wait3A_424] : memref<3328xi32, #tpu.memory_space<vmem>> -> memref<128xi32, #tpu.memory_space<vmem>>
    %dma_wait3A_426 = tpu.memref_slice %arg3[%dma_wait3A_419, %mul3A_2] : memref<26x4096xi32, #tpu.memory_space<hbm>> -> memref<1x128xi32, #tpu.memory_space<hbm>>
    %dma_wait3A_427 = tpu.memref_squeeze %dma_wait3A_426 : memref<1x128xi32, #tpu.memory_space<hbm>> -> memref<128xi32, #tpu.memory_space<hbm>>
    tpu.wait_dma2 semaphore(%arg13 : memref<!tpu.dma_semaphore, #tpu.memory_space<semaphore_mem>>) src(%dma_wait3A_427 : memref<128xi32, #tpu.memory_space<hbm>>) dst(%dma_wait3A_425 : memref<128xi32, #tpu.memory_space<vmem>>)
    %dma_wait3A_428 = arith.constant 20 : i32
    %dma_wait3A_429 = arith.constant 2560 : i32
    %dma_wait3A_430 = tpu.memref_slice %arg6[%dma_wait3A_429] : memref<3328xi32, #tpu.memory_space<vmem>> -> memref<128xi32, #tpu.memory_space<vmem>>
    %dma_wait3A_431 = tpu.memref_slice %arg3[%dma_wait3A_428, %mul3A_2] : memref<26x4096xi32, #tpu.memory_space<hbm>> -> memref<1x128xi32, #tpu.memory_space<hbm>>
    %dma_wait3A_432 = tpu.memref_squeeze %dma_wait3A_431 : memref<1x128xi32, #tpu.memory_space<hbm>> -> memref<128xi32, #tpu.memory_space<hbm>>
    %dma_wait3A_433 = arith.constant 2560 : i32
    %dma_wait3A_434 = tpu.memref_slice %arg6[%dma_wait3A_433] : memref<3328xi32, #tpu.memory_space<vmem>> -> memref<128xi32, #tpu.memory_space<vmem>>
    %dma_wait3A_435 = tpu.memref_slice %arg3[%dma_wait3A_428, %mul3A_2] : memref<26x4096xi32, #tpu.memory_space<hbm>> -> memref<1x128xi32, #tpu.memory_space<hbm>>
    %dma_wait3A_436 = tpu.memref_squeeze %dma_wait3A_435 : memref<1x128xi32, #tpu.memory_space<hbm>> -> memref<128xi32, #tpu.memory_space<hbm>>
    tpu.wait_dma2 semaphore(%arg13 : memref<!tpu.dma_semaphore, #tpu.memory_space<semaphore_mem>>) src(%dma_wait3A_436 : memref<128xi32, #tpu.memory_space<hbm>>) dst(%dma_wait3A_434 : memref<128xi32, #tpu.memory_space<vmem>>)
    %dma_wait3A_437 = arith.constant 21 : i32
    %dma_wait3A_438 = arith.constant 2688 : i32
    %dma_wait3A_439 = tpu.memref_slice %arg6[%dma_wait3A_438] : memref<3328xi32, #tpu.memory_space<vmem>> -> memref<128xi32, #tpu.memory_space<vmem>>
    %dma_wait3A_440 = tpu.memref_slice %arg3[%dma_wait3A_437, %mul3A_2] : memref<26x4096xi32, #tpu.memory_space<hbm>> -> memref<1x128xi32, #tpu.memory_space<hbm>>
    %dma_wait3A_441 = tpu.memref_squeeze %dma_wait3A_440 : memref<1x128xi32, #tpu.memory_space<hbm>> -> memref<128xi32, #tpu.memory_space<hbm>>
    %dma_wait3A_442 = arith.constant 2688 : i32
    %dma_wait3A_443 = tpu.memref_slice %arg6[%dma_wait3A_442] : memref<3328xi32, #tpu.memory_space<vmem>> -> memref<128xi32, #tpu.memory_space<vmem>>
    %dma_wait3A_444 = tpu.memref_slice %arg3[%dma_wait3A_437, %mul3A_2] : memref<26x4096xi32, #tpu.memory_space<hbm>> -> memref<1x128xi32, #tpu.memory_space<hbm>>
    %dma_wait3A_445 = tpu.memref_squeeze %dma_wait3A_444 : memref<1x128xi32, #tpu.memory_space<hbm>> -> memref<128xi32, #tpu.memory_space<hbm>>
    tpu.wait_dma2 semaphore(%arg13 : memref<!tpu.dma_semaphore, #tpu.memory_space<semaphore_mem>>) src(%dma_wait3A_445 : memref<128xi32, #tpu.memory_space<hbm>>) dst(%dma_wait3A_443 : memref<128xi32, #tpu.memory_space<vmem>>)
    %dma_wait3A_446 = arith.constant 22 : i32
    %dma_wait3A_447 = arith.constant 2816 : i32
    %dma_wait3A_448 = tpu.memref_slice %arg6[%dma_wait3A_447] : memref<3328xi32, #tpu.memory_space<vmem>> -> memref<128xi32, #tpu.memory_space<vmem>>
    %dma_wait3A_449 = tpu.memref_slice %arg3[%dma_wait3A_446, %mul3A_2] : memref<26x4096xi32, #tpu.memory_space<hbm>> -> memref<1x128xi32, #tpu.memory_space<hbm>>
    %dma_wait3A_450 = tpu.memref_squeeze %dma_wait3A_449 : memref<1x128xi32, #tpu.memory_space<hbm>> -> memref<128xi32, #tpu.memory_space<hbm>>
    %dma_wait3A_451 = arith.constant 2816 : i32
    %dma_wait3A_452 = tpu.memref_slice %arg6[%dma_wait3A_451] : memref<3328xi32, #tpu.memory_space<vmem>> -> memref<128xi32, #tpu.memory_space<vmem>>
    %dma_wait3A_453 = tpu.memref_slice %arg3[%dma_wait3A_446, %mul3A_2] : memref<26x4096xi32, #tpu.memory_space<hbm>> -> memref<1x128xi32, #tpu.memory_space<hbm>>
    %dma_wait3A_454 = tpu.memref_squeeze %dma_wait3A_453 : memref<1x128xi32, #tpu.memory_space<hbm>> -> memref<128xi32, #tpu.memory_space<hbm>>
    tpu.wait_dma2 semaphore(%arg13 : memref<!tpu.dma_semaphore, #tpu.memory_space<semaphore_mem>>) src(%dma_wait3A_454 : memref<128xi32, #tpu.memory_space<hbm>>) dst(%dma_wait3A_452 : memref<128xi32, #tpu.memory_space<vmem>>)
    %dma_wait3A_455 = arith.constant 23 : i32
    %dma_wait3A_456 = arith.constant 2944 : i32
    %dma_wait3A_457 = tpu.memref_slice %arg6[%dma_wait3A_456] : memref<3328xi32, #tpu.memory_space<vmem>> -> memref<128xi32, #tpu.memory_space<vmem>>
    %dma_wait3A_458 = tpu.memref_slice %arg3[%dma_wait3A_455, %mul3A_2] : memref<26x4096xi32, #tpu.memory_space<hbm>> -> memref<1x128xi32, #tpu.memory_space<hbm>>
    %dma_wait3A_459 = tpu.memref_squeeze %dma_wait3A_458 : memref<1x128xi32, #tpu.memory_space<hbm>> -> memref<128xi32, #tpu.memory_space<hbm>>
    %dma_wait3A_460 = arith.constant 2944 : i32
    %dma_wait3A_461 = tpu.memref_slice %arg6[%dma_wait3A_460] : memref<3328xi32, #tpu.memory_space<vmem>> -> memref<128xi32, #tpu.memory_space<vmem>>
    %dma_wait3A_462 = tpu.memref_slice %arg3[%dma_wait3A_455, %mul3A_2] : memref<26x4096xi32, #tpu.memory_space<hbm>> -> memref<1x128xi32, #tpu.memory_space<hbm>>
    %dma_wait3A_463 = tpu.memref_squeeze %dma_wait3A_462 : memref<1x128xi32, #tpu.memory_space<hbm>> -> memref<128xi32, #tpu.memory_space<hbm>>
    tpu.wait_dma2 semaphore(%arg13 : memref<!tpu.dma_semaphore, #tpu.memory_space<semaphore_mem>>) src(%dma_wait3A_463 : memref<128xi32, #tpu.memory_space<hbm>>) dst(%dma_wait3A_461 : memref<128xi32, #tpu.memory_space<vmem>>)
    %dma_wait3A_464 = arith.constant 24 : i32
    %dma_wait3A_465 = arith.constant 3072 : i32
    %dma_wait3A_466 = tpu.memref_slice %arg6[%dma_wait3A_465] : memref<3328xi32, #tpu.memory_space<vmem>> -> memref<128xi32, #tpu.memory_space<vmem>>
    %dma_wait3A_467 = tpu.memref_slice %arg3[%dma_wait3A_464, %mul3A_2] : memref<26x4096xi32, #tpu.memory_space<hbm>> -> memref<1x128xi32, #tpu.memory_space<hbm>>
    %dma_wait3A_468 = tpu.memref_squeeze %dma_wait3A_467 : memref<1x128xi32, #tpu.memory_space<hbm>> -> memref<128xi32, #tpu.memory_space<hbm>>
    %dma_wait3A_469 = arith.constant 3072 : i32
    %dma_wait3A_470 = tpu.memref_slice %arg6[%dma_wait3A_469] : memref<3328xi32, #tpu.memory_space<vmem>> -> memref<128xi32, #tpu.memory_space<vmem>>
    %dma_wait3A_471 = tpu.memref_slice %arg3[%dma_wait3A_464, %mul3A_2] : memref<26x4096xi32, #tpu.memory_space<hbm>> -> memref<1x128xi32, #tpu.memory_space<hbm>>
    %dma_wait3A_472 = tpu.memref_squeeze %dma_wait3A_471 : memref<1x128xi32, #tpu.memory_space<hbm>> -> memref<128xi32, #tpu.memory_space<hbm>>
    tpu.wait_dma2 semaphore(%arg13 : memref<!tpu.dma_semaphore, #tpu.memory_space<semaphore_mem>>) src(%dma_wait3A_472 : memref<128xi32, #tpu.memory_space<hbm>>) dst(%dma_wait3A_470 : memref<128xi32, #tpu.memory_space<vmem>>)
    %dma_wait3A_473 = arith.constant 25 : i32
    %dma_wait3A_474 = arith.constant 3200 : i32
    %dma_wait3A_475 = tpu.memref_slice %arg6[%dma_wait3A_474] : memref<3328xi32, #tpu.memory_space<vmem>> -> memref<128xi32, #tpu.memory_space<vmem>>
    %dma_wait3A_476 = tpu.memref_slice %arg3[%dma_wait3A_473, %mul3A_2] : memref<26x4096xi32, #tpu.memory_space<hbm>> -> memref<1x128xi32, #tpu.memory_space<hbm>>
    %dma_wait3A_477 = tpu.memref_squeeze %dma_wait3A_476 : memref<1x128xi32, #tpu.memory_space<hbm>> -> memref<128xi32, #tpu.memory_space<hbm>>
    %dma_wait3A_478 = arith.constant 3200 : i32
    %dma_wait3A_479 = tpu.memref_slice %arg6[%dma_wait3A_478] : memref<3328xi32, #tpu.memory_space<vmem>> -> memref<128xi32, #tpu.memory_space<vmem>>
    %dma_wait3A_480 = tpu.memref_slice %arg3[%dma_wait3A_473, %mul3A_2] : memref<26x4096xi32, #tpu.memory_space<hbm>> -> memref<1x128xi32, #tpu.memory_space<hbm>>
    %dma_wait3A_481 = tpu.memref_squeeze %dma_wait3A_480 : memref<1x128xi32, #tpu.memory_space<hbm>> -> memref<128xi32, #tpu.memory_space<hbm>>
    tpu.wait_dma2 semaphore(%arg13 : memref<!tpu.dma_semaphore, #tpu.memory_space<semaphore_mem>>) src(%dma_wait3A_481 : memref<128xi32, #tpu.memory_space<hbm>>) dst(%dma_wait3A_479 : memref<128xi32, #tpu.memory_space<vmem>>)
    %dma_start3A_482 = arith.constant 0 : i32
    %dma_start3A_483 = arith.constant 0 : i32
    %dma_start3A_484 = tpu.memref_slice %arg7[%dma_start3A_483] : memref<3328xf32, #tpu.memory_space<vmem>> -> memref<1664xf32, #tpu.memory_space<vmem>>
    %dma_start3A_485 = arith.constant 0 : i32
    %dma_start3A_486 = tpu.memref_slice %arg6[%dma_start3A_485] : memref<3328xi32, #tpu.memory_space<vmem>> -> memref<1664xi32, #tpu.memory_space<vmem>>
    %dma_start3A_487 = arith.constant 0 : i32
    %dma_start3A_488 = tpu.memref_slice %arg2[%dma_start3A_482, %dma_start3A_487] : memref<1x100000xf32, #tpu.memory_space<hbm>> -> memref<1x100000xf32, #tpu.memory_space<hbm>>
    %dma_start3A_489 = tpu.memref_squeeze %dma_start3A_488 : memref<1x100000xf32, #tpu.memory_space<hbm>> -> memref<100000xf32, #tpu.memory_space<hbm>>
    %dma_start3A_490 = arith.constant 0 : i32
    %dma_start3A_491 = tpu.memref_slice %dma_start3A_489[%dma_start3A_490] : memref<100000xf32, #tpu.memory_space<hbm>> -> memref<100000xf32, #tpu.memory_space<hbm>>
    tpu.enqueue_indirect_dma source(%dma_start3A_491 : memref<100000xf32, #tpu.memory_space<hbm>>) target(%dma_start3A_484 : memref<1664xf32, #tpu.memory_space<vmem>>) offsets(%dma_start3A_486 : memref<1664xi32, #tpu.memory_space<vmem>>) semaphore(%arg13 : memref<!tpu.dma_semaphore, #tpu.memory_space<semaphore_mem>>)
    %dma_wait3A_492 = arith.constant 0 : i32
    %dma_wait3A_493 = tpu.memref_slice %arg10[%mul3A_4] : memref<100000xf32, #tpu.memory_space<vmem_shared>> -> memref<6144xf32, #tpu.memory_space<vmem_shared>>
    %dma_wait3A_494 = tpu.memref_slice %arg2[%dma_wait3A_492, %mul3A_4] : memref<1x100000xf32, #tpu.memory_space<hbm>> -> memref<1x6144xf32, #tpu.memory_space<hbm>>
    %dma_wait3A_495 = tpu.memref_squeeze %dma_wait3A_494 : memref<1x6144xf32, #tpu.memory_space<hbm>> -> memref<6144xf32, #tpu.memory_space<hbm>>
    tpu.wait_dma2 semaphore(%arg14 : memref<!tpu.dma_semaphore, #tpu.memory_space<semaphore_mem>>) src(%dma_wait3A_495 : memref<6144xf32, #tpu.memory_space<hbm>>) dst(%dma_wait3A_493 : memref<6144xf32, #tpu.memory_space<vmem_shared>>)
    %barrier3A = arith.constant 0 : index
    tpu.barrier barrier_id(%barrier3A)
    %dma_start3A_496 = arith.constant 1664 : i32
    %dma_start3A_497 = tpu.memref_slice %arg7[%dma_start3A_496] : memref<3328xf32, #tpu.memory_space<vmem>> -> memref<1664xf32, #tpu.memory_space<vmem>>
    %dma_start3A_498 = arith.constant 1664 : i32
    %dma_start3A_499 = tpu.memref_slice %arg6[%dma_start3A_498] : memref<3328xi32, #tpu.memory_space<vmem>> -> memref<1664xi32, #tpu.memory_space<vmem>>
    %dma_start3A_500 = arith.constant 0 : i32
    %dma_start3A_501 = tpu.memref_slice %arg10[%dma_start3A_500] : memref<100000xf32, #tpu.memory_space<vmem_shared>> -> memref<100000xf32, #tpu.memory_space<vmem_shared>>
    tpu.enqueue_indirect_dma source(%dma_start3A_501 : memref<100000xf32, #tpu.memory_space<vmem_shared>>) target(%dma_start3A_497 : memref<1664xf32, #tpu.memory_space<vmem>>) offsets(%dma_start3A_499 : memref<1664xi32, #tpu.memory_space<vmem>>) semaphore(%arg15 : memref<!tpu.dma_semaphore, #tpu.memory_space<semaphore_mem>>)
    %dma_wait3A_502 = arith.constant 0 : i32
    %dma_wait3A_503 = arith.constant 0 : i32
    %dma_wait3A_504 = tpu.memref_slice %arg7[%dma_wait3A_503] : memref<3328xf32, #tpu.memory_space<vmem>> -> memref<1664xf32, #tpu.memory_space<vmem>>
    %dma_wait3A_505 = arith.constant 0 : i32
    %dma_wait3A_506 = tpu.memref_slice %arg6[%dma_wait3A_505] : memref<3328xi32, #tpu.memory_space<vmem>> -> memref<1664xi32, #tpu.memory_space<vmem>>
    %dma_wait3A_507 = arith.constant 0 : i32
    %dma_wait3A_508 = tpu.memref_slice %arg2[%dma_wait3A_502, %dma_wait3A_507] : memref<1x100000xf32, #tpu.memory_space<hbm>> -> memref<1x100000xf32, #tpu.memory_space<hbm>>
    %dma_wait3A_509 = tpu.memref_squeeze %dma_wait3A_508 : memref<1x100000xf32, #tpu.memory_space<hbm>> -> memref<100000xf32, #tpu.memory_space<hbm>>
    %dma_wait3A_510 = arith.constant 0 : i32
    %dma_wait3A_511 = tpu.memref_slice %dma_wait3A_509[%dma_wait3A_510] : memref<100000xf32, #tpu.memory_space<hbm>> -> memref<100000xf32, #tpu.memory_space<hbm>>
    tpu.wait_indirect_dma semaphore(%arg13 : memref<!tpu.dma_semaphore, #tpu.memory_space<semaphore_mem>>) src(%dma_wait3A_511 : memref<100000xf32, #tpu.memory_space<hbm>>) dst(%dma_wait3A_504 : memref<1664xf32, #tpu.memory_space<vmem>>)
    %dma_wait3A_512 = arith.constant 1664 : i32
    %dma_wait3A_513 = tpu.memref_slice %arg7[%dma_wait3A_512] : memref<3328xf32, #tpu.memory_space<vmem>> -> memref<1664xf32, #tpu.memory_space<vmem>>
    %dma_wait3A_514 = arith.constant 1664 : i32
    %dma_wait3A_515 = tpu.memref_slice %arg6[%dma_wait3A_514] : memref<3328xi32, #tpu.memory_space<vmem>> -> memref<1664xi32, #tpu.memory_space<vmem>>
    %dma_wait3A_516 = arith.constant 0 : i32
    %dma_wait3A_517 = tpu.memref_slice %arg10[%dma_wait3A_516] : memref<100000xf32, #tpu.memory_space<vmem_shared>> -> memref<100000xf32, #tpu.memory_space<vmem_shared>>
    tpu.wait_indirect_dma semaphore(%arg15 : memref<!tpu.dma_semaphore, #tpu.memory_space<semaphore_mem>>) src(%dma_wait3A_517 : memref<100000xf32, #tpu.memory_space<vmem_shared>>) dst(%dma_wait3A_513 : memref<1664xf32, #tpu.memory_space<vmem>>)
    %get3A = arith.constant 0 : index
    %get3A_518 = tpu.vector_load %arg9[%get3A] {strides = array<i32>} : memref<16xf32, #tpu.memory_space<vmem>>, vector<16xf32>,
    %get3A_519 = vector.shape_cast %get3A_518 : vector<16xf32> to vector<16xf32>
    %slice3A = vector.extract_strided_slice %get3A_519 {offsets = [0], sizes = [1], strides = [1]} : vector<16xf32> to vector<1xf32>
    %squeeze3A = vector.extract %slice3A[0] : f32 from vector<1xf32>
    %broadcast_in_dim3A = vector.broadcast %squeeze3A : f32 to vector<16xf32>
    %get3A_520 = arith.constant 0 : index
    %get3A_521 = tpu.vector_load %arg7[%get3A_520] {strides = array<i32>} : memref<3328xf32, #tpu.memory_space<vmem>>, vector<16xf32>,
    %get3A_522 = vector.shape_cast %get3A_521 : vector<16xf32> to vector<16xf32>
    %add3A_523 = arith.addf %broadcast_in_dim3A, %get3A_522 : vector<16xf32>
    %get3A_524 = arith.constant 16 : index
    %get3A_525 = tpu.vector_load %arg7[%get3A_524] {strides = array<i32>} : memref<3328xf32, #tpu.memory_space<vmem>>, vector<16xf32>,
    %get3A_526 = vector.shape_cast %get3A_525 : vector<16xf32> to vector<16xf32>
    %add3A_527 = arith.addf %broadcast_in_dim3A, %get3A_526 : vector<16xf32>
    %get3A_528 = arith.constant 32 : index
    %get3A_529 = tpu.vector_load %arg7[%get3A_528] {strides = array<i32>} : memref<3328xf32, #tpu.memory_space<vmem>>, vector<16xf32>,
    %get3A_530 = vector.shape_cast %get3A_529 : vector<16xf32> to vector<16xf32>
    %add3A_531 = arith.addf %broadcast_in_dim3A, %get3A_530 : vector<16xf32>
    %get3A_532 = arith.constant 48 : index
    %get3A_533 = tpu.vector_load %arg7[%get3A_532] {strides = array<i32>} : memref<3328xf32, #tpu.memory_space<vmem>>, vector<16xf32>,
    %get3A_534 = vector.shape_cast %get3A_533 : vector<16xf32> to vector<16xf32>
    %add3A_535 = arith.addf %broadcast_in_dim3A, %get3A_534 : vector<16xf32>
    %get3A_536 = arith.constant 64 : index
    %get3A_537 = tpu.vector_load %arg7[%get3A_536] {strides = array<i32>} : memref<3328xf32, #tpu.memory_space<vmem>>, vector<16xf32>,
    %get3A_538 = vector.shape_cast %get3A_537 : vector<16xf32> to vector<16xf32>
    %add3A_539 = arith.addf %broadcast_in_dim3A, %get3A_538 : vector<16xf32>
    %get3A_540 = arith.constant 80 : index
    %get3A_541 = tpu.vector_load %arg7[%get3A_540] {strides = array<i32>} : memref<3328xf32, #tpu.memory_space<vmem>>, vector<16xf32>,
    %get3A_542 = vector.shape_cast %get3A_541 : vector<16xf32> to vector<16xf32>
    %add3A_543 = arith.addf %broadcast_in_dim3A, %get3A_542 : vector<16xf32>
    %get3A_544 = arith.constant 96 : index
    %get3A_545 = tpu.vector_load %arg7[%get3A_544] {strides = array<i32>} : memref<3328xf32, #tpu.memory_space<vmem>>, vector<16xf32>,
    %get3A_546 = vector.shape_cast %get3A_545 : vector<16xf32> to vector<16xf32>
    %add3A_547 = arith.addf %broadcast_in_dim3A, %get3A_546 : vector<16xf32>
    %get3A_548 = arith.constant 112 : index
    %get3A_549 = tpu.vector_load %arg7[%get3A_548] {strides = array<i32>} : memref<3328xf32, #tpu.memory_space<vmem>>, vector<16xf32>,
    %get3A_550 = vector.shape_cast %get3A_549 : vector<16xf32> to vector<16xf32>
    %add3A_551 = arith.addf %broadcast_in_dim3A, %get3A_550 : vector<16xf32>
    %get3A_552 = arith.constant 128 : index
    %get3A_553 = tpu.vector_load %arg7[%get3A_552] {strides = array<i32>} : memref<3328xf32, #tpu.memory_space<vmem>>, vector<16xf32>,
    %get3A_554 = vector.shape_cast %get3A_553 : vector<16xf32> to vector<16xf32>
    %add3A_555 = arith.addf %add3A_523, %get3A_554 : vector<16xf32>
    %get3A_556 = arith.constant 144 : index
    %get3A_557 = tpu.vector_load %arg7[%get3A_556] {strides = array<i32>} : memref<3328xf32, #tpu.memory_space<vmem>>, vector<16xf32>,
    %get3A_558 = vector.shape_cast %get3A_557 : vector<16xf32> to vector<16xf32>
    %add3A_559 = arith.addf %add3A_527, %get3A_558 : vector<16xf32>
    %get3A_560 = arith.constant 160 : index
    %get3A_561 = tpu.vector_load %arg7[%get3A_560] {strides = array<i32>} : memref<3328xf32, #tpu.memory_space<vmem>>, vector<16xf32>,
    %get3A_562 = vector.shape_cast %get3A_561 : vector<16xf32> to vector<16xf32>
    %add3A_563 = arith.addf %add3A_531, %get3A_562 : vector<16xf32>
    %get3A_564 = arith.constant 176 : index
    %get3A_565 = tpu.vector_load %arg7[%get3A_564] {strides = array<i32>} : memref<3328xf32, #tpu.memory_space<vmem>>, vector<16xf32>,
    %get3A_566 = vector.shape_cast %get3A_565 : vector<16xf32> to vector<16xf32>
    %add3A_567 = arith.addf %add3A_535, %get3A_566 : vector<16xf32>
    %get3A_568 = arith.constant 192 : index
    %get3A_569 = tpu.vector_load %arg7[%get3A_568] {strides = array<i32>} : memref<3328xf32, #tpu.memory_space<vmem>>, vector<16xf32>,
    %get3A_570 = vector.shape_cast %get3A_569 : vector<16xf32> to vector<16xf32>
    %add3A_571 = arith.addf %add3A_539, %get3A_570 : vector<16xf32>
    %get3A_572 = arith.constant 208 : index
    %get3A_573 = tpu.vector_load %arg7[%get3A_572] {strides = array<i32>} : memref<3328xf32, #tpu.memory_space<vmem>>, vector<16xf32>,
    %get3A_574 = vector.shape_cast %get3A_573 : vector<16xf32> to vector<16xf32>
    %add3A_575 = arith.addf %add3A_543, %get3A_574 : vector<16xf32>
    %get3A_576 = arith.constant 224 : index
    %get3A_577 = tpu.vector_load %arg7[%get3A_576] {strides = array<i32>} : memref<3328xf32, #tpu.memory_space<vmem>>, vector<16xf32>,
    %get3A_578 = vector.shape_cast %get3A_577 : vector<16xf32> to vector<16xf32>
    %add3A_579 = arith.addf %add3A_547, %get3A_578 : vector<16xf32>
    %get3A_580 = arith.constant 240 : index
    %get3A_581 = tpu.vector_load %arg7[%get3A_580] {strides = array<i32>} : memref<3328xf32, #tpu.memory_space<vmem>>, vector<16xf32>,
    %get3A_582 = vector.shape_cast %get3A_581 : vector<16xf32> to vector<16xf32>
    %add3A_583 = arith.addf %add3A_551, %get3A_582 : vector<16xf32>
    %get3A_584 = arith.constant 256 : index
    %get3A_585 = tpu.vector_load %arg7[%get3A_584] {strides = array<i32>} : memref<3328xf32, #tpu.memory_space<vmem>>, vector<16xf32>,
    %get3A_586 = vector.shape_cast %get3A_585 : vector<16xf32> to vector<16xf32>
    %add3A_587 = arith.addf %add3A_555, %get3A_586 : vector<16xf32>
    %get3A_588 = arith.constant 272 : index
    %get3A_589 = tpu.vector_load %arg7[%get3A_588] {strides = array<i32>} : memref<3328xf32, #tpu.memory_space<vmem>>, vector<16xf32>,
    %get3A_590 = vector.shape_cast %get3A_589 : vector<16xf32> to vector<16xf32>
    %add3A_591 = arith.addf %add3A_559, %get3A_590 : vector<16xf32>
    %get3A_592 = arith.constant 288 : index
    %get3A_593 = tpu.vector_load %arg7[%get3A_592] {strides = array<i32>} : memref<3328xf32, #tpu.memory_space<vmem>>, vector<16xf32>,
    %get3A_594 = vector.shape_cast %get3A_593 : vector<16xf32> to vector<16xf32>
    %add3A_595 = arith.addf %add3A_563, %get3A_594 : vector<16xf32>
    %get3A_596 = arith.constant 304 : index
    %get3A_597 = tpu.vector_load %arg7[%get3A_596] {strides = array<i32>} : memref<3328xf32, #tpu.memory_space<vmem>>, vector<16xf32>,
    %get3A_598 = vector.shape_cast %get3A_597 : vector<16xf32> to vector<16xf32>
    %add3A_599 = arith.addf %add3A_567, %get3A_598 : vector<16xf32>
    %get3A_600 = arith.constant 320 : index
    %get3A_601 = tpu.vector_load %arg7[%get3A_600] {strides = array<i32>} : memref<3328xf32, #tpu.memory_space<vmem>>, vector<16xf32>,
    %get3A_602 = vector.shape_cast %get3A_601 : vector<16xf32> to vector<16xf32>
    %add3A_603 = arith.addf %add3A_571, %get3A_602 : vector<16xf32>
    %get3A_604 = arith.constant 336 : index
    %get3A_605 = tpu.vector_load %arg7[%get3A_604] {strides = array<i32>} : memref<3328xf32, #tpu.memory_space<vmem>>, vector<16xf32>,
    %get3A_606 = vector.shape_cast %get3A_605 : vector<16xf32> to vector<16xf32>
    %add3A_607 = arith.addf %add3A_575, %get3A_606 : vector<16xf32>
    %get3A_608 = arith.constant 352 : index
    %get3A_609 = tpu.vector_load %arg7[%get3A_608] {strides = array<i32>} : memref<3328xf32, #tpu.memory_space<vmem>>, vector<16xf32>,
    %get3A_610 = vector.shape_cast %get3A_609 : vector<16xf32> to vector<16xf32>
    %add3A_611 = arith.addf %add3A_579, %get3A_610 : vector<16xf32>
    %get3A_612 = arith.constant 368 : index
    %get3A_613 = tpu.vector_load %arg7[%get3A_612] {strides = array<i32>} : memref<3328xf32, #tpu.memory_space<vmem>>, vector<16xf32>,
    %get3A_614 = vector.shape_cast %get3A_613 : vector<16xf32> to vector<16xf32>
    %add3A_615 = arith.addf %add3A_583, %get3A_614 : vector<16xf32>
    %get3A_616 = arith.constant 384 : index
    %get3A_617 = tpu.vector_load %arg7[%get3A_616] {strides = array<i32>} : memref<3328xf32, #tpu.memory_space<vmem>>, vector<16xf32>,
    %get3A_618 = vector.shape_cast %get3A_617 : vector<16xf32> to vector<16xf32>
    %add3A_619 = arith.addf %add3A_587, %get3A_618 : vector<16xf32>
    %get3A_620 = arith.constant 400 : index
    %get3A_621 = tpu.vector_load %arg7[%get3A_620] {strides = array<i32>} : memref<3328xf32, #tpu.memory_space<vmem>>, vector<16xf32>,
    %get3A_622 = vector.shape_cast %get3A_621 : vector<16xf32> to vector<16xf32>
    %add3A_623 = arith.addf %add3A_591, %get3A_622 : vector<16xf32>
    %get3A_624 = arith.constant 416 : index
    %get3A_625 = tpu.vector_load %arg7[%get3A_624] {strides = array<i32>} : memref<3328xf32, #tpu.memory_space<vmem>>, vector<16xf32>,
    %get3A_626 = vector.shape_cast %get3A_625 : vector<16xf32> to vector<16xf32>
    %add3A_627 = arith.addf %add3A_595, %get3A_626 : vector<16xf32>
    %get3A_628 = arith.constant 432 : index
    %get3A_629 = tpu.vector_load %arg7[%get3A_628] {strides = array<i32>} : memref<3328xf32, #tpu.memory_space<vmem>>, vector<16xf32>,
    %get3A_630 = vector.shape_cast %get3A_629 : vector<16xf32> to vector<16xf32>
    %add3A_631 = arith.addf %add3A_599, %get3A_630 : vector<16xf32>
    %get3A_632 = arith.constant 448 : index
    %get3A_633 = tpu.vector_load %arg7[%get3A_632] {strides = array<i32>} : memref<3328xf32, #tpu.memory_space<vmem>>, vector<16xf32>,
    %get3A_634 = vector.shape_cast %get3A_633 : vector<16xf32> to vector<16xf32>
    %add3A_635 = arith.addf %add3A_603, %get3A_634 : vector<16xf32>
    %get3A_636 = arith.constant 464 : index
    %get3A_637 = tpu.vector_load %arg7[%get3A_636] {strides = array<i32>} : memref<3328xf32, #tpu.memory_space<vmem>>, vector<16xf32>,
    %get3A_638 = vector.shape_cast %get3A_637 : vector<16xf32> to vector<16xf32>
    %add3A_639 = arith.addf %add3A_607, %get3A_638 : vector<16xf32>
    %get3A_640 = arith.constant 480 : index
    %get3A_641 = tpu.vector_load %arg7[%get3A_640] {strides = array<i32>} : memref<3328xf32, #tpu.memory_space<vmem>>, vector<16xf32>,
    %get3A_642 = vector.shape_cast %get3A_641 : vector<16xf32> to vector<16xf32>
    %add3A_643 = arith.addf %add3A_611, %get3A_642 : vector<16xf32>
    %get3A_644 = arith.constant 496 : index
    %get3A_645 = tpu.vector_load %arg7[%get3A_644] {strides = array<i32>} : memref<3328xf32, #tpu.memory_space<vmem>>, vector<16xf32>,
    %get3A_646 = vector.shape_cast %get3A_645 : vector<16xf32> to vector<16xf32>
    %add3A_647 = arith.addf %add3A_615, %get3A_646 : vector<16xf32>
    %get3A_648 = arith.constant 512 : index
    %get3A_649 = tpu.vector_load %arg7[%get3A_648] {strides = array<i32>} : memref<3328xf32, #tpu.memory_space<vmem>>, vector<16xf32>,
    %get3A_650 = vector.shape_cast %get3A_649 : vector<16xf32> to vector<16xf32>
    %add3A_651 = arith.addf %add3A_619, %get3A_650 : vector<16xf32>
    %get3A_652 = arith.constant 528 : index
    %get3A_653 = tpu.vector_load %arg7[%get3A_652] {strides = array<i32>} : memref<3328xf32, #tpu.memory_space<vmem>>, vector<16xf32>,
    %get3A_654 = vector.shape_cast %get3A_653 : vector<16xf32> to vector<16xf32>
    %add3A_655 = arith.addf %add3A_623, %get3A_654 : vector<16xf32>
    %get3A_656 = arith.constant 544 : index
    %get3A_657 = tpu.vector_load %arg7[%get3A_656] {strides = array<i32>} : memref<3328xf32, #tpu.memory_space<vmem>>, vector<16xf32>,
    %get3A_658 = vector.shape_cast %get3A_657 : vector<16xf32> to vector<16xf32>
    %add3A_659 = arith.addf %add3A_627, %get3A_658 : vector<16xf32>
    %get3A_660 = arith.constant 560 : index
    %get3A_661 = tpu.vector_load %arg7[%get3A_660] {strides = array<i32>} : memref<3328xf32, #tpu.memory_space<vmem>>, vector<16xf32>,
    %get3A_662 = vector.shape_cast %get3A_661 : vector<16xf32> to vector<16xf32>
    %add3A_663 = arith.addf %add3A_631, %get3A_662 : vector<16xf32>
    %get3A_664 = arith.constant 576 : index
    %get3A_665 = tpu.vector_load %arg7[%get3A_664] {strides = array<i32>} : memref<3328xf32, #tpu.memory_space<vmem>>, vector<16xf32>,
    %get3A_666 = vector.shape_cast %get3A_665 : vector<16xf32> to vector<16xf32>
    %add3A_667 = arith.addf %add3A_635, %get3A_666 : vector<16xf32>
    %get3A_668 = arith.constant 592 : index
    %get3A_669 = tpu.vector_load %arg7[%get3A_668] {strides = array<i32>} : memref<3328xf32, #tpu.memory_space<vmem>>, vector<16xf32>,
    %get3A_670 = vector.shape_cast %get3A_669 : vector<16xf32> to vector<16xf32>
    %add3A_671 = arith.addf %add3A_639, %get3A_670 : vector<16xf32>
    %get3A_672 = arith.constant 608 : index
    %get3A_673 = tpu.vector_load %arg7[%get3A_672] {strides = array<i32>} : memref<3328xf32, #tpu.memory_space<vmem>>, vector<16xf32>,
    %get3A_674 = vector.shape_cast %get3A_673 : vector<16xf32> to vector<16xf32>
    %add3A_675 = arith.addf %add3A_643, %get3A_674 : vector<16xf32>
    %get3A_676 = arith.constant 624 : index
    %get3A_677 = tpu.vector_load %arg7[%get3A_676] {strides = array<i32>} : memref<3328xf32, #tpu.memory_space<vmem>>, vector<16xf32>,
    %get3A_678 = vector.shape_cast %get3A_677 : vector<16xf32> to vector<16xf32>
    %add3A_679 = arith.addf %add3A_647, %get3A_678 : vector<16xf32>
    %get3A_680 = arith.constant 640 : index
    %get3A_681 = tpu.vector_load %arg7[%get3A_680] {strides = array<i32>} : memref<3328xf32, #tpu.memory_space<vmem>>, vector<16xf32>,
    %get3A_682 = vector.shape_cast %get3A_681 : vector<16xf32> to vector<16xf32>
    %add3A_683 = arith.addf %add3A_651, %get3A_682 : vector<16xf32>
    %get3A_684 = arith.constant 656 : index
    %get3A_685 = tpu.vector_load %arg7[%get3A_684] {strides = array<i32>} : memref<3328xf32, #tpu.memory_space<vmem>>, vector<16xf32>,
    %get3A_686 = vector.shape_cast %get3A_685 : vector<16xf32> to vector<16xf32>
    %add3A_687 = arith.addf %add3A_655, %get3A_686 : vector<16xf32>
    %get3A_688 = arith.constant 672 : index
    %get3A_689 = tpu.vector_load %arg7[%get3A_688] {strides = array<i32>} : memref<3328xf32, #tpu.memory_space<vmem>>, vector<16xf32>,
    %get3A_690 = vector.shape_cast %get3A_689 : vector<16xf32> to vector<16xf32>
    %add3A_691 = arith.addf %add3A_659, %get3A_690 : vector<16xf32>
    %get3A_692 = arith.constant 688 : index
    %get3A_693 = tpu.vector_load %arg7[%get3A_692] {strides = array<i32>} : memref<3328xf32, #tpu.memory_space<vmem>>, vector<16xf32>,
    %get3A_694 = vector.shape_cast %get3A_693 : vector<16xf32> to vector<16xf32>
    %add3A_695 = arith.addf %add3A_663, %get3A_694 : vector<16xf32>
    %get3A_696 = arith.constant 704 : index
    %get3A_697 = tpu.vector_load %arg7[%get3A_696] {strides = array<i32>} : memref<3328xf32, #tpu.memory_space<vmem>>, vector<16xf32>,
    %get3A_698 = vector.shape_cast %get3A_697 : vector<16xf32> to vector<16xf32>
    %add3A_699 = arith.addf %add3A_667, %get3A_698 : vector<16xf32>
    %get3A_700 = arith.constant 720 : index
    %get3A_701 = tpu.vector_load %arg7[%get3A_700] {strides = array<i32>} : memref<3328xf32, #tpu.memory_space<vmem>>, vector<16xf32>,
    %get3A_702 = vector.shape_cast %get3A_701 : vector<16xf32> to vector<16xf32>
    %add3A_703 = arith.addf %add3A_671, %get3A_702 : vector<16xf32>
    %get3A_704 = arith.constant 736 : index
    %get3A_705 = tpu.vector_load %arg7[%get3A_704] {strides = array<i32>} : memref<3328xf32, #tpu.memory_space<vmem>>, vector<16xf32>,
    %get3A_706 = vector.shape_cast %get3A_705 : vector<16xf32> to vector<16xf32>
    %add3A_707 = arith.addf %add3A_675, %get3A_706 : vector<16xf32>
    %get3A_708 = arith.constant 752 : index
    %get3A_709 = tpu.vector_load %arg7[%get3A_708] {strides = array<i32>} : memref<3328xf32, #tpu.memory_space<vmem>>, vector<16xf32>,
    %get3A_710 = vector.shape_cast %get3A_709 : vector<16xf32> to vector<16xf32>
    %add3A_711 = arith.addf %add3A_679, %get3A_710 : vector<16xf32>
    %get3A_712 = arith.constant 768 : index
    %get3A_713 = tpu.vector_load %arg7[%get3A_712] {strides = array<i32>} : memref<3328xf32, #tpu.memory_space<vmem>>, vector<16xf32>,
    %get3A_714 = vector.shape_cast %get3A_713 : vector<16xf32> to vector<16xf32>
    %add3A_715 = arith.addf %add3A_683, %get3A_714 : vector<16xf32>
    %get3A_716 = arith.constant 784 : index
    %get3A_717 = tpu.vector_load %arg7[%get3A_716] {strides = array<i32>} : memref<3328xf32, #tpu.memory_space<vmem>>, vector<16xf32>,
    %get3A_718 = vector.shape_cast %get3A_717 : vector<16xf32> to vector<16xf32>
    %add3A_719 = arith.addf %add3A_687, %get3A_718 : vector<16xf32>
    %get3A_720 = arith.constant 800 : index
    %get3A_721 = tpu.vector_load %arg7[%get3A_720] {strides = array<i32>} : memref<3328xf32, #tpu.memory_space<vmem>>, vector<16xf32>,
    %get3A_722 = vector.shape_cast %get3A_721 : vector<16xf32> to vector<16xf32>
    %add3A_723 = arith.addf %add3A_691, %get3A_722 : vector<16xf32>
    %get3A_724 = arith.constant 816 : index
    %get3A_725 = tpu.vector_load %arg7[%get3A_724] {strides = array<i32>} : memref<3328xf32, #tpu.memory_space<vmem>>, vector<16xf32>,
    %get3A_726 = vector.shape_cast %get3A_725 : vector<16xf32> to vector<16xf32>
    %add3A_727 = arith.addf %add3A_695, %get3A_726 : vector<16xf32>
    %get3A_728 = arith.constant 832 : index
    %get3A_729 = tpu.vector_load %arg7[%get3A_728] {strides = array<i32>} : memref<3328xf32, #tpu.memory_space<vmem>>, vector<16xf32>,
    %get3A_730 = vector.shape_cast %get3A_729 : vector<16xf32> to vector<16xf32>
    %add3A_731 = arith.addf %add3A_699, %get3A_730 : vector<16xf32>
    %get3A_732 = arith.constant 848 : index
    %get3A_733 = tpu.vector_load %arg7[%get3A_732] {strides = array<i32>} : memref<3328xf32, #tpu.memory_space<vmem>>, vector<16xf32>,
    %get3A_734 = vector.shape_cast %get3A_733 : vector<16xf32> to vector<16xf32>
    %add3A_735 = arith.addf %add3A_703, %get3A_734 : vector<16xf32>
    %get3A_736 = arith.constant 864 : index
    %get3A_737 = tpu.vector_load %arg7[%get3A_736] {strides = array<i32>} : memref<3328xf32, #tpu.memory_space<vmem>>, vector<16xf32>,
    %get3A_738 = vector.shape_cast %get3A_737 : vector<16xf32> to vector<16xf32>
    %add3A_739 = arith.addf %add3A_707, %get3A_738 : vector<16xf32>
    %get3A_740 = arith.constant 880 : index
    %get3A_741 = tpu.vector_load %arg7[%get3A_740] {strides = array<i32>} : memref<3328xf32, #tpu.memory_space<vmem>>, vector<16xf32>,
    %get3A_742 = vector.shape_cast %get3A_741 : vector<16xf32> to vector<16xf32>
    %add3A_743 = arith.addf %add3A_711, %get3A_742 : vector<16xf32>
    %get3A_744 = arith.constant 896 : index
    %get3A_745 = tpu.vector_load %arg7[%get3A_744] {strides = array<i32>} : memref<3328xf32, #tpu.memory_space<vmem>>, vector<16xf32>,
    %get3A_746 = vector.shape_cast %get3A_745 : vector<16xf32> to vector<16xf32>
    %add3A_747 = arith.addf %add3A_715, %get3A_746 : vector<16xf32>
    %get3A_748 = arith.constant 912 : index
    %get3A_749 = tpu.vector_load %arg7[%get3A_748] {strides = array<i32>} : memref<3328xf32, #tpu.memory_space<vmem>>, vector<16xf32>,
    %get3A_750 = vector.shape_cast %get3A_749 : vector<16xf32> to vector<16xf32>
    %add3A_751 = arith.addf %add3A_719, %get3A_750 : vector<16xf32>
    %get3A_752 = arith.constant 928 : index
    %get3A_753 = tpu.vector_load %arg7[%get3A_752] {strides = array<i32>} : memref<3328xf32, #tpu.memory_space<vmem>>, vector<16xf32>,
    %get3A_754 = vector.shape_cast %get3A_753 : vector<16xf32> to vector<16xf32>
    %add3A_755 = arith.addf %add3A_723, %get3A_754 : vector<16xf32>
    %get3A_756 = arith.constant 944 : index
    %get3A_757 = tpu.vector_load %arg7[%get3A_756] {strides = array<i32>} : memref<3328xf32, #tpu.memory_space<vmem>>, vector<16xf32>,
    %get3A_758 = vector.shape_cast %get3A_757 : vector<16xf32> to vector<16xf32>
    %add3A_759 = arith.addf %add3A_727, %get3A_758 : vector<16xf32>
    %get3A_760 = arith.constant 960 : index
    %get3A_761 = tpu.vector_load %arg7[%get3A_760] {strides = array<i32>} : memref<3328xf32, #tpu.memory_space<vmem>>, vector<16xf32>,
    %get3A_762 = vector.shape_cast %get3A_761 : vector<16xf32> to vector<16xf32>
    %add3A_763 = arith.addf %add3A_731, %get3A_762 : vector<16xf32>
    %get3A_764 = arith.constant 976 : index
    %get3A_765 = tpu.vector_load %arg7[%get3A_764] {strides = array<i32>} : memref<3328xf32, #tpu.memory_space<vmem>>, vector<16xf32>,
    %get3A_766 = vector.shape_cast %get3A_765 : vector<16xf32> to vector<16xf32>
    %add3A_767 = arith.addf %add3A_735, %get3A_766 : vector<16xf32>
    %get3A_768 = arith.constant 992 : index
    %get3A_769 = tpu.vector_load %arg7[%get3A_768] {strides = array<i32>} : memref<3328xf32, #tpu.memory_space<vmem>>, vector<16xf32>,
    %get3A_770 = vector.shape_cast %get3A_769 : vector<16xf32> to vector<16xf32>
    %add3A_771 = arith.addf %add3A_739, %get3A_770 : vector<16xf32>
    %get3A_772 = arith.constant 1008 : index
    %get3A_773 = tpu.vector_load %arg7[%get3A_772] {strides = array<i32>} : memref<3328xf32, #tpu.memory_space<vmem>>, vector<16xf32>,
    %get3A_774 = vector.shape_cast %get3A_773 : vector<16xf32> to vector<16xf32>
    %add3A_775 = arith.addf %add3A_743, %get3A_774 : vector<16xf32>
    %get3A_776 = arith.constant 1024 : index
    %get3A_777 = tpu.vector_load %arg7[%get3A_776] {strides = array<i32>} : memref<3328xf32, #tpu.memory_space<vmem>>, vector<16xf32>,
    %get3A_778 = vector.shape_cast %get3A_777 : vector<16xf32> to vector<16xf32>
    %add3A_779 = arith.addf %add3A_747, %get3A_778 : vector<16xf32>
    %get3A_780 = arith.constant 1040 : index
    %get3A_781 = tpu.vector_load %arg7[%get3A_780] {strides = array<i32>} : memref<3328xf32, #tpu.memory_space<vmem>>, vector<16xf32>,
    %get3A_782 = vector.shape_cast %get3A_781 : vector<16xf32> to vector<16xf32>
    %add3A_783 = arith.addf %add3A_751, %get3A_782 : vector<16xf32>
    %get3A_784 = arith.constant 1056 : index
    %get3A_785 = tpu.vector_load %arg7[%get3A_784] {strides = array<i32>} : memref<3328xf32, #tpu.memory_space<vmem>>, vector<16xf32>,
    %get3A_786 = vector.shape_cast %get3A_785 : vector<16xf32> to vector<16xf32>
    %add3A_787 = arith.addf %add3A_755, %get3A_786 : vector<16xf32>
    %get3A_788 = arith.constant 1072 : index
    %get3A_789 = tpu.vector_load %arg7[%get3A_788] {strides = array<i32>} : memref<3328xf32, #tpu.memory_space<vmem>>, vector<16xf32>,
    %get3A_790 = vector.shape_cast %get3A_789 : vector<16xf32> to vector<16xf32>
    %add3A_791 = arith.addf %add3A_759, %get3A_790 : vector<16xf32>
    %get3A_792 = arith.constant 1088 : index
    %get3A_793 = tpu.vector_load %arg7[%get3A_792] {strides = array<i32>} : memref<3328xf32, #tpu.memory_space<vmem>>, vector<16xf32>,
    %get3A_794 = vector.shape_cast %get3A_793 : vector<16xf32> to vector<16xf32>
    %add3A_795 = arith.addf %add3A_763, %get3A_794 : vector<16xf32>
    %get3A_796 = arith.constant 1104 : index
    %get3A_797 = tpu.vector_load %arg7[%get3A_796] {strides = array<i32>} : memref<3328xf32, #tpu.memory_space<vmem>>, vector<16xf32>,
    %get3A_798 = vector.shape_cast %get3A_797 : vector<16xf32> to vector<16xf32>
    %add3A_799 = arith.addf %add3A_767, %get3A_798 : vector<16xf32>
    %get3A_800 = arith.constant 1120 : index
    %get3A_801 = tpu.vector_load %arg7[%get3A_800] {strides = array<i32>} : memref<3328xf32, #tpu.memory_space<vmem>>, vector<16xf32>,
    %get3A_802 = vector.shape_cast %get3A_801 : vector<16xf32> to vector<16xf32>
    %add3A_803 = arith.addf %add3A_771, %get3A_802 : vector<16xf32>
    %get3A_804 = arith.constant 1136 : index
    %get3A_805 = tpu.vector_load %arg7[%get3A_804] {strides = array<i32>} : memref<3328xf32, #tpu.memory_space<vmem>>, vector<16xf32>,
    %get3A_806 = vector.shape_cast %get3A_805 : vector<16xf32> to vector<16xf32>
    %add3A_807 = arith.addf %add3A_775, %get3A_806 : vector<16xf32>
    %get3A_808 = arith.constant 1152 : index
    %get3A_809 = tpu.vector_load %arg7[%get3A_808] {strides = array<i32>} : memref<3328xf32, #tpu.memory_space<vmem>>, vector<16xf32>,
    %get3A_810 = vector.shape_cast %get3A_809 : vector<16xf32> to vector<16xf32>
    %add3A_811 = arith.addf %add3A_779, %get3A_810 : vector<16xf32>
    %get3A_812 = arith.constant 1168 : index
    %get3A_813 = tpu.vector_load %arg7[%get3A_812] {strides = array<i32>} : memref<3328xf32, #tpu.memory_space<vmem>>, vector<16xf32>,
    %get3A_814 = vector.shape_cast %get3A_813 : vector<16xf32> to vector<16xf32>
    %add3A_815 = arith.addf %add3A_783, %get3A_814 : vector<16xf32>
    %get3A_816 = arith.constant 1184 : index
    %get3A_817 = tpu.vector_load %arg7[%get3A_816] {strides = array<i32>} : memref<3328xf32, #tpu.memory_space<vmem>>, vector<16xf32>,
    %get3A_818 = vector.shape_cast %get3A_817 : vector<16xf32> to vector<16xf32>
    %add3A_819 = arith.addf %add3A_787, %get3A_818 : vector<16xf32>
    %get3A_820 = arith.constant 1200 : index
    %get3A_821 = tpu.vector_load %arg7[%get3A_820] {strides = array<i32>} : memref<3328xf32, #tpu.memory_space<vmem>>, vector<16xf32>,
    %get3A_822 = vector.shape_cast %get3A_821 : vector<16xf32> to vector<16xf32>
    %add3A_823 = arith.addf %add3A_791, %get3A_822 : vector<16xf32>
    %get3A_824 = arith.constant 1216 : index
    %get3A_825 = tpu.vector_load %arg7[%get3A_824] {strides = array<i32>} : memref<3328xf32, #tpu.memory_space<vmem>>, vector<16xf32>,
    %get3A_826 = vector.shape_cast %get3A_825 : vector<16xf32> to vector<16xf32>
    %add3A_827 = arith.addf %add3A_795, %get3A_826 : vector<16xf32>
    %get3A_828 = arith.constant 1232 : index
    %get3A_829 = tpu.vector_load %arg7[%get3A_828] {strides = array<i32>} : memref<3328xf32, #tpu.memory_space<vmem>>, vector<16xf32>,
    %get3A_830 = vector.shape_cast %get3A_829 : vector<16xf32> to vector<16xf32>
    %add3A_831 = arith.addf %add3A_799, %get3A_830 : vector<16xf32>
    %get3A_832 = arith.constant 1248 : index
    %get3A_833 = tpu.vector_load %arg7[%get3A_832] {strides = array<i32>} : memref<3328xf32, #tpu.memory_space<vmem>>, vector<16xf32>,
    %get3A_834 = vector.shape_cast %get3A_833 : vector<16xf32> to vector<16xf32>
    %add3A_835 = arith.addf %add3A_803, %get3A_834 : vector<16xf32>
    %get3A_836 = arith.constant 1264 : index
    %get3A_837 = tpu.vector_load %arg7[%get3A_836] {strides = array<i32>} : memref<3328xf32, #tpu.memory_space<vmem>>, vector<16xf32>,
    %get3A_838 = vector.shape_cast %get3A_837 : vector<16xf32> to vector<16xf32>
    %add3A_839 = arith.addf %add3A_807, %get3A_838 : vector<16xf32>
    %get3A_840 = arith.constant 1280 : index
    %get3A_841 = tpu.vector_load %arg7[%get3A_840] {strides = array<i32>} : memref<3328xf32, #tpu.memory_space<vmem>>, vector<16xf32>,
    %get3A_842 = vector.shape_cast %get3A_841 : vector<16xf32> to vector<16xf32>
    %add3A_843 = arith.addf %add3A_811, %get3A_842 : vector<16xf32>
    %get3A_844 = arith.constant 1296 : index
    %get3A_845 = tpu.vector_load %arg7[%get3A_844] {strides = array<i32>} : memref<3328xf32, #tpu.memory_space<vmem>>, vector<16xf32>,
    %get3A_846 = vector.shape_cast %get3A_845 : vector<16xf32> to vector<16xf32>
    %add3A_847 = arith.addf %add3A_815, %get3A_846 : vector<16xf32>
    %get3A_848 = arith.constant 1312 : index
    %get3A_849 = tpu.vector_load %arg7[%get3A_848] {strides = array<i32>} : memref<3328xf32, #tpu.memory_space<vmem>>, vector<16xf32>,
    %get3A_850 = vector.shape_cast %get3A_849 : vector<16xf32> to vector<16xf32>
    %add3A_851 = arith.addf %add3A_819, %get3A_850 : vector<16xf32>
    %get3A_852 = arith.constant 1328 : index
    %get3A_853 = tpu.vector_load %arg7[%get3A_852] {strides = array<i32>} : memref<3328xf32, #tpu.memory_space<vmem>>, vector<16xf32>,
    %get3A_854 = vector.shape_cast %get3A_853 : vector<16xf32> to vector<16xf32>
    %add3A_855 = arith.addf %add3A_823, %get3A_854 : vector<16xf32>
    %get3A_856 = arith.constant 1344 : index
    %get3A_857 = tpu.vector_load %arg7[%get3A_856] {strides = array<i32>} : memref<3328xf32, #tpu.memory_space<vmem>>, vector<16xf32>,
    %get3A_858 = vector.shape_cast %get3A_857 : vector<16xf32> to vector<16xf32>
    %add3A_859 = arith.addf %add3A_827, %get3A_858 : vector<16xf32>
    %get3A_860 = arith.constant 1360 : index
    %get3A_861 = tpu.vector_load %arg7[%get3A_860] {strides = array<i32>} : memref<3328xf32, #tpu.memory_space<vmem>>, vector<16xf32>,
    %get3A_862 = vector.shape_cast %get3A_861 : vector<16xf32> to vector<16xf32>
    %add3A_863 = arith.addf %add3A_831, %get3A_862 : vector<16xf32>
    %get3A_864 = arith.constant 1376 : index
    %get3A_865 = tpu.vector_load %arg7[%get3A_864] {strides = array<i32>} : memref<3328xf32, #tpu.memory_space<vmem>>, vector<16xf32>,
    %get3A_866 = vector.shape_cast %get3A_865 : vector<16xf32> to vector<16xf32>
    %add3A_867 = arith.addf %add3A_835, %get3A_866 : vector<16xf32>
    %get3A_868 = arith.constant 1392 : index
    %get3A_869 = tpu.vector_load %arg7[%get3A_868] {strides = array<i32>} : memref<3328xf32, #tpu.memory_space<vmem>>, vector<16xf32>,
    %get3A_870 = vector.shape_cast %get3A_869 : vector<16xf32> to vector<16xf32>
    %add3A_871 = arith.addf %add3A_839, %get3A_870 : vector<16xf32>
    %get3A_872 = arith.constant 1408 : index
    %get3A_873 = tpu.vector_load %arg7[%get3A_872] {strides = array<i32>} : memref<3328xf32, #tpu.memory_space<vmem>>, vector<16xf32>,
    %get3A_874 = vector.shape_cast %get3A_873 : vector<16xf32> to vector<16xf32>
    %add3A_875 = arith.addf %add3A_843, %get3A_874 : vector<16xf32>
    %get3A_876 = arith.constant 1424 : index
    %get3A_877 = tpu.vector_load %arg7[%get3A_876] {strides = array<i32>} : memref<3328xf32, #tpu.memory_space<vmem>>, vector<16xf32>,
    %get3A_878 = vector.shape_cast %get3A_877 : vector<16xf32> to vector<16xf32>
    %add3A_879 = arith.addf %add3A_847, %get3A_878 : vector<16xf32>
    %get3A_880 = arith.constant 1440 : index
    %get3A_881 = tpu.vector_load %arg7[%get3A_880] {strides = array<i32>} : memref<3328xf32, #tpu.memory_space<vmem>>, vector<16xf32>,
    %get3A_882 = vector.shape_cast %get3A_881 : vector<16xf32> to vector<16xf32>
    %add3A_883 = arith.addf %add3A_851, %get3A_882 : vector<16xf32>
    %get3A_884 = arith.constant 1456 : index
    %get3A_885 = tpu.vector_load %arg7[%get3A_884] {strides = array<i32>} : memref<3328xf32, #tpu.memory_space<vmem>>, vector<16xf32>,
    %get3A_886 = vector.shape_cast %get3A_885 : vector<16xf32> to vector<16xf32>
    %add3A_887 = arith.addf %add3A_855, %get3A_886 : vector<16xf32>
    %get3A_888 = arith.constant 1472 : index
    %get3A_889 = tpu.vector_load %arg7[%get3A_888] {strides = array<i32>} : memref<3328xf32, #tpu.memory_space<vmem>>, vector<16xf32>,
    %get3A_890 = vector.shape_cast %get3A_889 : vector<16xf32> to vector<16xf32>
    %add3A_891 = arith.addf %add3A_859, %get3A_890 : vector<16xf32>
    %get3A_892 = arith.constant 1488 : index
    %get3A_893 = tpu.vector_load %arg7[%get3A_892] {strides = array<i32>} : memref<3328xf32, #tpu.memory_space<vmem>>, vector<16xf32>,
    %get3A_894 = vector.shape_cast %get3A_893 : vector<16xf32> to vector<16xf32>
    %add3A_895 = arith.addf %add3A_863, %get3A_894 : vector<16xf32>
    %get3A_896 = arith.constant 1504 : index
    %get3A_897 = tpu.vector_load %arg7[%get3A_896] {strides = array<i32>} : memref<3328xf32, #tpu.memory_space<vmem>>, vector<16xf32>,
    %get3A_898 = vector.shape_cast %get3A_897 : vector<16xf32> to vector<16xf32>
    %add3A_899 = arith.addf %add3A_867, %get3A_898 : vector<16xf32>
    %get3A_900 = arith.constant 1520 : index
    %get3A_901 = tpu.vector_load %arg7[%get3A_900] {strides = array<i32>} : memref<3328xf32, #tpu.memory_space<vmem>>, vector<16xf32>,
    %get3A_902 = vector.shape_cast %get3A_901 : vector<16xf32> to vector<16xf32>
    %add3A_903 = arith.addf %add3A_871, %get3A_902 : vector<16xf32>
    %get3A_904 = arith.constant 1536 : index
    %get3A_905 = tpu.vector_load %arg7[%get3A_904] {strides = array<i32>} : memref<3328xf32, #tpu.memory_space<vmem>>, vector<16xf32>,
    %get3A_906 = vector.shape_cast %get3A_905 : vector<16xf32> to vector<16xf32>
    %add3A_907 = arith.addf %add3A_875, %get3A_906 : vector<16xf32>
    %get3A_908 = arith.constant 1552 : index
    %get3A_909 = tpu.vector_load %arg7[%get3A_908] {strides = array<i32>} : memref<3328xf32, #tpu.memory_space<vmem>>, vector<16xf32>,
    %get3A_910 = vector.shape_cast %get3A_909 : vector<16xf32> to vector<16xf32>
    %add3A_911 = arith.addf %add3A_879, %get3A_910 : vector<16xf32>
    %get3A_912 = arith.constant 1568 : index
    %get3A_913 = tpu.vector_load %arg7[%get3A_912] {strides = array<i32>} : memref<3328xf32, #tpu.memory_space<vmem>>, vector<16xf32>,
    %get3A_914 = vector.shape_cast %get3A_913 : vector<16xf32> to vector<16xf32>
    %add3A_915 = arith.addf %add3A_883, %get3A_914 : vector<16xf32>
    %get3A_916 = arith.constant 1584 : index
    %get3A_917 = tpu.vector_load %arg7[%get3A_916] {strides = array<i32>} : memref<3328xf32, #tpu.memory_space<vmem>>, vector<16xf32>,
    %get3A_918 = vector.shape_cast %get3A_917 : vector<16xf32> to vector<16xf32>
    %add3A_919 = arith.addf %add3A_887, %get3A_918 : vector<16xf32>
    %get3A_920 = arith.constant 1600 : index
    %get3A_921 = tpu.vector_load %arg7[%get3A_920] {strides = array<i32>} : memref<3328xf32, #tpu.memory_space<vmem>>, vector<16xf32>,
    %get3A_922 = vector.shape_cast %get3A_921 : vector<16xf32> to vector<16xf32>
    %add3A_923 = arith.addf %add3A_891, %get3A_922 : vector<16xf32>
    %get3A_924 = arith.constant 1616 : index
    %get3A_925 = tpu.vector_load %arg7[%get3A_924] {strides = array<i32>} : memref<3328xf32, #tpu.memory_space<vmem>>, vector<16xf32>,
    %get3A_926 = vector.shape_cast %get3A_925 : vector<16xf32> to vector<16xf32>
    %add3A_927 = arith.addf %add3A_895, %get3A_926 : vector<16xf32>
    %get3A_928 = arith.constant 1632 : index
    %get3A_929 = tpu.vector_load %arg7[%get3A_928] {strides = array<i32>} : memref<3328xf32, #tpu.memory_space<vmem>>, vector<16xf32>,
    %get3A_930 = vector.shape_cast %get3A_929 : vector<16xf32> to vector<16xf32>
    %add3A_931 = arith.addf %add3A_899, %get3A_930 : vector<16xf32>
    %get3A_932 = arith.constant 1648 : index
    %get3A_933 = tpu.vector_load %arg7[%get3A_932] {strides = array<i32>} : memref<3328xf32, #tpu.memory_space<vmem>>, vector<16xf32>,
    %get3A_934 = vector.shape_cast %get3A_933 : vector<16xf32> to vector<16xf32>
    %add3A_935 = arith.addf %add3A_903, %get3A_934 : vector<16xf32>
    %get3A_936 = arith.constant 1664 : index
    %get3A_937 = tpu.vector_load %arg7[%get3A_936] {strides = array<i32>} : memref<3328xf32, #tpu.memory_space<vmem>>, vector<16xf32>,
    %get3A_938 = vector.shape_cast %get3A_937 : vector<16xf32> to vector<16xf32>
    %add3A_939 = arith.addf %add3A_907, %get3A_938 : vector<16xf32>
    %get3A_940 = arith.constant 1680 : index
    %get3A_941 = tpu.vector_load %arg7[%get3A_940] {strides = array<i32>} : memref<3328xf32, #tpu.memory_space<vmem>>, vector<16xf32>,
    %get3A_942 = vector.shape_cast %get3A_941 : vector<16xf32> to vector<16xf32>
    %add3A_943 = arith.addf %add3A_911, %get3A_942 : vector<16xf32>
    %get3A_944 = arith.constant 1696 : index
    %get3A_945 = tpu.vector_load %arg7[%get3A_944] {strides = array<i32>} : memref<3328xf32, #tpu.memory_space<vmem>>, vector<16xf32>,
    %get3A_946 = vector.shape_cast %get3A_945 : vector<16xf32> to vector<16xf32>
    %add3A_947 = arith.addf %add3A_915, %get3A_946 : vector<16xf32>
    %get3A_948 = arith.constant 1712 : index
    %get3A_949 = tpu.vector_load %arg7[%get3A_948] {strides = array<i32>} : memref<3328xf32, #tpu.memory_space<vmem>>, vector<16xf32>,
    %get3A_950 = vector.shape_cast %get3A_949 : vector<16xf32> to vector<16xf32>
    %add3A_951 = arith.addf %add3A_919, %get3A_950 : vector<16xf32>
    %get3A_952 = arith.constant 1728 : index
    %get3A_953 = tpu.vector_load %arg7[%get3A_952] {strides = array<i32>} : memref<3328xf32, #tpu.memory_space<vmem>>, vector<16xf32>,
    %get3A_954 = vector.shape_cast %get3A_953 : vector<16xf32> to vector<16xf32>
    %add3A_955 = arith.addf %add3A_923, %get3A_954 : vector<16xf32>
    %get3A_956 = arith.constant 1744 : index
    %get3A_957 = tpu.vector_load %arg7[%get3A_956] {strides = array<i32>} : memref<3328xf32, #tpu.memory_space<vmem>>, vector<16xf32>,
    %get3A_958 = vector.shape_cast %get3A_957 : vector<16xf32> to vector<16xf32>
    %add3A_959 = arith.addf %add3A_927, %get3A_958 : vector<16xf32>
    %get3A_960 = arith.constant 1760 : index
    %get3A_961 = tpu.vector_load %arg7[%get3A_960] {strides = array<i32>} : memref<3328xf32, #tpu.memory_space<vmem>>, vector<16xf32>,
    %get3A_962 = vector.shape_cast %get3A_961 : vector<16xf32> to vector<16xf32>
    %add3A_963 = arith.addf %add3A_931, %get3A_962 : vector<16xf32>
    %get3A_964 = arith.constant 1776 : index
    %get3A_965 = tpu.vector_load %arg7[%get3A_964] {strides = array<i32>} : memref<3328xf32, #tpu.memory_space<vmem>>, vector<16xf32>,
    %get3A_966 = vector.shape_cast %get3A_965 : vector<16xf32> to vector<16xf32>
    %add3A_967 = arith.addf %add3A_935, %get3A_966 : vector<16xf32>
    %get3A_968 = arith.constant 1792 : index
    %get3A_969 = tpu.vector_load %arg7[%get3A_968] {strides = array<i32>} : memref<3328xf32, #tpu.memory_space<vmem>>, vector<16xf32>,
    %get3A_970 = vector.shape_cast %get3A_969 : vector<16xf32> to vector<16xf32>
    %add3A_971 = arith.addf %add3A_939, %get3A_970 : vector<16xf32>
    %get3A_972 = arith.constant 1808 : index
    %get3A_973 = tpu.vector_load %arg7[%get3A_972] {strides = array<i32>} : memref<3328xf32, #tpu.memory_space<vmem>>, vector<16xf32>,
    %get3A_974 = vector.shape_cast %get3A_973 : vector<16xf32> to vector<16xf32>
    %add3A_975 = arith.addf %add3A_943, %get3A_974 : vector<16xf32>
    %get3A_976 = arith.constant 1824 : index
    %get3A_977 = tpu.vector_load %arg7[%get3A_976] {strides = array<i32>} : memref<3328xf32, #tpu.memory_space<vmem>>, vector<16xf32>,
    %get3A_978 = vector.shape_cast %get3A_977 : vector<16xf32> to vector<16xf32>
    %add3A_979 = arith.addf %add3A_947, %get3A_978 : vector<16xf32>
    %get3A_980 = arith.constant 1840 : index
    %get3A_981 = tpu.vector_load %arg7[%get3A_980] {strides = array<i32>} : memref<3328xf32, #tpu.memory_space<vmem>>, vector<16xf32>,
    %get3A_982 = vector.shape_cast %get3A_981 : vector<16xf32> to vector<16xf32>
    %add3A_983 = arith.addf %add3A_951, %get3A_982 : vector<16xf32>
    %get3A_984 = arith.constant 1856 : index
    %get3A_985 = tpu.vector_load %arg7[%get3A_984] {strides = array<i32>} : memref<3328xf32, #tpu.memory_space<vmem>>, vector<16xf32>,
    %get3A_986 = vector.shape_cast %get3A_985 : vector<16xf32> to vector<16xf32>
    %add3A_987 = arith.addf %add3A_955, %get3A_986 : vector<16xf32>
    %get3A_988 = arith.constant 1872 : index
    %get3A_989 = tpu.vector_load %arg7[%get3A_988] {strides = array<i32>} : memref<3328xf32, #tpu.memory_space<vmem>>, vector<16xf32>,
    %get3A_990 = vector.shape_cast %get3A_989 : vector<16xf32> to vector<16xf32>
    %add3A_991 = arith.addf %add3A_959, %get3A_990 : vector<16xf32>
    %get3A_992 = arith.constant 1888 : index
    %get3A_993 = tpu.vector_load %arg7[%get3A_992] {strides = array<i32>} : memref<3328xf32, #tpu.memory_space<vmem>>, vector<16xf32>,
    %get3A_994 = vector.shape_cast %get3A_993 : vector<16xf32> to vector<16xf32>
    %add3A_995 = arith.addf %add3A_963, %get3A_994 : vector<16xf32>
    %get3A_996 = arith.constant 1904 : index
    %get3A_997 = tpu.vector_load %arg7[%get3A_996] {strides = array<i32>} : memref<3328xf32, #tpu.memory_space<vmem>>, vector<16xf32>,
    %get3A_998 = vector.shape_cast %get3A_997 : vector<16xf32> to vector<16xf32>
    %add3A_999 = arith.addf %add3A_967, %get3A_998 : vector<16xf32>
    %get3A_1000 = arith.constant 1920 : index
    %get3A_1001 = tpu.vector_load %arg7[%get3A_1000] {strides = array<i32>} : memref<3328xf32, #tpu.memory_space<vmem>>, vector<16xf32>,
    %get3A_1002 = vector.shape_cast %get3A_1001 : vector<16xf32> to vector<16xf32>
    %add3A_1003 = arith.addf %add3A_971, %get3A_1002 : vector<16xf32>
    %get3A_1004 = arith.constant 1936 : index
    %get3A_1005 = tpu.vector_load %arg7[%get3A_1004] {strides = array<i32>} : memref<3328xf32, #tpu.memory_space<vmem>>, vector<16xf32>,
    %get3A_1006 = vector.shape_cast %get3A_1005 : vector<16xf32> to vector<16xf32>
    %add3A_1007 = arith.addf %add3A_975, %get3A_1006 : vector<16xf32>
    %get3A_1008 = arith.constant 1952 : index
    %get3A_1009 = tpu.vector_load %arg7[%get3A_1008] {strides = array<i32>} : memref<3328xf32, #tpu.memory_space<vmem>>, vector<16xf32>,
    %get3A_1010 = vector.shape_cast %get3A_1009 : vector<16xf32> to vector<16xf32>
    %add3A_1011 = arith.addf %add3A_979, %get3A_1010 : vector<16xf32>
    %get3A_1012 = arith.constant 1968 : index
    %get3A_1013 = tpu.vector_load %arg7[%get3A_1012] {strides = array<i32>} : memref<3328xf32, #tpu.memory_space<vmem>>, vector<16xf32>,
    %get3A_1014 = vector.shape_cast %get3A_1013 : vector<16xf32> to vector<16xf32>
    %add3A_1015 = arith.addf %add3A_983, %get3A_1014 : vector<16xf32>
    %get3A_1016 = arith.constant 1984 : index
    %get3A_1017 = tpu.vector_load %arg7[%get3A_1016] {strides = array<i32>} : memref<3328xf32, #tpu.memory_space<vmem>>, vector<16xf32>,
    %get3A_1018 = vector.shape_cast %get3A_1017 : vector<16xf32> to vector<16xf32>
    %add3A_1019 = arith.addf %add3A_987, %get3A_1018 : vector<16xf32>
    %get3A_1020 = arith.constant 2000 : index
    %get3A_1021 = tpu.vector_load %arg7[%get3A_1020] {strides = array<i32>} : memref<3328xf32, #tpu.memory_space<vmem>>, vector<16xf32>,
    %get3A_1022 = vector.shape_cast %get3A_1021 : vector<16xf32> to vector<16xf32>
    %add3A_1023 = arith.addf %add3A_991, %get3A_1022 : vector<16xf32>
    %get3A_1024 = arith.constant 2016 : index
    %get3A_1025 = tpu.vector_load %arg7[%get3A_1024] {strides = array<i32>} : memref<3328xf32, #tpu.memory_space<vmem>>, vector<16xf32>,
    %get3A_1026 = vector.shape_cast %get3A_1025 : vector<16xf32> to vector<16xf32>
    %add3A_1027 = arith.addf %add3A_995, %get3A_1026 : vector<16xf32>
    %get3A_1028 = arith.constant 2032 : index
    %get3A_1029 = tpu.vector_load %arg7[%get3A_1028] {strides = array<i32>} : memref<3328xf32, #tpu.memory_space<vmem>>, vector<16xf32>,
    %get3A_1030 = vector.shape_cast %get3A_1029 : vector<16xf32> to vector<16xf32>
    %add3A_1031 = arith.addf %add3A_999, %get3A_1030 : vector<16xf32>
    %get3A_1032 = arith.constant 2048 : index
    %get3A_1033 = tpu.vector_load %arg7[%get3A_1032] {strides = array<i32>} : memref<3328xf32, #tpu.memory_space<vmem>>, vector<16xf32>,
    %get3A_1034 = vector.shape_cast %get3A_1033 : vector<16xf32> to vector<16xf32>
    %add3A_1035 = arith.addf %add3A_1003, %get3A_1034 : vector<16xf32>
    %get3A_1036 = arith.constant 2064 : index
    %get3A_1037 = tpu.vector_load %arg7[%get3A_1036] {strides = array<i32>} : memref<3328xf32, #tpu.memory_space<vmem>>, vector<16xf32>,
    %get3A_1038 = vector.shape_cast %get3A_1037 : vector<16xf32> to vector<16xf32>
    %add3A_1039 = arith.addf %add3A_1007, %get3A_1038 : vector<16xf32>
    %get3A_1040 = arith.constant 2080 : index
    %get3A_1041 = tpu.vector_load %arg7[%get3A_1040] {strides = array<i32>} : memref<3328xf32, #tpu.memory_space<vmem>>, vector<16xf32>,
    %get3A_1042 = vector.shape_cast %get3A_1041 : vector<16xf32> to vector<16xf32>
    %add3A_1043 = arith.addf %add3A_1011, %get3A_1042 : vector<16xf32>
    %get3A_1044 = arith.constant 2096 : index
    %get3A_1045 = tpu.vector_load %arg7[%get3A_1044] {strides = array<i32>} : memref<3328xf32, #tpu.memory_space<vmem>>, vector<16xf32>,
    %get3A_1046 = vector.shape_cast %get3A_1045 : vector<16xf32> to vector<16xf32>
    %add3A_1047 = arith.addf %add3A_1015, %get3A_1046 : vector<16xf32>
    %get3A_1048 = arith.constant 2112 : index
    %get3A_1049 = tpu.vector_load %arg7[%get3A_1048] {strides = array<i32>} : memref<3328xf32, #tpu.memory_space<vmem>>, vector<16xf32>,
    %get3A_1050 = vector.shape_cast %get3A_1049 : vector<16xf32> to vector<16xf32>
    %add3A_1051 = arith.addf %add3A_1019, %get3A_1050 : vector<16xf32>
    %get3A_1052 = arith.constant 2128 : index
    %get3A_1053 = tpu.vector_load %arg7[%get3A_1052] {strides = array<i32>} : memref<3328xf32, #tpu.memory_space<vmem>>, vector<16xf32>,
    %get3A_1054 = vector.shape_cast %get3A_1053 : vector<16xf32> to vector<16xf32>
    %add3A_1055 = arith.addf %add3A_1023, %get3A_1054 : vector<16xf32>
    %get3A_1056 = arith.constant 2144 : index
    %get3A_1057 = tpu.vector_load %arg7[%get3A_1056] {strides = array<i32>} : memref<3328xf32, #tpu.memory_space<vmem>>, vector<16xf32>,
    %get3A_1058 = vector.shape_cast %get3A_1057 : vector<16xf32> to vector<16xf32>
    %add3A_1059 = arith.addf %add3A_1027, %get3A_1058 : vector<16xf32>
    %get3A_1060 = arith.constant 2160 : index
    %get3A_1061 = tpu.vector_load %arg7[%get3A_1060] {strides = array<i32>} : memref<3328xf32, #tpu.memory_space<vmem>>, vector<16xf32>,
    %get3A_1062 = vector.shape_cast %get3A_1061 : vector<16xf32> to vector<16xf32>
    %add3A_1063 = arith.addf %add3A_1031, %get3A_1062 : vector<16xf32>
    %get3A_1064 = arith.constant 2176 : index
    %get3A_1065 = tpu.vector_load %arg7[%get3A_1064] {strides = array<i32>} : memref<3328xf32, #tpu.memory_space<vmem>>, vector<16xf32>,
    %get3A_1066 = vector.shape_cast %get3A_1065 : vector<16xf32> to vector<16xf32>
    %add3A_1067 = arith.addf %add3A_1035, %get3A_1066 : vector<16xf32>
    %get3A_1068 = arith.constant 2192 : index
    %get3A_1069 = tpu.vector_load %arg7[%get3A_1068] {strides = array<i32>} : memref<3328xf32, #tpu.memory_space<vmem>>, vector<16xf32>,
    %get3A_1070 = vector.shape_cast %get3A_1069 : vector<16xf32> to vector<16xf32>
    %add3A_1071 = arith.addf %add3A_1039, %get3A_1070 : vector<16xf32>
    %get3A_1072 = arith.constant 2208 : index
    %get3A_1073 = tpu.vector_load %arg7[%get3A_1072] {strides = array<i32>} : memref<3328xf32, #tpu.memory_space<vmem>>, vector<16xf32>,
    %get3A_1074 = vector.shape_cast %get3A_1073 : vector<16xf32> to vector<16xf32>
    %add3A_1075 = arith.addf %add3A_1043, %get3A_1074 : vector<16xf32>
    %get3A_1076 = arith.constant 2224 : index
    %get3A_1077 = tpu.vector_load %arg7[%get3A_1076] {strides = array<i32>} : memref<3328xf32, #tpu.memory_space<vmem>>, vector<16xf32>,
    %get3A_1078 = vector.shape_cast %get3A_1077 : vector<16xf32> to vector<16xf32>
    %add3A_1079 = arith.addf %add3A_1047, %get3A_1078 : vector<16xf32>
    %get3A_1080 = arith.constant 2240 : index
    %get3A_1081 = tpu.vector_load %arg7[%get3A_1080] {strides = array<i32>} : memref<3328xf32, #tpu.memory_space<vmem>>, vector<16xf32>,
    %get3A_1082 = vector.shape_cast %get3A_1081 : vector<16xf32> to vector<16xf32>
    %add3A_1083 = arith.addf %add3A_1051, %get3A_1082 : vector<16xf32>
    %get3A_1084 = arith.constant 2256 : index
    %get3A_1085 = tpu.vector_load %arg7[%get3A_1084] {strides = array<i32>} : memref<3328xf32, #tpu.memory_space<vmem>>, vector<16xf32>,
    %get3A_1086 = vector.shape_cast %get3A_1085 : vector<16xf32> to vector<16xf32>
    %add3A_1087 = arith.addf %add3A_1055, %get3A_1086 : vector<16xf32>
    %get3A_1088 = arith.constant 2272 : index
    %get3A_1089 = tpu.vector_load %arg7[%get3A_1088] {strides = array<i32>} : memref<3328xf32, #tpu.memory_space<vmem>>, vector<16xf32>,
    %get3A_1090 = vector.shape_cast %get3A_1089 : vector<16xf32> to vector<16xf32>
    %add3A_1091 = arith.addf %add3A_1059, %get3A_1090 : vector<16xf32>
    %get3A_1092 = arith.constant 2288 : index
    %get3A_1093 = tpu.vector_load %arg7[%get3A_1092] {strides = array<i32>} : memref<3328xf32, #tpu.memory_space<vmem>>, vector<16xf32>,
    %get3A_1094 = vector.shape_cast %get3A_1093 : vector<16xf32> to vector<16xf32>
    %add3A_1095 = arith.addf %add3A_1063, %get3A_1094 : vector<16xf32>
    %get3A_1096 = arith.constant 2304 : index
    %get3A_1097 = tpu.vector_load %arg7[%get3A_1096] {strides = array<i32>} : memref<3328xf32, #tpu.memory_space<vmem>>, vector<16xf32>,
    %get3A_1098 = vector.shape_cast %get3A_1097 : vector<16xf32> to vector<16xf32>
    %add3A_1099 = arith.addf %add3A_1067, %get3A_1098 : vector<16xf32>
    %get3A_1100 = arith.constant 2320 : index
    %get3A_1101 = tpu.vector_load %arg7[%get3A_1100] {strides = array<i32>} : memref<3328xf32, #tpu.memory_space<vmem>>, vector<16xf32>,
    %get3A_1102 = vector.shape_cast %get3A_1101 : vector<16xf32> to vector<16xf32>
    %add3A_1103 = arith.addf %add3A_1071, %get3A_1102 : vector<16xf32>
    %get3A_1104 = arith.constant 2336 : index
    %get3A_1105 = tpu.vector_load %arg7[%get3A_1104] {strides = array<i32>} : memref<3328xf32, #tpu.memory_space<vmem>>, vector<16xf32>,
    %get3A_1106 = vector.shape_cast %get3A_1105 : vector<16xf32> to vector<16xf32>
    %add3A_1107 = arith.addf %add3A_1075, %get3A_1106 : vector<16xf32>
    %get3A_1108 = arith.constant 2352 : index
    %get3A_1109 = tpu.vector_load %arg7[%get3A_1108] {strides = array<i32>} : memref<3328xf32, #tpu.memory_space<vmem>>, vector<16xf32>,
    %get3A_1110 = vector.shape_cast %get3A_1109 : vector<16xf32> to vector<16xf32>
    %add3A_1111 = arith.addf %add3A_1079, %get3A_1110 : vector<16xf32>
    %get3A_1112 = arith.constant 2368 : index
    %get3A_1113 = tpu.vector_load %arg7[%get3A_1112] {strides = array<i32>} : memref<3328xf32, #tpu.memory_space<vmem>>, vector<16xf32>,
    %get3A_1114 = vector.shape_cast %get3A_1113 : vector<16xf32> to vector<16xf32>
    %add3A_1115 = arith.addf %add3A_1083, %get3A_1114 : vector<16xf32>
    %get3A_1116 = arith.constant 2384 : index
    %get3A_1117 = tpu.vector_load %arg7[%get3A_1116] {strides = array<i32>} : memref<3328xf32, #tpu.memory_space<vmem>>, vector<16xf32>,
    %get3A_1118 = vector.shape_cast %get3A_1117 : vector<16xf32> to vector<16xf32>
    %add3A_1119 = arith.addf %add3A_1087, %get3A_1118 : vector<16xf32>
    %get3A_1120 = arith.constant 2400 : index
    %get3A_1121 = tpu.vector_load %arg7[%get3A_1120] {strides = array<i32>} : memref<3328xf32, #tpu.memory_space<vmem>>, vector<16xf32>,
    %get3A_1122 = vector.shape_cast %get3A_1121 : vector<16xf32> to vector<16xf32>
    %add3A_1123 = arith.addf %add3A_1091, %get3A_1122 : vector<16xf32>
    %get3A_1124 = arith.constant 2416 : index
    %get3A_1125 = tpu.vector_load %arg7[%get3A_1124] {strides = array<i32>} : memref<3328xf32, #tpu.memory_space<vmem>>, vector<16xf32>,
    %get3A_1126 = vector.shape_cast %get3A_1125 : vector<16xf32> to vector<16xf32>
    %add3A_1127 = arith.addf %add3A_1095, %get3A_1126 : vector<16xf32>
    %get3A_1128 = arith.constant 2432 : index
    %get3A_1129 = tpu.vector_load %arg7[%get3A_1128] {strides = array<i32>} : memref<3328xf32, #tpu.memory_space<vmem>>, vector<16xf32>,
    %get3A_1130 = vector.shape_cast %get3A_1129 : vector<16xf32> to vector<16xf32>
    %add3A_1131 = arith.addf %add3A_1099, %get3A_1130 : vector<16xf32>
    %get3A_1132 = arith.constant 2448 : index
    %get3A_1133 = tpu.vector_load %arg7[%get3A_1132] {strides = array<i32>} : memref<3328xf32, #tpu.memory_space<vmem>>, vector<16xf32>,
    %get3A_1134 = vector.shape_cast %get3A_1133 : vector<16xf32> to vector<16xf32>
    %add3A_1135 = arith.addf %add3A_1103, %get3A_1134 : vector<16xf32>
    %get3A_1136 = arith.constant 2464 : index
    %get3A_1137 = tpu.vector_load %arg7[%get3A_1136] {strides = array<i32>} : memref<3328xf32, #tpu.memory_space<vmem>>, vector<16xf32>,
    %get3A_1138 = vector.shape_cast %get3A_1137 : vector<16xf32> to vector<16xf32>
    %add3A_1139 = arith.addf %add3A_1107, %get3A_1138 : vector<16xf32>
    %get3A_1140 = arith.constant 2480 : index
    %get3A_1141 = tpu.vector_load %arg7[%get3A_1140] {strides = array<i32>} : memref<3328xf32, #tpu.memory_space<vmem>>, vector<16xf32>,
    %get3A_1142 = vector.shape_cast %get3A_1141 : vector<16xf32> to vector<16xf32>
    %add3A_1143 = arith.addf %add3A_1111, %get3A_1142 : vector<16xf32>
    %get3A_1144 = arith.constant 2496 : index
    %get3A_1145 = tpu.vector_load %arg7[%get3A_1144] {strides = array<i32>} : memref<3328xf32, #tpu.memory_space<vmem>>, vector<16xf32>,
    %get3A_1146 = vector.shape_cast %get3A_1145 : vector<16xf32> to vector<16xf32>
    %add3A_1147 = arith.addf %add3A_1115, %get3A_1146 : vector<16xf32>
    %get3A_1148 = arith.constant 2512 : index
    %get3A_1149 = tpu.vector_load %arg7[%get3A_1148] {strides = array<i32>} : memref<3328xf32, #tpu.memory_space<vmem>>, vector<16xf32>,
    %get3A_1150 = vector.shape_cast %get3A_1149 : vector<16xf32> to vector<16xf32>
    %add3A_1151 = arith.addf %add3A_1119, %get3A_1150 : vector<16xf32>
    %get3A_1152 = arith.constant 2528 : index
    %get3A_1153 = tpu.vector_load %arg7[%get3A_1152] {strides = array<i32>} : memref<3328xf32, #tpu.memory_space<vmem>>, vector<16xf32>,
    %get3A_1154 = vector.shape_cast %get3A_1153 : vector<16xf32> to vector<16xf32>
    %add3A_1155 = arith.addf %add3A_1123, %get3A_1154 : vector<16xf32>
    %get3A_1156 = arith.constant 2544 : index
    %get3A_1157 = tpu.vector_load %arg7[%get3A_1156] {strides = array<i32>} : memref<3328xf32, #tpu.memory_space<vmem>>, vector<16xf32>,
    %get3A_1158 = vector.shape_cast %get3A_1157 : vector<16xf32> to vector<16xf32>
    %add3A_1159 = arith.addf %add3A_1127, %get3A_1158 : vector<16xf32>
    %get3A_1160 = arith.constant 2560 : index
    %get3A_1161 = tpu.vector_load %arg7[%get3A_1160] {strides = array<i32>} : memref<3328xf32, #tpu.memory_space<vmem>>, vector<16xf32>,
    %get3A_1162 = vector.shape_cast %get3A_1161 : vector<16xf32> to vector<16xf32>
    %add3A_1163 = arith.addf %add3A_1131, %get3A_1162 : vector<16xf32>
    %get3A_1164 = arith.constant 2576 : index
    %get3A_1165 = tpu.vector_load %arg7[%get3A_1164] {strides = array<i32>} : memref<3328xf32, #tpu.memory_space<vmem>>, vector<16xf32>,
    %get3A_1166 = vector.shape_cast %get3A_1165 : vector<16xf32> to vector<16xf32>
    %add3A_1167 = arith.addf %add3A_1135, %get3A_1166 : vector<16xf32>
    %get3A_1168 = arith.constant 2592 : index
    %get3A_1169 = tpu.vector_load %arg7[%get3A_1168] {strides = array<i32>} : memref<3328xf32, #tpu.memory_space<vmem>>, vector<16xf32>,
    %get3A_1170 = vector.shape_cast %get3A_1169 : vector<16xf32> to vector<16xf32>
    %add3A_1171 = arith.addf %add3A_1139, %get3A_1170 : vector<16xf32>
    %get3A_1172 = arith.constant 2608 : index
    %get3A_1173 = tpu.vector_load %arg7[%get3A_1172] {strides = array<i32>} : memref<3328xf32, #tpu.memory_space<vmem>>, vector<16xf32>,
    %get3A_1174 = vector.shape_cast %get3A_1173 : vector<16xf32> to vector<16xf32>
    %add3A_1175 = arith.addf %add3A_1143, %get3A_1174 : vector<16xf32>
    %get3A_1176 = arith.constant 2624 : index
    %get3A_1177 = tpu.vector_load %arg7[%get3A_1176] {strides = array<i32>} : memref<3328xf32, #tpu.memory_space<vmem>>, vector<16xf32>,
    %get3A_1178 = vector.shape_cast %get3A_1177 : vector<16xf32> to vector<16xf32>
    %add3A_1179 = arith.addf %add3A_1147, %get3A_1178 : vector<16xf32>
    %get3A_1180 = arith.constant 2640 : index
    %get3A_1181 = tpu.vector_load %arg7[%get3A_1180] {strides = array<i32>} : memref<3328xf32, #tpu.memory_space<vmem>>, vector<16xf32>,
    %get3A_1182 = vector.shape_cast %get3A_1181 : vector<16xf32> to vector<16xf32>
    %add3A_1183 = arith.addf %add3A_1151, %get3A_1182 : vector<16xf32>
    %get3A_1184 = arith.constant 2656 : index
    %get3A_1185 = tpu.vector_load %arg7[%get3A_1184] {strides = array<i32>} : memref<3328xf32, #tpu.memory_space<vmem>>, vector<16xf32>,
    %get3A_1186 = vector.shape_cast %get3A_1185 : vector<16xf32> to vector<16xf32>
    %add3A_1187 = arith.addf %add3A_1155, %get3A_1186 : vector<16xf32>
    %get3A_1188 = arith.constant 2672 : index
    %get3A_1189 = tpu.vector_load %arg7[%get3A_1188] {strides = array<i32>} : memref<3328xf32, #tpu.memory_space<vmem>>, vector<16xf32>,
    %get3A_1190 = vector.shape_cast %get3A_1189 : vector<16xf32> to vector<16xf32>
    %add3A_1191 = arith.addf %add3A_1159, %get3A_1190 : vector<16xf32>
    %get3A_1192 = arith.constant 2688 : index
    %get3A_1193 = tpu.vector_load %arg7[%get3A_1192] {strides = array<i32>} : memref<3328xf32, #tpu.memory_space<vmem>>, vector<16xf32>,
    %get3A_1194 = vector.shape_cast %get3A_1193 : vector<16xf32> to vector<16xf32>
    %add3A_1195 = arith.addf %add3A_1163, %get3A_1194 : vector<16xf32>
    %get3A_1196 = arith.constant 2704 : index
    %get3A_1197 = tpu.vector_load %arg7[%get3A_1196] {strides = array<i32>} : memref<3328xf32, #tpu.memory_space<vmem>>, vector<16xf32>,
    %get3A_1198 = vector.shape_cast %get3A_1197 : vector<16xf32> to vector<16xf32>
    %add3A_1199 = arith.addf %add3A_1167, %get3A_1198 : vector<16xf32>
    %get3A_1200 = arith.constant 2720 : index
    %get3A_1201 = tpu.vector_load %arg7[%get3A_1200] {strides = array<i32>} : memref<3328xf32, #tpu.memory_space<vmem>>, vector<16xf32>,
    %get3A_1202 = vector.shape_cast %get3A_1201 : vector<16xf32> to vector<16xf32>
    %add3A_1203 = arith.addf %add3A_1171, %get3A_1202 : vector<16xf32>
    %get3A_1204 = arith.constant 2736 : index
    %get3A_1205 = tpu.vector_load %arg7[%get3A_1204] {strides = array<i32>} : memref<3328xf32, #tpu.memory_space<vmem>>, vector<16xf32>,
    %get3A_1206 = vector.shape_cast %get3A_1205 : vector<16xf32> to vector<16xf32>
    %add3A_1207 = arith.addf %add3A_1175, %get3A_1206 : vector<16xf32>
    %get3A_1208 = arith.constant 2752 : index
    %get3A_1209 = tpu.vector_load %arg7[%get3A_1208] {strides = array<i32>} : memref<3328xf32, #tpu.memory_space<vmem>>, vector<16xf32>,
    %get3A_1210 = vector.shape_cast %get3A_1209 : vector<16xf32> to vector<16xf32>
    %add3A_1211 = arith.addf %add3A_1179, %get3A_1210 : vector<16xf32>
    %get3A_1212 = arith.constant 2768 : index
    %get3A_1213 = tpu.vector_load %arg7[%get3A_1212] {strides = array<i32>} : memref<3328xf32, #tpu.memory_space<vmem>>, vector<16xf32>,
    %get3A_1214 = vector.shape_cast %get3A_1213 : vector<16xf32> to vector<16xf32>
    %add3A_1215 = arith.addf %add3A_1183, %get3A_1214 : vector<16xf32>
    %get3A_1216 = arith.constant 2784 : index
    %get3A_1217 = tpu.vector_load %arg7[%get3A_1216] {strides = array<i32>} : memref<3328xf32, #tpu.memory_space<vmem>>, vector<16xf32>,
    %get3A_1218 = vector.shape_cast %get3A_1217 : vector<16xf32> to vector<16xf32>
    %add3A_1219 = arith.addf %add3A_1187, %get3A_1218 : vector<16xf32>
    %get3A_1220 = arith.constant 2800 : index
    %get3A_1221 = tpu.vector_load %arg7[%get3A_1220] {strides = array<i32>} : memref<3328xf32, #tpu.memory_space<vmem>>, vector<16xf32>,
    %get3A_1222 = vector.shape_cast %get3A_1221 : vector<16xf32> to vector<16xf32>
    %add3A_1223 = arith.addf %add3A_1191, %get3A_1222 : vector<16xf32>
    %get3A_1224 = arith.constant 2816 : index
    %get3A_1225 = tpu.vector_load %arg7[%get3A_1224] {strides = array<i32>} : memref<3328xf32, #tpu.memory_space<vmem>>, vector<16xf32>,
    %get3A_1226 = vector.shape_cast %get3A_1225 : vector<16xf32> to vector<16xf32>
    %add3A_1227 = arith.addf %add3A_1195, %get3A_1226 : vector<16xf32>
    %get3A_1228 = arith.constant 2832 : index
    %get3A_1229 = tpu.vector_load %arg7[%get3A_1228] {strides = array<i32>} : memref<3328xf32, #tpu.memory_space<vmem>>, vector<16xf32>,
    %get3A_1230 = vector.shape_cast %get3A_1229 : vector<16xf32> to vector<16xf32>
    %add3A_1231 = arith.addf %add3A_1199, %get3A_1230 : vector<16xf32>
    %get3A_1232 = arith.constant 2848 : index
    %get3A_1233 = tpu.vector_load %arg7[%get3A_1232] {strides = array<i32>} : memref<3328xf32, #tpu.memory_space<vmem>>, vector<16xf32>,
    %get3A_1234 = vector.shape_cast %get3A_1233 : vector<16xf32> to vector<16xf32>
    %add3A_1235 = arith.addf %add3A_1203, %get3A_1234 : vector<16xf32>
    %get3A_1236 = arith.constant 2864 : index
    %get3A_1237 = tpu.vector_load %arg7[%get3A_1236] {strides = array<i32>} : memref<3328xf32, #tpu.memory_space<vmem>>, vector<16xf32>,
    %get3A_1238 = vector.shape_cast %get3A_1237 : vector<16xf32> to vector<16xf32>
    %add3A_1239 = arith.addf %add3A_1207, %get3A_1238 : vector<16xf32>
    %get3A_1240 = arith.constant 2880 : index
    %get3A_1241 = tpu.vector_load %arg7[%get3A_1240] {strides = array<i32>} : memref<3328xf32, #tpu.memory_space<vmem>>, vector<16xf32>,
    %get3A_1242 = vector.shape_cast %get3A_1241 : vector<16xf32> to vector<16xf32>
    %add3A_1243 = arith.addf %add3A_1211, %get3A_1242 : vector<16xf32>
    %get3A_1244 = arith.constant 2896 : index
    %get3A_1245 = tpu.vector_load %arg7[%get3A_1244] {strides = array<i32>} : memref<3328xf32, #tpu.memory_space<vmem>>, vector<16xf32>,
    %get3A_1246 = vector.shape_cast %get3A_1245 : vector<16xf32> to vector<16xf32>
    %add3A_1247 = arith.addf %add3A_1215, %get3A_1246 : vector<16xf32>
    %get3A_1248 = arith.constant 2912 : index
    %get3A_1249 = tpu.vector_load %arg7[%get3A_1248] {strides = array<i32>} : memref<3328xf32, #tpu.memory_space<vmem>>, vector<16xf32>,
    %get3A_1250 = vector.shape_cast %get3A_1249 : vector<16xf32> to vector<16xf32>
    %add3A_1251 = arith.addf %add3A_1219, %get3A_1250 : vector<16xf32>
    %get3A_1252 = arith.constant 2928 : index
    %get3A_1253 = tpu.vector_load %arg7[%get3A_1252] {strides = array<i32>} : memref<3328xf32, #tpu.memory_space<vmem>>, vector<16xf32>,
    %get3A_1254 = vector.shape_cast %get3A_1253 : vector<16xf32> to vector<16xf32>
    %add3A_1255 = arith.addf %add3A_1223, %get3A_1254 : vector<16xf32>
    %get3A_1256 = arith.constant 2944 : index
    %get3A_1257 = tpu.vector_load %arg7[%get3A_1256] {strides = array<i32>} : memref<3328xf32, #tpu.memory_space<vmem>>, vector<16xf32>,
    %get3A_1258 = vector.shape_cast %get3A_1257 : vector<16xf32> to vector<16xf32>
    %add3A_1259 = arith.addf %add3A_1227, %get3A_1258 : vector<16xf32>
    %get3A_1260 = arith.constant 2960 : index
    %get3A_1261 = tpu.vector_load %arg7[%get3A_1260] {strides = array<i32>} : memref<3328xf32, #tpu.memory_space<vmem>>, vector<16xf32>,
    %get3A_1262 = vector.shape_cast %get3A_1261 : vector<16xf32> to vector<16xf32>
    %add3A_1263 = arith.addf %add3A_1231, %get3A_1262 : vector<16xf32>
    %get3A_1264 = arith.constant 2976 : index
    %get3A_1265 = tpu.vector_load %arg7[%get3A_1264] {strides = array<i32>} : memref<3328xf32, #tpu.memory_space<vmem>>, vector<16xf32>,
    %get3A_1266 = vector.shape_cast %get3A_1265 : vector<16xf32> to vector<16xf32>
    %add3A_1267 = arith.addf %add3A_1235, %get3A_1266 : vector<16xf32>
    %get3A_1268 = arith.constant 2992 : index
    %get3A_1269 = tpu.vector_load %arg7[%get3A_1268] {strides = array<i32>} : memref<3328xf32, #tpu.memory_space<vmem>>, vector<16xf32>,
    %get3A_1270 = vector.shape_cast %get3A_1269 : vector<16xf32> to vector<16xf32>
    %add3A_1271 = arith.addf %add3A_1239, %get3A_1270 : vector<16xf32>
    %get3A_1272 = arith.constant 3008 : index
    %get3A_1273 = tpu.vector_load %arg7[%get3A_1272] {strides = array<i32>} : memref<3328xf32, #tpu.memory_space<vmem>>, vector<16xf32>,
    %get3A_1274 = vector.shape_cast %get3A_1273 : vector<16xf32> to vector<16xf32>
    %add3A_1275 = arith.addf %add3A_1243, %get3A_1274 : vector<16xf32>
    %get3A_1276 = arith.constant 3024 : index
    %get3A_1277 = tpu.vector_load %arg7[%get3A_1276] {strides = array<i32>} : memref<3328xf32, #tpu.memory_space<vmem>>, vector<16xf32>,
    %get3A_1278 = vector.shape_cast %get3A_1277 : vector<16xf32> to vector<16xf32>
    %add3A_1279 = arith.addf %add3A_1247, %get3A_1278 : vector<16xf32>
    %get3A_1280 = arith.constant 3040 : index
    %get3A_1281 = tpu.vector_load %arg7[%get3A_1280] {strides = array<i32>} : memref<3328xf32, #tpu.memory_space<vmem>>, vector<16xf32>,
    %get3A_1282 = vector.shape_cast %get3A_1281 : vector<16xf32> to vector<16xf32>
    %add3A_1283 = arith.addf %add3A_1251, %get3A_1282 : vector<16xf32>
    %get3A_1284 = arith.constant 3056 : index
    %get3A_1285 = tpu.vector_load %arg7[%get3A_1284] {strides = array<i32>} : memref<3328xf32, #tpu.memory_space<vmem>>, vector<16xf32>,
    %get3A_1286 = vector.shape_cast %get3A_1285 : vector<16xf32> to vector<16xf32>
    %add3A_1287 = arith.addf %add3A_1255, %get3A_1286 : vector<16xf32>
    %get3A_1288 = arith.constant 3072 : index
    %get3A_1289 = tpu.vector_load %arg7[%get3A_1288] {strides = array<i32>} : memref<3328xf32, #tpu.memory_space<vmem>>, vector<16xf32>,
    %get3A_1290 = vector.shape_cast %get3A_1289 : vector<16xf32> to vector<16xf32>
    %add3A_1291 = arith.addf %add3A_1259, %get3A_1290 : vector<16xf32>
    %get3A_1292 = arith.constant 3088 : index
    %get3A_1293 = tpu.vector_load %arg7[%get3A_1292] {strides = array<i32>} : memref<3328xf32, #tpu.memory_space<vmem>>, vector<16xf32>,
    %get3A_1294 = vector.shape_cast %get3A_1293 : vector<16xf32> to vector<16xf32>
    %add3A_1295 = arith.addf %add3A_1263, %get3A_1294 : vector<16xf32>
    %get3A_1296 = arith.constant 3104 : index
    %get3A_1297 = tpu.vector_load %arg7[%get3A_1296] {strides = array<i32>} : memref<3328xf32, #tpu.memory_space<vmem>>, vector<16xf32>,
    %get3A_1298 = vector.shape_cast %get3A_1297 : vector<16xf32> to vector<16xf32>
    %add3A_1299 = arith.addf %add3A_1267, %get3A_1298 : vector<16xf32>
    %get3A_1300 = arith.constant 3120 : index
    %get3A_1301 = tpu.vector_load %arg7[%get3A_1300] {strides = array<i32>} : memref<3328xf32, #tpu.memory_space<vmem>>, vector<16xf32>,
    %get3A_1302 = vector.shape_cast %get3A_1301 : vector<16xf32> to vector<16xf32>
    %add3A_1303 = arith.addf %add3A_1271, %get3A_1302 : vector<16xf32>
    %get3A_1304 = arith.constant 3136 : index
    %get3A_1305 = tpu.vector_load %arg7[%get3A_1304] {strides = array<i32>} : memref<3328xf32, #tpu.memory_space<vmem>>, vector<16xf32>,
    %get3A_1306 = vector.shape_cast %get3A_1305 : vector<16xf32> to vector<16xf32>
    %add3A_1307 = arith.addf %add3A_1275, %get3A_1306 : vector<16xf32>
    %get3A_1308 = arith.constant 3152 : index
    %get3A_1309 = tpu.vector_load %arg7[%get3A_1308] {strides = array<i32>} : memref<3328xf32, #tpu.memory_space<vmem>>, vector<16xf32>,
    %get3A_1310 = vector.shape_cast %get3A_1309 : vector<16xf32> to vector<16xf32>
    %add3A_1311 = arith.addf %add3A_1279, %get3A_1310 : vector<16xf32>
    %get3A_1312 = arith.constant 3168 : index
    %get3A_1313 = tpu.vector_load %arg7[%get3A_1312] {strides = array<i32>} : memref<3328xf32, #tpu.memory_space<vmem>>, vector<16xf32>,
    %get3A_1314 = vector.shape_cast %get3A_1313 : vector<16xf32> to vector<16xf32>
    %add3A_1315 = arith.addf %add3A_1283, %get3A_1314 : vector<16xf32>
    %get3A_1316 = arith.constant 3184 : index
    %get3A_1317 = tpu.vector_load %arg7[%get3A_1316] {strides = array<i32>} : memref<3328xf32, #tpu.memory_space<vmem>>, vector<16xf32>,
    %get3A_1318 = vector.shape_cast %get3A_1317 : vector<16xf32> to vector<16xf32>
    %add3A_1319 = arith.addf %add3A_1287, %get3A_1318 : vector<16xf32>
    %get3A_1320 = arith.constant 3200 : index
    %get3A_1321 = tpu.vector_load %arg7[%get3A_1320] {strides = array<i32>} : memref<3328xf32, #tpu.memory_space<vmem>>, vector<16xf32>,
    %get3A_1322 = vector.shape_cast %get3A_1321 : vector<16xf32> to vector<16xf32>
    %add3A_1323 = arith.addf %add3A_1291, %get3A_1322 : vector<16xf32>
    %get3A_1324 = arith.constant 3216 : index
    %get3A_1325 = tpu.vector_load %arg7[%get3A_1324] {strides = array<i32>} : memref<3328xf32, #tpu.memory_space<vmem>>, vector<16xf32>,
    %get3A_1326 = vector.shape_cast %get3A_1325 : vector<16xf32> to vector<16xf32>
    %add3A_1327 = arith.addf %add3A_1295, %get3A_1326 : vector<16xf32>
    %get3A_1328 = arith.constant 3232 : index
    %get3A_1329 = tpu.vector_load %arg7[%get3A_1328] {strides = array<i32>} : memref<3328xf32, #tpu.memory_space<vmem>>, vector<16xf32>,
    %get3A_1330 = vector.shape_cast %get3A_1329 : vector<16xf32> to vector<16xf32>
    %add3A_1331 = arith.addf %add3A_1299, %get3A_1330 : vector<16xf32>
    %get3A_1332 = arith.constant 3248 : index
    %get3A_1333 = tpu.vector_load %arg7[%get3A_1332] {strides = array<i32>} : memref<3328xf32, #tpu.memory_space<vmem>>, vector<16xf32>,
    %get3A_1334 = vector.shape_cast %get3A_1333 : vector<16xf32> to vector<16xf32>
    %add3A_1335 = arith.addf %add3A_1303, %get3A_1334 : vector<16xf32>
    %get3A_1336 = arith.constant 3264 : index
    %get3A_1337 = tpu.vector_load %arg7[%get3A_1336] {strides = array<i32>} : memref<3328xf32, #tpu.memory_space<vmem>>, vector<16xf32>,
    %get3A_1338 = vector.shape_cast %get3A_1337 : vector<16xf32> to vector<16xf32>
    %add3A_1339 = arith.addf %add3A_1307, %get3A_1338 : vector<16xf32>
    %get3A_1340 = arith.constant 3280 : index
    %get3A_1341 = tpu.vector_load %arg7[%get3A_1340] {strides = array<i32>} : memref<3328xf32, #tpu.memory_space<vmem>>, vector<16xf32>,
    %get3A_1342 = vector.shape_cast %get3A_1341 : vector<16xf32> to vector<16xf32>
    %add3A_1343 = arith.addf %add3A_1311, %get3A_1342 : vector<16xf32>
    %get3A_1344 = arith.constant 3296 : index
    %get3A_1345 = tpu.vector_load %arg7[%get3A_1344] {strides = array<i32>} : memref<3328xf32, #tpu.memory_space<vmem>>, vector<16xf32>,
    %get3A_1346 = vector.shape_cast %get3A_1345 : vector<16xf32> to vector<16xf32>
    %add3A_1347 = arith.addf %add3A_1315, %get3A_1346 : vector<16xf32>
    %get3A_1348 = arith.constant 3312 : index
    %get3A_1349 = tpu.vector_load %arg7[%get3A_1348] {strides = array<i32>} : memref<3328xf32, #tpu.memory_space<vmem>>, vector<16xf32>,
    %get3A_1350 = vector.shape_cast %get3A_1349 : vector<16xf32> to vector<16xf32>
    %add3A_1351 = arith.addf %add3A_1319, %get3A_1350 : vector<16xf32>
    %swap3A = arith.constant 0 : index
    %swap3A_1352 = tpu.vector_load %arg8[%swap3A] {strides = array<i32>} : memref<128xf32, #tpu.memory_space<vmem>>, vector<16xf32>,
    %swap3A_1353 = vector.shape_cast %swap3A_1352 : vector<16xf32> to vector<16xf32>
    %swap3A_1354 = vector.shape_cast %add3A_1323 : vector<16xf32> to vector<16xf32>
    tpu.vector_store %arg8[%swap3A], %swap3A_1354 {strides = array<i32>} : memref<128xf32, #tpu.memory_space<vmem>>, vector<16xf32>,
    %swap3A_1355 = arith.constant 16 : index
    %swap3A_1356 = tpu.vector_load %arg8[%swap3A_1355] {strides = array<i32>} : memref<128xf32, #tpu.memory_space<vmem>>, vector<16xf32>,
    %swap3A_1357 = vector.shape_cast %swap3A_1356 : vector<16xf32> to vector<16xf32>
    %swap3A_1358 = vector.shape_cast %add3A_1327 : vector<16xf32> to vector<16xf32>
    tpu.vector_store %arg8[%swap3A_1355], %swap3A_1358 {strides = array<i32>} : memref<128xf32, #tpu.memory_space<vmem>>, vector<16xf32>,
    %swap3A_1359 = arith.constant 32 : index
    %swap3A_1360 = tpu.vector_load %arg8[%swap3A_1359] {strides = array<i32>} : memref<128xf32, #tpu.memory_space<vmem>>, vector<16xf32>,
    %swap3A_1361 = vector.shape_cast %swap3A_1360 : vector<16xf32> to vector<16xf32>
    %swap3A_1362 = vector.shape_cast %add3A_1331 : vector<16xf32> to vector<16xf32>
    tpu.vector_store %arg8[%swap3A_1359], %swap3A_1362 {strides = array<i32>} : memref<128xf32, #tpu.memory_space<vmem>>, vector<16xf32>,
    %swap3A_1363 = arith.constant 48 : index
    %swap3A_1364 = tpu.vector_load %arg8[%swap3A_1363] {strides = array<i32>} : memref<128xf32, #tpu.memory_space<vmem>>, vector<16xf32>,
    %swap3A_1365 = vector.shape_cast %swap3A_1364 : vector<16xf32> to vector<16xf32>
    %swap3A_1366 = vector.shape_cast %add3A_1335 : vector<16xf32> to vector<16xf32>
    tpu.vector_store %arg8[%swap3A_1363], %swap3A_1366 {strides = array<i32>} : memref<128xf32, #tpu.memory_space<vmem>>, vector<16xf32>,
    %swap3A_1367 = arith.constant 64 : index
    %swap3A_1368 = tpu.vector_load %arg8[%swap3A_1367] {strides = array<i32>} : memref<128xf32, #tpu.memory_space<vmem>>, vector<16xf32>,
    %swap3A_1369 = vector.shape_cast %swap3A_1368 : vector<16xf32> to vector<16xf32>
    %swap3A_1370 = vector.shape_cast %add3A_1339 : vector<16xf32> to vector<16xf32>
    tpu.vector_store %arg8[%swap3A_1367], %swap3A_1370 {strides = array<i32>} : memref<128xf32, #tpu.memory_space<vmem>>, vector<16xf32>,
    %swap3A_1371 = arith.constant 80 : index
    %swap3A_1372 = tpu.vector_load %arg8[%swap3A_1371] {strides = array<i32>} : memref<128xf32, #tpu.memory_space<vmem>>, vector<16xf32>,
    %swap3A_1373 = vector.shape_cast %swap3A_1372 : vector<16xf32> to vector<16xf32>
    %swap3A_1374 = vector.shape_cast %add3A_1343 : vector<16xf32> to vector<16xf32>
    tpu.vector_store %arg8[%swap3A_1371], %swap3A_1374 {strides = array<i32>} : memref<128xf32, #tpu.memory_space<vmem>>, vector<16xf32>,
    %swap3A_1375 = arith.constant 96 : index
    %swap3A_1376 = tpu.vector_load %arg8[%swap3A_1375] {strides = array<i32>} : memref<128xf32, #tpu.memory_space<vmem>>, vector<16xf32>,
    %swap3A_1377 = vector.shape_cast %swap3A_1376 : vector<16xf32> to vector<16xf32>
    %swap3A_1378 = vector.shape_cast %add3A_1347 : vector<16xf32> to vector<16xf32>
    tpu.vector_store %arg8[%swap3A_1375], %swap3A_1378 {strides = array<i32>} : memref<128xf32, #tpu.memory_space<vmem>>, vector<16xf32>,
    %swap3A_1379 = arith.constant 112 : index
    %swap3A_1380 = tpu.vector_load %arg8[%swap3A_1379] {strides = array<i32>} : memref<128xf32, #tpu.memory_space<vmem>>, vector<16xf32>,
    %swap3A_1381 = vector.shape_cast %swap3A_1380 : vector<16xf32> to vector<16xf32>
    %swap3A_1382 = vector.shape_cast %add3A_1351 : vector<16xf32> to vector<16xf32>
    tpu.vector_store %arg8[%swap3A_1379], %swap3A_1382 {strides = array<i32>} : memref<128xf32, #tpu.memory_space<vmem>>, vector<16xf32>,
    "tpu.region"() ({
      %run_scoped3A = tpu.sem_alloc : memref<!tpu.dma_semaphore, #tpu.memory_space<semaphore_mem>>
      %dma_start3A_1383 = tpu.memref_slice %arg5[%mul3A_2] : memref<4096xf32, #tpu.memory_space<hbm>> -> memref<128xf32, #tpu.memory_space<hbm>>
      %dma_start3A_1384 = tpu.memref_slice %arg5[%mul3A_2] : memref<4096xf32, #tpu.memory_space<hbm>> -> memref<128xf32, #tpu.memory_space<hbm>>
      tpu.enqueue_dma source(%arg8 : memref<128xf32, #tpu.memory_space<vmem>>) target(%dma_start3A_1384 : memref<128xf32, #tpu.memory_space<hbm>>) target_semaphore(%run_scoped3A : memref<!tpu.dma_semaphore, #tpu.memory_space<semaphore_mem>>)
      %dma_wait3A_1385 = tpu.memref_slice %arg5[%mul3A_2] : memref<4096xf32, #tpu.memory_space<hbm>> -> memref<128xf32, #tpu.memory_space<hbm>>
      %dma_wait3A_1386 = tpu.memref_slice %arg5[%mul3A_2] : memref<4096xf32, #tpu.memory_space<hbm>> -> memref<128xf32, #tpu.memory_space<hbm>>
      tpu.wait_dma2 semaphore(%run_scoped3A : memref<!tpu.dma_semaphore, #tpu.memory_space<semaphore_mem>>) src(%arg8 : memref<128xf32, #tpu.memory_space<vmem>>) dst(%dma_wait3A_1386 : memref<128xf32, #tpu.memory_space<hbm>>)
      tpu.yield
    }) : () -> ()
    return
  }
}

</mosaic_0001>

<sc_bundles>
// kernel: kernel.3.cloned.1.call-start
scs
__scs_entry_jumppad:
0x0: {  	(pc) =	sbr.rel $0x88, $3  }
0x1: {  	(tag) =	ssettag $0x0;
	lr =	simm.s32 $0x1  }
0x2: {  	[smem:$0x3F9E] =	sst lr;
	_ =	strace $0xD0000000  }
0x3: {  	_ = 	snop  }
0x4: {  	_ = 	snop  }
0x5: {  	_ = 	snop  }
0x6: {  	_ = 	snop  }
0x7: {  	_ = 	snop  }
__scs_overlays_trampoline_lowered:
0x8: {  	[smem:$0x3FAD] =	sst s0  }
0x9: {  	[smem:$0x3FAE] =	sst s1  }
0xa: {  	[smem:$0x3FAF] =	sst s2  }
0xb: {  	[smem:$0x3FB0] =	sst s3  }
0xc: {  	[smem:$0x3FB1] =	sst s4  }
0xd: {  	[smem:$0x3FB2] =	sst s5  }
0xe: {  	[smem:$0x3FB3] =	sst s6  }
0xf: {  	[smem:$0x3FB4] =	sst s7  }
0x10: {  	[smem:$0x3FB5] =	sst s8  }
0x11: {  	[smem:$0x3FB6] =	sst s9;
	s0 =	simm.s32 @!p0 $0x0  }
0x12: {  	s1 =	sld [smem:$0x3F9C];
	s0 =	simm.s32 @p0 $0x1  }
0x13: {  	[smem:$0x3FB7] =	sst s0;
	s0 =	simm.s32 @!p1 $0x0  }
0x14: {  	s2 =	sld [smem:$0x3F9B];
	s0 =	simm.s32 @p1 $0x1  }
0x15: {  	[smem:$0x3FB8] =	sst s0;
	s0 =	simm.s32 @!p2 $0x0  }
0x16: {  	s3 =	sld [smem:$0x3FDB];
	s0 =	simm.s32 @p2 $0x1  }
0x17: {  	s4 =	simm.s32 $0x1BF5;
	[smem:$0x3FBA] =	sst s0  }
0x18: {  	s0 =	sld [smem:$0x3F9D];
	_ =	swait.ge [sflag:s4], $0x0  }
0x19: {  	s7 =	sld [smem:$0x3F9E]  }
0x1a: {  	s8 =	sadd.s32 $0xFFFFE003, lr  }
0x1b: {  	s9 =	sadd.s32 $0xFFFFFEF7, lr;
	s5 =	simm.s32 $0xFFFFFFFF;
	p2 =	slt.u32 s8, $0xFFFFF086  }
0x1c: {  	p1 =	slt.u32 s9, $0xF7A;
	s5 =	simm.s32 @!p2 $0x0  }
0x1d: {  	s5 =	simm.s32 @p1 $0x1;
	p0 =	seq.s32 s7, s2  }
0x1e: {  	s7 =	smul.u32 @!p0 $0xF7A, s2;
	p2 =	seq.s32 @!p0 s5, $0x0  }
0x1f: {  	s9 =	smul.u32 $0xF7A, s1;
	s8 =	simm.s32 @!p0 $0x1BF5;
	p2 =	por !p2, p0  }
0x20: {  	[sflag:s8] =	ssyncset.s32 @!p0 $0xFFFFF086;
	s6 =	sadd.s32 @!p0 s3, s7;
	s7 =	simm.s32 @!p0 $0x108  }
0x21: {  	s3 =	sadd.s32 s3, s9;
	s6 =	sadd.s32 @!p0 $0x88, s6;
	s7 =	simm.s32 @p2 $0x1082  }
0x22: {  	[simem:s7], [sflag:s8] =	dma.local @!p0 [hbm:s6], $0xF7A  }
0x23: {  	s9 =	sor.u32 $0xD0000000, s2;
	s6 =	simm.s32 $0x108;
	_ =	swait.ge @!p0 [sflag:s8], $0x0  }
0x24: {  	s3 =	sadd.s32 $0x88, s3;
	s6 =	simm.s32 @!p1 $0x1082;
	[sflag:s4] =	ssyncset.s32 $0xFFFFF086  }
0x25: {  	[simem:s6], [sflag:s4] =	dma.local [hbm:s3], $0xF7A  }
0x26: {  	[smem:$0x3F9E] =	sst s1;
	(tag) =	ssettag s2;
	_ =	strace s9  }
0x27: {  	s1 =	sld [smem:$0x3FAE]  }
0x28: {  	s2 =	sld [smem:$0x3FAF]  }
0x29: {  	s4 =	sld [smem:$0x3FB1]  }
0x2a: {  	p0 =	seq.s32 s5, $0x0;
	s5 =	sld [smem:$0x3FB2]  }
0x2b: {  	s6 =	sld [smem:$0x3FB3]  }
0x2c: {  	s7 =	sld [smem:$0x3FB4]  }
0x2d: {  	s3 =	simm.s32 $0x108;
	s8 =	sld [smem:$0x3FB5]  }
0x2e: {  	s3 =	simm.s32 @!p0 $0x1082;
	s9 =	sld [smem:$0x3FB6]  }
0x2f: {  	lr =	sadd.s32 s0, s3;
	s0 =	sld [smem:$0x3FAD]  }
0x30: {  	s3 =	sld [smem:$0x3FB0]  }
0x31: {  	[smem:$0x3FB9] =	sst s10  }
0x32: {  	s10 =	sld [smem:$0x3FB7];
	_ =	sdelay $0x3  }
0x33: {  	p0 =	seq.s32 s10, $0x1;
	s10 =	sld [smem:$0x3FB9];
	_ =	sdelay $0x3  }
0x34: {  	[smem:$0x3FB9] =	sst s10  }
0x35: {  	s10 =	sld [smem:$0x3FB8];
	_ =	sdelay $0x3  }
0x36: {  	p1 =	seq.s32 s10, $0x1;
	s10 =	sld [smem:$0x3FB9];
	_ =	sdelay $0x3  }
0x37: {  	[smem:$0x3FB9] =	sst s10  }
0x38: {  	s10 =	sld [smem:$0x3FBA]  }
0x39: {  	_ = 	snop;
	(pc) =	sbr.ind lr, $3  }
0x3a: {  	_ = 	snop  }
0x3b: {  	_ = 	snop  }
0x3c: {  	p2 =	seq.s32 s10, $0x1;
	s10 =	sld [smem:$0x3FB9]  }
0x3d: {  	_ =	shalt  }
0x3e: {  	_ =	shalt  }
0x3f: {  	_ =	shalt  }
0x40: {  	_ =	shalt  }
0x41: {  	_ =	shalt  }
0x42: {  	_ =	shalt  }
0x43: {  	_ =	shalt  }
0x44: {  	_ =	shalt  }
0x45: {  	_ =	shalt  }
0x46: {  	_ =	shalt  }
0x47: {  	_ =	shalt  }
0x48: {  	_ =	shalt  }
0x49: {  	_ =	shalt  }
0x4a: {  	_ =	shalt  }
0x4b: {  	_ =	shalt  }
0x4c: {  	_ =	shalt  }
0x4d: {  	_ =	shalt  }
0x4e: {  	_ =	shalt  }
0x4f: {  	_ =	shalt  }
0x50: {  	_ =	shalt  }
0x51: {  	_ =	shalt  }
0x52: {  	_ =	shalt  }
0x53: {  	_ =	shalt  }
0x54: {  	_ =	shalt  }
0x55: {  	_ =	shalt  }
0x56: {  	_ =	shalt  }
0x57: {  	_ =	shalt  }
0x58: {  	_ =	shalt  }
0x59: {  	_ =	shalt  }
0x5a: {  	_ =	shalt  }
0x5b: {  	_ =	shalt  }
0x5c: {  	_ =	shalt  }
0x5d: {  	_ =	shalt  }
0x5e: {  	_ =	shalt  }
0x5f: {  	_ =	shalt  }
0x60: {  	_ =	shalt  }
0x61: {  	_ =	shalt  }
0x62: {  	_ =	shalt  }
0x63: {  	_ =	shalt  }
0x64: {  	_ =	shalt  }
0x65: {  	_ =	shalt  }
0x66: {  	_ =	shalt  }
0x67: {  	_ =	shalt  }
0x68: {  	_ =	shalt  }
0x69: {  	_ =	shalt  }
0x6a: {  	_ =	shalt  }
0x6b: {  	_ =	shalt  }
0x6c: {  	_ =	shalt  }
0x6d: {  	_ =	shalt  }
0x6e: {  	_ =	shalt  }
0x6f: {  	_ =	shalt  }
0x70: {  	_ =	shalt  }
0x71: {  	_ =	shalt  }
0x72: {  	_ =	shalt  }
0x73: {  	_ =	shalt  }
0x74: {  	_ =	shalt  }
0x75: {  	_ =	shalt  }
0x76: {  	_ =	shalt  }
0x77: {  	_ =	shalt  }
0x78: {  	_ =	shalt  }
0x79: {  	_ =	shalt  }
0x7a: {  	_ =	shalt  }
0x7b: {  	_ =	shalt  }
0x7c: {  	_ =	shalt  }
0x7d: {  	_ =	shalt  }
0x7e: {  	_ =	shalt  }
0x7f: {  	_ =	shalt  }
0x80: {  	_ =	shalt  }
0x81: {  	_ =	shalt  }
0x82: {  	_ =	shalt  }
0x83: {  	_ =	shalt  }
0x84: {  	_ =	shalt  }
0x85: {  	_ =	shalt  }
0x86: {  	_ =	shalt  }
0x87: {  	_ =	shalt  }
.Lfunc_end0:
.L_simem_size_0:
called_computation_lowered:
.L_overlay_start_0:
0x88: {  	s2 =	sld [smem:$0x3FD9]  }
0x89: {  	s3 =	sld [smem:$0x3FFE];
	_ =	sdelay $0x1  }
0x8a: {  	s1 =	srdreg.scid  }
0x8b: {  	s0 =	sand.u32 $0x1, s1  }
0x8c: {  	s18 =	sshll.u32 s0, $0xA;
	s2 =	sadd.s32 s3, s2  }
0x8d: {  	s2 =	sadd.s32 s2, s18  }
0x8e: {  	[smem:$0x3FC5] =	sst s2  }
0x8f: {  	_ = 	snop  }
0x90: {  	s2 =	sld [smem:$0x3FC9]  }
0x91: {  	s19 =	sld [smem:$0x3FC8]  }
0x92: {  	s4 =	sld [smem:$0x3FC7]  }
0x93: {  	s5 =	sld [smem:$0x3FD0];
	(tm) =	ssettm $0x1  }
0x94: {  	s6 =	sld [smem:$0x3FFB];
	_ =	sdelay $0x3  }
0x95: {  	_ =	strace s6  }
0x96: {  	s6 =	sld [smem:$0x3FFC];
	_ =	sdelay $0x3  }
0x97: {  	_ =	strace s6  }
0x98: {  	s6 =	sld [smem:$0x3FFD];
	_ =	sdelay $0x3  }
0x99: {  	_ =	strace s6  }
0x9a: {  	_ =	strace $0x8FFFFFFF  }
0x9b: {  	s20 =	sld [smem:$0x3FDB];
	_ =	sdelay $0x1  }
0x9c: {  	s7 =	simm.s32 $_scs_section_size  }
0x9d: {  	s8 =	simm.s32 $_size__tile_overlayer_lowered;
	s9 =	simm.s32 $_tile_overlayer_lowered  }
0x9e: {  	s23 =	simm.s32 $0x1BFF;
	s22 =	sshll.u32 s9, $0x1;
	s6 =	sadd.s32 s7, s20  }
0x9f: {  	s10 =	simm.s32 $0x0;
	s21 =	sshll.u32 s8, $0x1;
	s8 =	sadd.s32 s22, s6  }
0xa0: {  	[timem:s10], [sflag:s23] =	dma.local [hbm:s8], s21  }
0xa1: {  	_ =	swait.ge [sflag:s23], s21  }
0xa2: {  	s7 =	ssub.s32 $0x0, s21;
	[sflag:s23] =	ssyncset.done $0x0  }
0xa3: {  	[sflag:s23] =	ssyncadd.s32 s7;
	_ =	sdelay $0x1  }
0xa4: {  	s24 =	simm.s32 $0x1B8B  }
0xa5: {  	_ =	swait.ge [sflag:s24], $0x1  }
0xa6: {  	[sflag:s24] =	ssyncset.done $0x0  }
0xa7: {  	s25 =	simm.s32 $0x1B8E;
	[sflag:s24] =	ssyncadd.s32 $0xFFFFFFFF  }
0xa8: {  	s26 =	simm.s32 $execute0_lowered;
	[smem:$0x3FD2] =	sst s25  }
0xa9: {  	s7 =	sshll.u32 s26, $0x1;
	_ =	strace $0x80000046;
	[dreg:$0x1] =	wrdreg $0xFFFFFFFF  }
0xaa: {  	s28 =	simm.s32 $_size_execute0_lowered;
	s6 =	sadd.s32 s6, s7;
	[dreg:$0x0] =	wrdreg $0x0  }
0xab: {  	s7 =	sshll.u32 s28, $0x1;
	[dreg:$0x2] =	wrdreg s6  }
0xac: {  	[dreg:$0x3] =	wrdreg s7  }
0xad: {  	[dreg:$0x4] =	wrdreg $0xC0  }
0xae: {  	_ =	task [dreg:s10], $0x5FFFF  }
0xaf: {  	[dreg:$0x1] =	wrdreg $0xFFFFFFFF  }
0xb0: {  	[dreg:$0x0] =	wrdreg $0x60  }
0xb1: {  	[dreg:$0x2] =	wrdreg s19  }
0xb2: {  	[dreg:$0x3] =	wrdreg s2  }
0xb3: {  	[dreg:$0x4] =	wrdreg s4  }
0xb4: {  	[dreg:$0x5] =	wrdreg s5  }
0xb5: {  	[dreg:$0x6] =	wrdreg $0x1B000  }
0xb6: {  	[dreg:$0x7] =	wrdreg $0x9  }
0xb7: {  	_ =	task.clear_ibuf [dreg:s10], $0x8FFFF;
	_ =	strace $0x90000046  }
0xb8: {  	s29 =	simm.s32 $0x9;
	_ =	strace $0x80000048  }
0xb9: {  	_ =	swait.ge [sflag:s29], $0x1  }
0xba: {  	[sflag:s29] =	ssyncadd.s32 $0xFFFFFFFF  }
0xbb: {  	_ =	strace $0x90000048  }
0xbc: {  	_ =	sfence  }
0xbd: {  	s30 =	sld [smem:$0x0];
	_ =	sdelay $0x2  }
0xbe: {  	s31 =	sshll.u32 s1, $0xD;
	s1 =	sshrl.u32 s1, $0x2  }
0xbf: {  	s3 =	sand.u32 $0x4000, s31;
	s1 =	sadd.s32 s1, s30  }
0xc0: {  	s0 =	sor.u32 s3, s0;
	s1 =	sshll.u32 s1, $0x11  }
0xc1: {  	s0 =	sor.u32 s1, s0  }
0xc2: {  	s0 =	sadd.s32 $0x8F2B, s0  }
0xc3: {  	[sflag:s0] =	ssyncadd.remote.s32 $0x1  }
0xc4: {  	_ =	sfence.sel $0xFFFF  }
0xc5: {  	[dreg:$0x0] =	wrdreg $0xFFFFFFFF;
	(pc) =	sbr.abs _section_cstart, $3  }
0xc6: {  	[dreg:$0x1] =	wrdreg $0xFFFFFFFF  }
0xc7: {  	_ =	task.clear_ibuf [dreg:s10], $0x2FFFF;
	_ =	strace $0x9FFFFFFF  }
0xc8: {  	(tm) =	ssettm $0x7FFFFFFF  }
0xc9: {  	_ =	shalt  }
tec
execute0_lowered:
.L_overlay_start_1:
0x0: {  	(tag) =	ssettag $0x1  }
0x1: {  	s0 =	rddreg [dreg:$0x0]  }
0x2: {  	s5 =	rddreg [dreg:$0x1]  }
0x3: {  	s1 =	rddreg [dreg:$0x2]  }
0x4: {  	s7 =	rddreg [dreg:$0x3]  }
0x5: {  	s3 =	rddreg [dreg:$0x4]  }
0x6: {  	s2 =	stileid.u32;
	[dreg:$0x6] =	wrdreg s1  }
0x7: {  	s4 =	simm.s32 $0x0;
	s6 =	srdreg.scid;
	s1 =	rddreg [dreg:$0x5]  }
0x8: {  	s8 =	smul.u32 $0x1800, s2;
	[smem:$0x7FF] =	sst s4  }
0x9: {  	s6 =	sand.u32 $0x1, s6;
	s10 =	sshll.u32 s2, $0x6;
	s29 =	sadd.s32 $0x18680, s3  }
0xa: {  	s30 =	sadd.s32 $0x3000, s0;
	_ =	strace $0x80000047;
	[dreg:$0x9] =	wrdreg s29  }
0xb: {  	s11 =	sshll.u32 s2, $0x1;
	s28 =	sor.u32 $0x1C02, s10;
	[dreg:$0xa] =	wrdreg s30  }
0xc: {  	s10 =	sor.u32 s6, s11;
	s9 =	sshrl.u32 s8, $0x3;
	[dreg:$0x8] =	wrdreg s28  }
0xd: {  	s11 =	sshll.u32 s10, $0x7;
	s10 =	sshll.u32 s10, $0x4;
	s9 =	sadd.s32 s0, s9  }
0xe: {  	s5 =	sadd.s32 s5, s11;
	s7 =	sadd.s32 s7, s10;
	[dreg:$0x7] =	wrdreg s9  }
0xf: {  	s31 =	sadd.s32 $0x10, s5;
	[smem:$0x7ED] =	sst s7  }
0x10: {  	s11 =	sadd.s32 $0x20, s5;
	[dreg:$0xb] =	wrdreg s31  }
0x11: {  	s12 =	sadd.s32 $0x30, s5;
	[dreg:$0xc] =	wrdreg s11  }
0x12: {  	s13 =	sadd.s32 $0x40, s5;
	[dreg:$0xd] =	wrdreg s12  }
0x13: {  	s14 =	sadd.s32 $0x50, s5;
	[dreg:$0xe] =	wrdreg s13  }
0x14: {  	s15 =	sadd.s32 $0x60, s5;
	[dreg:$0xf] =	wrdreg s14  }
0x15: {  	s16 =	sadd.s32 $0x70, s5;
	[dreg:$0x10] =	wrdreg s15  }
0x16: {  	s17 =	sadd.s32 $0x1000, s5;
	[dreg:$0x11] =	wrdreg s16  }
0x17: {  	s18 =	sadd.s32 $0x1010, s5;
	[dreg:$0x12] =	wrdreg s17  }
0x18: {  	s19 =	sadd.s32 $0x1020, s5;
	[dreg:$0x13] =	wrdreg s18  }
0x19: {  	s20 =	sadd.s32 $0x1030, s5;
	[dreg:$0x14] =	wrdreg s19  }
0x1a: {  	s21 =	sadd.s32 $0x1040, s5;
	[dreg:$0x15] =	wrdreg s20  }
0x1b: {  	s22 =	sadd.s32 $0x1050, s5;
	[dreg:$0x16] =	wrdreg s21  }
0x1c: {  	s23 =	sadd.s32 $0x1060, s5;
	[dreg:$0x17] =	wrdreg s22  }
0x1d: {  	s24 =	sadd.s32 $0x1070, s5;
	[dreg:$0x18] =	wrdreg s23  }
0x1e: {  	s25 =	sadd.s32 $0x2000, s5;
	[dreg:$0x19] =	wrdreg s24  }
0x1f: {  	s26 =	sadd.s32 $0x2010, s5;
	[dreg:$0x1a] =	wrdreg s25  }
0x20: {  	s28 =	sadd.s32 $0x2020, s5;
	[dreg:$0x1b] =	wrdreg s26  }
0x21: {  	s29 =	sadd.s32 $0x2030, s5;
	[dreg:$0x1c] =	wrdreg s28  }
0x22: {  	s30 =	sadd.s32 $0x2040, s5;
	[dreg:$0x1d] =	wrdreg s29  }
0x23: {  	[dreg:$0x1e] =	wrdreg s30;
	s31 =	sadd.s32 $0x2050, s5  }
0x24: {  	s11 =	sadd.s32 $0x2060, s5;
	[dreg:$0x1f] =	wrdreg s31  }
0x25: {  	s12 =	sadd.s32 $0x2070, s5;
	[smem:$0x7E9] =	sst s11  }
0x26: {  	s13 =	sadd.s32 $0x3000, s5;
	[smem:$0x7EA] =	sst s12  }
0x27: {  	s8 =	sadd.s32 s8, s3;
	s14 =	sadd.s32 $0x3010, s5;
	[smem:$0x7EB] =	sst s13  }
0x28: {  	s15 =	sshrl.u32 s8, $0x3;
	[smem:$0x7EC] =	sst s14  }
0x29: {  	s16 =	simm.s32 $0x1A80;
	[smem:$0x7EE] =	sst s15  }
0x2a: {  	s17 =	simm.s32 $0x80;
	[smem:$0x7F0] =	sst s16  }
0x2b: {  	s18 =	simm.s32 $0x100;
	[smem:$0x7F1] =	sst s17  }
0x2c: {  	s19 =	simm.s32 $0x180;
	[smem:$0x7F2] =	sst s18  }
0x2d: {  	s20 =	simm.s32 $0x200;
	[smem:$0x7F3] =	sst s19  }
0x2e: {  	p0 =	seq.s32 s2, $0x0;
	s21 =	simm.s32 $0x280;
	[smem:$0x7F4] =	sst s20  }
0x2f: {  	p1 =	sne.s32 @!p0 s2, $0xF;
	s22 =	simm.s32 $0x300;
	[smem:$0x7F5] =	sst s21  }
0x30: {  	s6 =	ssub.s32 $0x2, s6;
	s23 =	simm.s32 $0x380;
	[smem:$0x7F6] =	sst s22  }
0x31: {  	p1 =	por p1, p0;
	s24 =	simm.s32 $0x400;
	[smem:$0x7F7] =	sst s23  }
0x32: {  	s10 =	simm.s32 $0x800;
	s26 =	simm.s32 $0x480;
	[smem:$0x7F8] =	sst s24  }
0x33: {  	s9 =	simm.s32 $0x780;
	s28 =	simm.s32 $0x500;
	[smem:$0x7F9] =	sst s26  }
0x34: {  	s25 =	sshrl.u32 s6, $0x1;
	s29 =	simm.s32 $0x580;
	[smem:$0x7FA] =	sst s28  }
0x35: {  	s30 =	simm.s32 $0x600;
	s8 =	simm.s32 $0x680;
	[smem:$0x7FB] =	sst s29  }
0x36: {  	s11 =	sadd.s32 $0x18000, s3;
	s6 =	ssub.s32 s6, s25;
	[smem:$0x7FC] =	sst s30  }
0x37: {  	s31 =	simm.s32 $0x700;
	s12 =	simm.s32 $0x900;
	s13 =	simm.s32 $0x980  }
0x38: {  	s14 =	simm.s32 $0xA00;
	s15 =	simm.s32 $0xA80;
	s16 =	simm.s32 $0xB00  }
0x39: {  	s17 =	simm.s32 $0xB80;
	s18 =	simm.s32 $0xC00;
	s19 =	simm.s32 $0xC80  }
0x3a: {  	s20 =	simm.s32 $0x1;
	s21 =	simm.s32 $0xD00;
	s22 =	simm.s32 $0x2  }
0x3b: {  	s23 =	simm.s32 $0x1380;
	s24 =	simm.s32 $0x3;
	s25 =	simm.s32 $0x1A00  }
0x3c: {  	s7 =	sshrl.u32 @!p1 s11, $0x3;
	s6 =	smax.u32 s6, $0x1;
	[smem:$0x7FD] =	sst s31  }
0x3d: {  	s11 =	simm.s32 $0x880;
	[smem:$0x7EF] =	sst s7;
	s7 =	simm.s32 $0x4  }
.LBB2_1:
0x3e: {  	s29 =	sld [smem:$0x7EE]  }
0x3f: {  	s26 =	rddreg [dreg:$0x7];
	v0 =	vlaneseq.u32 @p0  }
0x40: {  	s28 =	rddreg [dreg:$0x8];
	v1 =	vor.u32 @p0 $0x18680, v0  }
0x41: {  	v0 =	vor.u32 @p0 $0x18690, v0;
	[spmem:s29], [sflag:s28] =	dma.local [hbm:s26], $0x300;
	[tilespmem:$0x3370] =	vst @p0 v1  }
0x42: {  	[tilespmem:$0x3380] =	vst @p0 v0;
	s26 =	simm.s32 @p0 $0x20;
	s28 =	simm.s32 @p0 $0x3370;
	s29 =	simm.s32 @p0 $0x33F0  }
0x43: {  	[tilespmem:s29], [sflag:$0x2] =	stream.indirect.gather @p0 [hbm4b:s0+s26], $0x1, s28, s26, $0xb8;
	[tilespmem:$0x3470] =	vst v63  }
0x44: {  	s26 =	simm.s32 @p0 $0x2  }
0x45: {  	_ =	swait.ge @p0 [sflag:s26], $0x20  }
0x46: {  	[sflag:s26] =	ssyncset.done @p0 $0x0  }
0x47: {  	s28 =	rddreg [dreg:$0x9];
	[sflag:s26] =	ssyncadd.s32 @p0 $0xFFFFFFE0;
	s26 =	simm.s32 @p0 $0x4  }
0x48: {  	[spmem:s28] =	stream.linear.scatter @p0 [tilespmem:s29], [sflag:$0x4], $0x20, $0x38;
	[tilespmem:$0x3470] =	vst v63  }
0x49: {  	_ =	swait.ge @p0 [sflag:s26], $0x20  }
0x4a: {  	s29 =	sld [smem:$0x7EF]  }
0x4b: {  	[sflag:s26] =	ssyncset.done @p0 $0x0  }
0x4c: {  	s28 =	rddreg [dreg:$0xa];
	[sflag:s26] =	ssyncadd.s32 @p0 $0xFFFFFFE0;
	s26 =	simm.s32 @!p1 $0x1FC4  }
0x4d: {  	[spmem:s29], [sflag:s26] =	dma.local @!p1 [hbm:s28], $0xD0  }
0x4e: {  	s26 =	simm.s32 @!p1 $0x4  }
0x4f: {  	_ =	swait.ge @!p1 [sflag:s26], $0xD0  }
0x50: {  	s30 =	sld [smem:$0x7F0]  }
0x51: {  	[sflag:s26] =	ssyncset.done @!p1 $0x0  }
0x52: {  	s31 =	rddreg [dreg:$0x6];
	[sflag:s26] =	ssyncadd.s32 @!p1 $0xFFFFFF30  }
0x53: {  	[tilespmem:s30], [sflag:$0x4] =	stream.linear.gather [hbm4b:s31+s4], $0x1, $0x38;
	[tilespmem:$0x3470] =	vst v63  }
0x54: {  	_ =	swait.ge [sflag:s7], $0x1  }
0x55: {  	s26 =	rddreg [dreg:$0xb]  }
0x56: {  	s28 =	sld [smem:$0x7F1]  }
0x57: {  	[sflag:s7] =	ssyncset.done $0x0;
	s31 =	rddreg [dreg:$0xc]  }
0x58: {  	s30 =	sld [smem:$0x7F2];
	[sflag:s7] =	ssyncadd.s32 $0xFFFFFFFF  }
0x59: {  	[tilespmem:s4], [sflag:$0x1] =	stream.linear.gather [hbm4b:s5+s4], $0x80, $0x38;
	[tilespmem:$0x3470] =	vst v63  }
0x5a: {  	s29 =	rddreg [dreg:$0xe]  }
0x5b: {  	[tilespmem:s28], [sflag:$0x1] =	stream.linear.gather [hbm4b:s26+s4], $0x80, $0x38;
	[tilespmem:$0x3470] =	vst v63  }
0x5c: {  	s26 =	rddreg [dreg:$0xd]  }
0x5d: {  	s28 =	sld [smem:$0x7F3]  }
0x5e: {  	[tilespmem:s30], [sflag:$0x1] =	stream.linear.gather [hbm4b:s31+s4], $0x80, $0x38;
	[tilespmem:$0x3470] =	vst v63  }
0x5f: {  	s31 =	sld [smem:$0x7F4]  }
0x60: {  	s30 =	sld [smem:$0x7FD]  }
0x61: {  	[tilespmem:s28], [sflag:$0x1] =	stream.linear.gather [hbm4b:s26+s4], $0x80, $0x38;
	[tilespmem:$0x3470] =	vst v63  }
0x62: {  	s26 =	rddreg [dreg:$0xf]  }
0x63: {  	s28 =	sld [smem:$0x7F5]  }
0x64: {  	[tilespmem:s31], [sflag:$0x1] =	stream.linear.gather [hbm4b:s29+s4], $0x80, $0x38;
	[tilespmem:$0x3470] =	vst v63  }
0x65: {  	s29 =	rddreg [dreg:$0x10]  }
0x66: {  	s31 =	sld [smem:$0x7F6]  }
0x67: {  	[tilespmem:s28], [sflag:$0x1] =	stream.linear.gather [hbm4b:s26+s4], $0x80, $0x38;
	[tilespmem:$0x3470] =	vst v63  }
0x68: {  	s26 =	rddreg [dreg:$0x11]  }
0x69: {  	s28 =	sld [smem:$0x7F7]  }
0x6a: {  	[tilespmem:s31], [sflag:$0x1] =	stream.linear.gather [hbm4b:s29+s4], $0x80, $0x38;
	[tilespmem:$0x3470] =	vst v63  }
0x6b: {  	s29 =	rddreg [dreg:$0x12]  }
0x6c: {  	s31 =	sld [smem:$0x7F8]  }
0x6d: {  	[tilespmem:s28], [sflag:$0x1] =	stream.linear.gather [hbm4b:s26+s4], $0x80, $0x38;
	[tilespmem:$0x3470] =	vst v63  }
0x6e: {  	s26 =	rddreg [dreg:$0x13]  }
0x6f: {  	s28 =	sld [smem:$0x7F9]  }
0x70: {  	[tilespmem:s31], [sflag:$0x1] =	stream.linear.gather [hbm4b:s29+s4], $0x80, $0x38;
	[tilespmem:$0x3470] =	vst v63  }
0x71: {  	s29 =	rddreg [dreg:$0x14]  }
0x72: {  	s31 =	sld [smem:$0x7FA]  }
0x73: {  	[tilespmem:s28], [sflag:$0x1] =	stream.linear.gather [hbm4b:s26+s4], $0x80, $0x38;
	[tilespmem:$0x3470] =	vst v63  }
0x74: {  	s26 =	rddreg [dreg:$0x15]  }
0x75: {  	s28 =	sld [smem:$0x7FB]  }
0x76: {  	[tilespmem:s31], [sflag:$0x1] =	stream.linear.gather [hbm4b:s29+s4], $0x80, $0x38;
	[tilespmem:$0x3470] =	vst v63  }
0x77: {  	s29 =	rddreg [dreg:$0x16]  }
0x78: {  	s31 =	sld [smem:$0x7FC]  }
0x79: {  	[tilespmem:s28], [sflag:$0x1] =	stream.linear.gather [hbm4b:s26+s4], $0x80, $0x38;
	[tilespmem:$0x3470] =	vst v63  }
0x7a: {  	s28 =	rddreg [dreg:$0x18]  }
0x7b: {  	[tilespmem:s31], [sflag:$0x1] =	stream.linear.gather [hbm4b:s29+s4], $0x80, $0x38;
	[tilespmem:$0x3470] =	vst v63  }
0x7c: {  	s31 =	rddreg [dreg:$0x17]  }
0x7d: {  	[tilespmem:s8], [sflag:$0x1] =	stream.linear.gather [hbm4b:s31+s4], $0x80, $0x38;
	[tilespmem:$0x3470] =	vst v63  }
0x7e: {  	s29 =	rddreg [dreg:$0x1c]  }
0x7f: {  	[tilespmem:s30], [sflag:$0x1] =	stream.linear.gather [hbm4b:s28+s4], $0x80, $0x38;
	[tilespmem:$0x3470] =	vst v63  }
0x80: {  	s31 =	rddreg [dreg:$0x19]  }
0x81: {  	[tilespmem:s9], [sflag:$0x1] =	stream.linear.gather [hbm4b:s31+s4], $0x80, $0x38;
	[tilespmem:$0x3470] =	vst v63  }
0x82: {  	s30 =	rddreg [dreg:$0x1a]  }
0x83: {  	[tilespmem:s10], [sflag:$0x1] =	stream.linear.gather [hbm4b:s30+s4], $0x80, $0x38;
	[tilespmem:$0x3470] =	vst v63  }
0x84: {  	s31 =	rddreg [dreg:$0x1b]  }
0x85: {  	[tilespmem:s11], [sflag:$0x1] =	stream.linear.gather [hbm4b:s31+s4], $0x80, $0x38;
	[tilespmem:$0x3470] =	vst v63  }
0x86: {  	s30 =	rddreg [dreg:$0x1d]  }
0x87: {  	[tilespmem:s12], [sflag:$0x1] =	stream.linear.gather [hbm4b:s29+s4], $0x80, $0x38;
	[tilespmem:$0x3470] =	vst v63  }
0x88: {  	s31 =	rddreg [dreg:$0x1e]  }
0x89: {  	[tilespmem:s13], [sflag:$0x1] =	stream.linear.gather [hbm4b:s30+s4], $0x80, $0x38;
	[tilespmem:$0x3470] =	vst v63  }
0x8a: {  	s29 =	rddreg [dreg:$0x1f]  }
0x8b: {  	[tilespmem:s14], [sflag:$0x1] =	stream.linear.gather [hbm4b:s31+s4], $0x80, $0x38;
	[tilespmem:$0x3470] =	vst v63  }
0x8c: {  	s30 =	sld [smem:$0x7E9]  }
0x8d: {  	[tilespmem:s15], [sflag:$0x1] =	stream.linear.gather [hbm4b:s29+s4], $0x80, $0x38;
	[tilespmem:$0x3470] =	vst v63  }
0x8e: {  	s31 =	sld [smem:$0x7EA]  }
0x8f: {  	[tilespmem:s16], [sflag:$0x1] =	stream.linear.gather [hbm4b:s30+s4], $0x80, $0x38;
	[tilespmem:$0x3470] =	vst v63  }
0x90: {  	s29 =	sld [smem:$0x7EB]  }
0x91: {  	[tilespmem:s17], [sflag:$0x1] =	stream.linear.gather [hbm4b:s31+s4], $0x80, $0x38;
	[tilespmem:$0x3470] =	vst v63  }
0x92: {  	s30 =	sld [smem:$0x7EC]  }
0x93: {  	[tilespmem:s18], [sflag:$0x1] =	stream.linear.gather [hbm4b:s29+s4], $0x80, $0x38;
	[tilespmem:$0x3470] =	vst v63  }
0x94: {  	_ = 	snop  }
0x95: {  	[tilespmem:s19], [sflag:$0x1] =	stream.linear.gather [hbm4b:s30+s4], $0x80, $0x38;
	[tilespmem:$0x3470] =	vst v63  }
0x96: {  	_ =	swait.ge [sflag:s20], $0x80  }
0x97: {  	[sflag:s20] =	ssyncset.done $0x0  }
0x98: {  	[sflag:s20] =	ssyncadd.s32 $0xFFFFFF80  }
0x99: {  	_ =	swait.ge [sflag:s20], $0x80  }
0x9a: {  	[sflag:s20] =	ssyncset.done $0x0  }
0x9b: {  	[sflag:s20] =	ssyncadd.s32 $0xFFFFFF80  }
0x9c: {  	_ =	swait.ge [sflag:s20], $0x80  }
0x9d: {  	[sflag:s20] =	ssyncset.done $0x0  }
0x9e: {  	[sflag:s20] =	ssyncadd.s32 $0xFFFFFF80  }
0x9f: {  	_ =	swait.ge [sflag:s20], $0x80  }
0xa0: {  	[sflag:s20] =	ssyncset.done $0x0  }
0xa1: {  	[sflag:s20] =	ssyncadd.s32 $0xFFFFFF80  }
0xa2: {  	_ =	swait.ge [sflag:s20], $0x80  }
0xa3: {  	[sflag:s20] =	ssyncset.done $0x0  }
0xa4: {  	[sflag:s20] =	ssyncadd.s32 $0xFFFFFF80  }
0xa5: {  	_ =	swait.ge [sflag:s20], $0x80  }
0xa6: {  	[sflag:s20] =	ssyncset.done $0x0  }
0xa7: {  	[sflag:s20] =	ssyncadd.s32 $0xFFFFFF80  }
0xa8: {  	_ =	swait.ge [sflag:s20], $0x80  }
0xa9: {  	[sflag:s20] =	ssyncset.done $0x0  }
0xaa: {  	[sflag:s20] =	ssyncadd.s32 $0xFFFFFF80  }
0xab: {  	_ =	swait.ge [sflag:s20], $0x80  }
0xac: {  	[sflag:s20] =	ssyncset.done $0x0  }
0xad: {  	[sflag:s20] =	ssyncadd.s32 $0xFFFFFF80  }
0xae: {  	_ =	swait.ge [sflag:s20], $0x80  }
0xaf: {  	[sflag:s20] =	ssyncset.done $0x0  }
0xb0: {  	[sflag:s20] =	ssyncadd.s32 $0xFFFFFF80  }
0xb1: {  	_ =	swait.ge [sflag:s20], $0x80  }
0xb2: {  	[sflag:s20] =	ssyncset.done $0x0  }
0xb3: {  	[sflag:s20] =	ssyncadd.s32 $0xFFFFFF80  }
0xb4: {  	_ =	swait.ge [sflag:s20], $0x80  }
0xb5: {  	[sflag:s20] =	ssyncset.done $0x0  }
0xb6: {  	[sflag:s20] =	ssyncadd.s32 $0xFFFFFF80  }
0xb7: {  	_ =	swait.ge [sflag:s20], $0x80  }
0xb8: {  	[sflag:s20] =	ssyncset.done $0x0  }
0xb9: {  	[sflag:s20] =	ssyncadd.s32 $0xFFFFFF80  }
0xba: {  	_ =	swait.ge [sflag:s20], $0x80  }
0xbb: {  	[sflag:s20] =	ssyncset.done $0x0  }
0xbc: {  	[sflag:s20] =	ssyncadd.s32 $0xFFFFFF80  }
0xbd: {  	_ =	swait.ge [sflag:s20], $0x80  }
0xbe: {  	[sflag:s20] =	ssyncset.done $0x0  }
0xbf: {  	[sflag:s20] =	ssyncadd.s32 $0xFFFFFF80  }
0xc0: {  	_ =	swait.ge [sflag:s20], $0x80  }
0xc1: {  	[sflag:s20] =	ssyncset.done $0x0  }
0xc2: {  	[sflag:s20] =	ssyncadd.s32 $0xFFFFFF80  }
0xc3: {  	_ =	swait.ge [sflag:s20], $0x80  }
0xc4: {  	[sflag:s20] =	ssyncset.done $0x0  }
0xc5: {  	[sflag:s20] =	ssyncadd.s32 $0xFFFFFF80  }
0xc6: {  	_ =	swait.ge [sflag:s20], $0x80  }
0xc7: {  	[sflag:s20] =	ssyncset.done $0x0  }
0xc8: {  	[sflag:s20] =	ssyncadd.s32 $0xFFFFFF80  }
0xc9: {  	_ =	swait.ge [sflag:s20], $0x80  }
0xca: {  	[sflag:s20] =	ssyncset.done $0x0  }
0xcb: {  	[sflag:s20] =	ssyncadd.s32 $0xFFFFFF80  }
0xcc: {  	_ =	swait.ge [sflag:s20], $0x80  }
0xcd: {  	[sflag:s20] =	ssyncset.done $0x0  }
0xce: {  	[sflag:s20] =	ssyncadd.s32 $0xFFFFFF80  }
0xcf: {  	_ =	swait.ge [sflag:s20], $0x80  }
0xd0: {  	[sflag:s20] =	ssyncset.done $0x0  }
0xd1: {  	[sflag:s20] =	ssyncadd.s32 $0xFFFFFF80  }
0xd2: {  	_ =	swait.ge [sflag:s20], $0x80  }
0xd3: {  	[sflag:s20] =	ssyncset.done $0x0  }
0xd4: {  	[sflag:s20] =	ssyncadd.s32 $0xFFFFFF80  }
0xd5: {  	_ =	swait.ge [sflag:s20], $0x80  }
0xd6: {  	[sflag:s20] =	ssyncset.done $0x0  }
0xd7: {  	[sflag:s20] =	ssyncadd.s32 $0xFFFFFF80  }
0xd8: {  	_ =	swait.ge [sflag:s20], $0x80  }
0xd9: {  	[sflag:s20] =	ssyncset.done $0x0  }
0xda: {  	[sflag:s20] =	ssyncadd.s32 $0xFFFFFF80  }
0xdb: {  	_ =	swait.ge [sflag:s20], $0x80  }
0xdc: {  	[sflag:s20] =	ssyncset.done $0x0  }
0xdd: {  	[sflag:s20] =	ssyncadd.s32 $0xFFFFFF80  }
0xde: {  	_ =	swait.ge [sflag:s20], $0x80  }
0xdf: {  	[sflag:s20] =	ssyncset.done $0x0  }
0xe0: {  	[sflag:s20] =	ssyncadd.s32 $0xFFFFFF80  }
0xe1: {  	_ =	swait.ge [sflag:s20], $0x80  }
0xe2: {  	[sflag:s20] =	ssyncset.done $0x0  }
0xe3: {  	[sflag:s20] =	ssyncadd.s32 $0xFFFFFF80  }
0xe4: {  	[tilespmem:s21], [sflag:$0x1] =	stream.indirect.gather [hbm4b:s0+s8], $0x1, s4, s8, $0xb8;
	[tilespmem:$0x3470] =	vst v63  }
0xe5: {  	_ =	swait.ge [sflag:s22], $0x300  }
0xe6: {  	[sflag:s22] =	ssyncset.done $0x0  }
0xe7: {  	[sflag:s22] =	ssyncadd.s32 $0xFFFFFD00  }
0xe8: {  	[bflag:$0x0] =	sbarrier.arrive $0xFFFF  }
0xe9: {  	[tilespmem:s23], [sflag:$0x3] =	stream.indirect.gather [spmem:s3], $0x1, s8, s8, $0xb8;
	[tilespmem:$0x3470] =	vst v63  }
0xea: {  	_ =	swait.ge [sflag:s20], $0x680  }
0xeb: {  	[sflag:s20] =	ssyncset.done $0x0  }
0xec: {  	[sflag:s20] =	ssyncadd.s32 $0xFFFFF980  }
0xed: {  	_ =	swait.ge [sflag:s24], $0x680  }
0xee: {  	[sflag:s24] =	ssyncset.done $0x0  }
0xef: {  	[sflag:s24] =	ssyncadd.s32 $0xFFFFF980  }
0xf0: {  	v0 =	vld [tilespmem:$0x10E0];
	_ =	sdelay $0x4  }
0xf1: {  	[tilespmem:$0x1FCD0] =	vst v0;
	v0 =	vld [tilespmem:$0x10F0];
	_ =	sdelay $0x4  }
0xf2: {  	[tilespmem:$0x1FCE0] =	vst v0;
	v0 =	vld [tilespmem:$0x1100];
	_ =	sdelay $0x4  }
0xf3: {  	[tilespmem:$0x1FCF0] =	vst v0;
	v0 =	vld [tilespmem:$0x1110];
	_ =	sdelay $0x4  }
0xf4: {  	[tilespmem:$0x1FD00] =	vst v0;
	v0 =	vld [tilespmem:$0x1120];
	_ =	sdelay $0x4  }
0xf5: {  	[tilespmem:$0x1FD10] =	vst v0;
	v0 =	vld [tilespmem:$0x1130];
	_ =	sdelay $0x4  }
0xf6: {  	[tilespmem:$0x1FD20] =	vst v0;
	v0 =	vld [tilespmem:$0x1140];
	_ =	sdelay $0x4  }
0xf7: {  	[tilespmem:$0x1FD30] =	vst v0;
	v0 =	vld [tilespmem:$0x1150];
	_ =	sdelay $0x4  }
0xf8: {  	[tilespmem:$0x1FD40] =	vst v0;
	v0 =	vld [tilespmem:$0x1160];
	_ =	sdelay $0x4  }
0xf9: {  	[tilespmem:$0x1FD50] =	vst v0;
	v0 =	vld [tilespmem:$0x1170];
	_ =	sdelay $0x4  }
0xfa: {  	[tilespmem:$0x1FD60] =	vst v0;
	v0 =	vld [tilespmem:$0x1180];
	_ =	sdelay $0x4  }
0xfb: {  	[tilespmem:$0x1FD70] =	vst v0;
	v0 =	vld [tilespmem:$0x1190];
	_ =	sdelay $0x4  }
0xfc: {  	[tilespmem:$0x1FD80] =	vst v0;
	v0 =	vld [tilespmem:$0x11A0];
	_ =	sdelay $0x4  }
0xfd: {  	[tilespmem:$0x1FD90] =	vst v0;
	v0 =	vld [tilespmem:$0x11B0];
	_ =	sdelay $0x4  }
0xfe: {  	[tilespmem:$0x1FDA0] =	vst v0;
	v0 =	vld [tilespmem:$0x11C0];
	_ =	sdelay $0x4  }
0xff: {  	[tilespmem:$0x1FDB0] =	vst v0;
	v0 =	vld [tilespmem:$0x11D0];
	_ =	sdelay $0x4  }
0x100: {  	[tilespmem:$0x1FDC0] =	vst v0;
	v0 =	vld [tilespmem:$0x11E0];
	_ =	sdelay $0x4  }
0x101: {  	[tilespmem:$0x1FDD0] =	vst v0;
	v0 =	vld [tilespmem:$0x11F0];
	_ =	sdelay $0x4  }
0x102: {  	[tilespmem:$0x1FDE0] =	vst v0;
	v0 =	vld [tilespmem:$0x1200];
	_ =	sdelay $0x4  }
0x103: {  	[tilespmem:$0x1FDF0] =	vst v0;
	v0 =	vld [tilespmem:$0x1210];
	_ =	sdelay $0x4  }
0x104: {  	[tilespmem:$0x1FE00] =	vst v0;
	v0 =	vld [tilespmem:$0x1220];
	_ =	sdelay $0x4  }
0x105: {  	[tilespmem:$0x1FE10] =	vst v0;
	v0 =	vld [tilespmem:$0x1230];
	_ =	sdelay $0x4  }
0x106: {  	[tilespmem:$0x1FE20] =	vst v0;
	v0 =	vld [tilespmem:$0x1240];
	_ =	sdelay $0x4  }
0x107: {  	[tilespmem:$0x1FE30] =	vst v0;
	v0 =	vld [tilespmem:$0x1250];
	_ =	sdelay $0x4  }
0x108: {  	[tilespmem:$0x1FE40] =	vst v0;
	v0 =	vld [tilespmem:$0x1260];
	_ =	sdelay $0x4  }
0x109: {  	[tilespmem:$0x1FE50] =	vst v0;
	v0 =	vld [tilespmem:$0x1270];
	_ =	sdelay $0x4  }
0x10a: {  	[tilespmem:$0x1FE60] =	vst v0;
	v0 =	vld [tilespmem:$0x1280];
	_ =	sdelay $0x4  }
0x10b: {  	[tilespmem:$0x1FE70] =	vst v0;
	v0 =	vld [tilespmem:$0x1290];
	_ =	sdelay $0x3  }
0x10c: {  	v2 =	vld.msk [tilespmem:$0x1A80 ss:$0x0], $0xffff  }
0x10d: {  	[tilespmem:$0x1FE80] =	vst v0;
	v0 =	vld [tilespmem:$0x12A0]  }
0x10e: {  	v5 =	vld [tilespmem:$0xD00]  }
0x10f: {  	v11 =	vld [tilespmem:$0xD10]  }
0x110: {  	v14 =	vld [tilespmem:$0xD20]  }
0x111: {  	v20 =	vld [tilespmem:$0xD30]  }
0x112: {  	[tilespmem:$0x1FE90] =	vst v0;
	v0 =	vld [tilespmem:$0x12B0]  }
0x113: {  	v21 =	vld [tilespmem:$0xD40]  }
0x114: {  	v25 =	vld [tilespmem:$0xD50]  }
0x115: {  	v28 =	vld [tilespmem:$0xD60]  }
0x116: {  	v33 =	vld [tilespmem:$0xD70]  }
0x117: {  	[tilespmem:$0x1FEA0] =	vst v0;
	v0 =	vld [tilespmem:$0x12C0]  }
0x118: {  	v36 =	vld [tilespmem:$0xD80]  }
0x119: {  	v41 =	vld [tilespmem:$0xD90]  }
0x11a: {  	v44 =	vld [tilespmem:$0xDA0]  }
0x11b: {  	v49 =	vld [tilespmem:$0xDB0]  }
0x11c: {  	[tilespmem:$0x1FEB0] =	vst v0;
	v0 =	vld [tilespmem:$0x12D0]  }
0x11d: {  	v52 =	vld [tilespmem:$0xDC0]  }
0x11e: {  	v57 =	vld [tilespmem:$0xDD0]  }
0x11f: {  	v60 =	vld [tilespmem:$0xDE0]  }
0x120: {  	v1 =	vld [tilespmem:$0xDF0]  }
0x121: {  	[tilespmem:$0x1FEC0] =	vst v0;
	v0 =	vld [tilespmem:$0x12E0]  }
0x122: {  	v4 =	vld [tilespmem:$0xE00]  }
0x123: {  	v3 =	vld [tilespmem:$0xE10]  }
0x124: {  	v7 =	vld [tilespmem:$0xE20]  }
0x125: {  	v6 =	vld [tilespmem:$0xE30]  }
0x126: {  	[tilespmem:$0x1FED0] =	vst v0;
	v0 =	vld [tilespmem:$0x12F0]  }
0x127: {  	v9 =	vld [tilespmem:$0xE40]  }
0x128: {  	v8 =	vld [tilespmem:$0xE50]  }
0x129: {  	v12 =	vld [tilespmem:$0xE60]  }
0x12a: {  	v10 =	vld [tilespmem:$0xE70]  }
0x12b: {  	[tilespmem:$0x1FEE0] =	vst v0;
	v0 =	vld [tilespmem:$0x1300]  }
0x12c: {  	v15 =	vld [tilespmem:$0xE80]  }
0x12d: {  	v13 =	vld [tilespmem:$0xE90]  }
0x12e: {  	v17 =	vld [tilespmem:$0xEA0]  }
0x12f: {  	v16 =	vld [tilespmem:$0xEB0]  }
0x130: {  	[tilespmem:$0x1FEF0] =	vst v0;
	v0 =	vld [tilespmem:$0x1310]  }
0x131: {  	v19 =	vld [tilespmem:$0xEC0]  }
0x132: {  	v18 =	vld [tilespmem:$0xED0]  }
0x133: {  	v23 =	vld [tilespmem:$0xEE0]  }
0x134: {  	v22 =	vld [tilespmem:$0xEF0]  }
0x135: {  	[tilespmem:$0x1FF00] =	vst v0;
	v0 =	vld [tilespmem:$0x1320]  }
0x136: {  	v26 =	vld [tilespmem:$0xF00]  }
0x137: {  	v24 =	vld [tilespmem:$0xF10]  }
0x138: {  	v29 =	vld [tilespmem:$0xF20]  }
0x139: {  	v27 =	vld [tilespmem:$0xF30]  }
0x13a: {  	[tilespmem:$0x1FF10] =	vst v0;
	v0 =	vld [tilespmem:$0x1330]  }
0x13b: {  	v31 =	vld [tilespmem:$0xF40]  }
0x13c: {  	v30 =	vld [tilespmem:$0xF50]  }
0x13d: {  	v34 =	vld [tilespmem:$0xF60]  }
0x13e: {  	v32 =	vld [tilespmem:$0xF70]  }
0x13f: {  	[tilespmem:$0x1FF20] =	vst v0;
	v0 =	vld [tilespmem:$0x1340]  }
0x140: {  	v37 =	vld [tilespmem:$0xF80]  }
0x141: {  	v35 =	vld [tilespmem:$0xF90]  }
0x142: {  	v38 =	vld [tilespmem:$0xFA0]  }
0x143: {  	v39 =	vld [tilespmem:$0xFB0]  }
0x144: {  	[tilespmem:$0x1FF30] =	vst v0;
	v0 =	vld [tilespmem:$0x1350]  }
0x145: {  	v40 =	vld [tilespmem:$0xFC0]  }
0x146: {  	v42 =	vld [tilespmem:$0xFD0]  }
0x147: {  	v43 =	vld [tilespmem:$0xFE0]  }
0x148: {  	v45 =	vld [tilespmem:$0xFF0]  }
0x149: {  	[tilespmem:$0x1FF40] =	vst v0;
	v0 =	vld [tilespmem:$0x1360]  }
0x14a: {  	v46 =	vld [tilespmem:$0x1000]  }
0x14b: {  	v47 =	vld [tilespmem:$0x1010]  }
0x14c: {  	v50 =	vld [tilespmem:$0x1020]  }
0x14d: {  	v48 =	vld [tilespmem:$0x1030]  }
0x14e: {  	[tilespmem:$0x1FF50] =	vst v0;
	v0 =	vld [tilespmem:$0x1370]  }
0x14f: {  	v53 =	vld [tilespmem:$0x1040]  }
0x150: {  	v51 =	vld [tilespmem:$0x1050]  }
0x151: {  	v54 =	vld [tilespmem:$0x1060]  }
0x152: {  	v55 =	vld [tilespmem:$0x1070]  }
0x153: {  	[tilespmem:$0x1FF60] =	vst v0;
	v0 =	vld [tilespmem:$0x1380]  }
0x154: {  	v56 =	vld [tilespmem:$0x1080]  }
0x155: {  	v58 =	vld [tilespmem:$0x1090]  }
0x156: {  	v63 =	vld [tilespmem:$0x10A0]  }
0x157: {  	v59 =	vld [tilespmem:$0x10B0]  }
0x158: {  	[tilespmem:$0x1FF70] =	vst v0;
	v0 =	vld [tilespmem:$0x1390]  }
0x159: {  	v61 =	vld [tilespmem:$0x10C0];
	v11 =	vadd.f32 v11, v2  }
0x15a: {  	v62 =	vld [tilespmem:$0x10D0];
	v5 =	vadd.f32 v5, v2;
	v14 =	vadd.f32 v14, v2  }
0x15b: {  	v20 =	vadd.f32 v20, v2;
	v11 =	vadd.f32 v41, v11;
	v41 =	vld [tilespmem:$0x1400]  }
0x15c: {  	v21 =	vadd.f32 v21, v2;
	v5 =	vadd.f32 v36, v5;
	v36 =	vld [tilespmem:$0x1440]  }
0x15d: {  	v28 =	vadd.f32 v28, v2;
	v14 =	vadd.f32 v44, v14;
	[tilespmem:$0x1FF80] =	vst v0;
	v0 =	vld [tilespmem:$0x13A0]  }
0x15e: {  	v20 =	vadd.f32 v49, v20;
	v21 =	vadd.f32 v52, v21;
	v44 =	vld [tilespmem:$0x1460]  }
0x15f: {  	v28 =	vadd.f32 v60, v28;
	v49 =	vld [tilespmem:$0x1470];
	v3 =	vadd.f32 v3, v11  }
0x160: {  	v60 =	vadd.f32 v7, v14;
	v14 =	vadd.f32 v6, v20;
	v11 =	vld [tilespmem:$0x14E0]  }
0x161: {  	v20 =	vadd.f32 v9, v21;
	v28 =	vadd.f32 v12, v28;
	v12 =	vld [tilespmem:$0x1510]  }
0x162: {  	v3 =	vadd.f32 v13, v3;
	[tilespmem:$0x1FF90] =	vst v0;
	v0 =	vld [tilespmem:$0x13B0]  }
0x163: {  	v6 =	vadd.f32 v19, v20;
	v20 =	vld [tilespmem:$0x14C0]  }
0x164: {  	v13 =	vld [tilespmem:$0x1520];
	v3 =	vadd.f32 v24, v3  }
0x165: {  	v19 =	vld [tilespmem:$0x1570];
	v6 =	vadd.f32 v31, v6  }
0x166: {  	[tilespmem:$0x1FFF0] =	vst v41;
	v41 =	vld [tilespmem:$0x1450];
	v3 =	vadd.f32 v35, v3  }
0x167: {  	v6 =	vadd.f32 v40, v6;
	[tilespmem:$0x1FFA0] =	vst v0;
	v0 =	vld [tilespmem:$0x13C0]  }
0x168: {  	v24 =	vld [tilespmem:$0x15A0];
	v3 =	vadd.f32 v47, v3  }
0x169: {  	v31 =	vld [tilespmem:$0x1600];
	v6 =	vadd.f32 v53, v6  }
0x16a: {  	v3 =	vadd.f32 v58, v3;
	v58 =	vld [tilespmem:$0x1FCF0]  }
0x16b: {  	v6 =	vadd.f32 v61, v6;
	v61 =	vld [tilespmem:$0x1FD10]  }
0x16c: {  	[tilespmem:$0x1FFB0] =	vst v0;
	v0 =	vld [tilespmem:$0x13D0]  }
0x16d: {  	v35 =	vld [tilespmem:$0x1FD60]  }
0x16e: {  	v40 =	vld [tilespmem:$0x1FDA0]  }
0x16f: {  	v47 =	vld [tilespmem:$0x1FDF0]  }
0x170: {  	v53 =	vld [tilespmem:$0x1FE30]  }
0x171: {  	[tilespmem:$0x1FFC0] =	vst v0;
	v0 =	vadd.f32 v25, v2;
	v25 =	vld [tilespmem:$0x13E0]  }
0x172: {  	v2 =	vadd.f32 v33, v2;
	v33 =	vld [tilespmem:$0x13F0]  }
0x173: {  	v52 =	vadd.f32 v57, v0;
	v0 =	vld [tilespmem:$0x1420]  }
0x174: {  	v57 =	vadd.f32 v4, v5;
	v4 =	vadd.f32 v17, v60;
	v60 =	vld [tilespmem:$0x14A0]  }
0x175: {  	v5 =	vadd.f32 v16, v14;
	v14 =	vld [tilespmem:$0x14D0]  }
0x176: {  	v16 =	vld [tilespmem:$0x1540]  }
0x177: {  	v17 =	vld [tilespmem:$0x1550]  }
0x178: {  	v21 =	vadd.f32 v8, v52;
	v52 =	vld [tilespmem:$0x1480]  }
0x179: {  	v1 =	vadd.f32 v1, v2;
	v2 =	vadd.f32 v15, v57;
	v57 =	vld [tilespmem:$0x1490]  }
0x17a: {  	v4 =	vadd.f32 v29, v4;
	v29 =	vadd.f32 v27, v5;
	v5 =	vld [tilespmem:$0x14F0]  }
0x17b: {  	v15 =	vld [tilespmem:$0x1530]  }
0x17c: {  	v8 =	vadd.f32 v23, v28;
	v23 =	vld [tilespmem:$0x1590]  }
0x17d: {  	v27 =	vld [tilespmem:$0x15C0]  }
0x17e: {  	v28 =	vld [tilespmem:$0x15D0]  }
0x17f: {  	[tilespmem:$0x1FFD0] =	vst v25;
	v25 =	vld [tilespmem:$0x1410]  }
0x180: {  	[tilespmem:$0x1FFE0] =	vst v33;
	v33 =	vld [tilespmem:$0x1430]  }
0x181: {  	v1 =	vadd.f32 v10, v1;
	v7 =	vadd.f32 v18, v21;
	v21 =	vld [tilespmem:$0x14B0]  }
0x182: {  	v18 =	vld [tilespmem:$0x1560]  }
0x183: {  	v1 =	vadd.f32 v22, v1;
	v22 =	vld [tilespmem:$0x1580]  }
0x184: {  	v2 =	vadd.f32 v26, v2;
	v26 =	vld [tilespmem:$0x15B0]  }
0x185: {  	v9 =	vadd.f32 v39, v29;
	v29 =	vld [tilespmem:$0x15E0]  }
0x186: {  	v8 =	vadd.f32 v34, v8;
	v34 =	vld [tilespmem:$0x1FD50]  }
0x187: {  	v4 =	vadd.f32 v38, v4;
	v38 =	vld [tilespmem:$0x1FD80]  }
0x188: {  	v39 =	vld [tilespmem:$0x1FD90]  }
0x189: {  	v37 =	vadd.f32 v37, v2;
	v2 =	vld [tilespmem:$0x1500]  }
0x18a: {  	v1 =	vadd.f32 v32, v1;
	v32 =	vld [tilespmem:$0x1FD40]  }
0x18b: {  	v7 =	vadd.f32 v30, v7;
	v30 =	vld [tilespmem:$0x15F0]  }
0x18c: {  	v8 =	vadd.f32 v43, v8;
	v43 =	vld [tilespmem:$0x1FDC0]  }
0x18d: {  	v9 =	vadd.f32 v48, v9;
	v48 =	vld [tilespmem:$0x1FE00]  }
0x18e: {  	v4 =	vadd.f32 v50, v4;
	v50 =	vld [tilespmem:$0x1FE10]  }
0x18f: {  	v9 =	vadd.f32 v59, v9;
	v59 =	vld [tilespmem:$0x1FD00]  }
0x190: {  	v4 =	vadd.f32 v63, v4;
	v63 =	vld [tilespmem:$0x1FD30]  }
0x191: {  	v10 =	vadd.f32 v46, v37;
	v37 =	vld [tilespmem:$0x1FD70]  }
0x192: {  	v7 =	vadd.f32 v42, v7;
	v42 =	vld [tilespmem:$0x1FDB0]  }
0x193: {  	v1 =	vadd.f32 v45, v1;
	v45 =	vld [tilespmem:$0x1FDD0]  }
0x194: {  	v46 =	vld [tilespmem:$0x1FDE0]  }
0x195: {  	v8 =	vadd.f32 v54, v8;
	v54 =	vld [tilespmem:$0x1FE40]  }
0x196: {  	v1 =	vadd.f32 v55, v1;
	v55 =	vld [tilespmem:$0x1FCD0]  }
0x197: {  	v10 =	vadd.f32 v56, v10;
	v56 =	vld [tilespmem:$0x1FCE0]  }
0x198: {  	v7 =	vadd.f32 v51, v7;
	v51 =	vld [tilespmem:$0x1FE20]  }
0x199: {  	v4 =	vadd.f32 v61, v4;
	v61 =	vld [tilespmem:$0x1FE90]  }
0x19a: {  	v7 =	vadd.f32 v62, v7;
	v62 =	vld [tilespmem:$0x1FD20]  }
0x19b: {  	v4 =	vadd.f32 v39, v4;
	v39 =	vld [tilespmem:$0x1660]  }
0x19c: {  	v10 =	vadd.f32 v58, v10;
	v58 =	vld [tilespmem:$0x1FE70]  }
0x19d: {  	v3 =	vadd.f32 v59, v3;
	v59 =	vld [tilespmem:$0x1FE80]  }
0x19e: {  	v6 =	vadd.f32 v63, v6;
	v63 =	vld [tilespmem:$0x1FEB0]  }
0x19f: {  	v7 =	vadd.f32 v32, v7;
	v32 =	vld [tilespmem:$0x1610]  }
0x1a0: {  	v10 =	vadd.f32 v37, v10;
	v37 =	vld [tilespmem:$0x1640]  }
0x1a1: {  	v4 =	vadd.f32 v50, v4;
	v50 =	vld [tilespmem:$0x1FED0]  }
0x1a2: {  	v3 =	vadd.f32 v38, v3;
	v38 =	vld [tilespmem:$0x1650]  }
0x1a3: {  	v8 =	vadd.f32 v55, v8;
	v55 =	vld [tilespmem:$0x1FE50]  }
0x1a4: {  	v1 =	vadd.f32 v56, v1;
	v56 =	vld [tilespmem:$0x1FE60]  }
0x1a5: {  	v6 =	vadd.f32 v42, v6;
	v42 =	vld [tilespmem:$0x1680]  }
0x1a6: {  	v7 =	vadd.f32 v43, v7;
	v43 =	vld [tilespmem:$0x1690]  }
0x1a7: {  	v10 =	vadd.f32 v47, v10;
	v47 =	vld [tilespmem:$0x16C0]  }
0x1a8: {  	v4 =	vadd.f32 v61, v4;
	v61 =	vld [tilespmem:$0x1FF50]  }
0x1a9: {  	v8 =	vadd.f32 v34, v8;
	v34 =	vld [tilespmem:$0x1620]  }
0x1aa: {  	v1 =	vadd.f32 v35, v1;
	v35 =	vld [tilespmem:$0x1630]  }
0x1ab: {  	v9 =	vadd.f32 v62, v9;
	v62 =	vld [tilespmem:$0x1FEA0]  }
0x1ac: {  	v3 =	vadd.f32 v48, v3;
	v48 =	vld [tilespmem:$0x1FEC0]  }
0x1ad: {  	v6 =	vadd.f32 v53, v6;
	v53 =	vld [tilespmem:$0x1FEF0]  }
0x1ae: {  	v7 =	vadd.f32 v54, v7;
	v54 =	vld [tilespmem:$0x1FF00]  }
0x1af: {  	v10 =	vadd.f32 v58, v10;
	v58 =	vld [tilespmem:$0x1FF30]  }
0x1b0: {  	v9 =	vadd.f32 v40, v9;
	v40 =	vld [tilespmem:$0x1670]  }
0x1b1: {  	v8 =	vadd.f32 v45, v8;
	v45 =	vld [tilespmem:$0x16A0]  }
0x1b2: {  	v1 =	vadd.f32 v46, v1;
	v46 =	vld [tilespmem:$0x16B0]  }
0x1b3: {  	v3 =	vadd.f32 v59, v3;
	v59 =	vld [tilespmem:$0x1FF40]  }
0x1b4: {  	v6 =	vadd.f32 v63, v6;
	v63 =	vld [tilespmem:$0x1FF70]  }
0x1b5: {  	v9 =	vadd.f32 v51, v9;
	v51 =	vld [tilespmem:$0x1FEE0]  }
0x1b6: {  	v8 =	vadd.f32 v55, v8;
	v55 =	vld [tilespmem:$0x1FF10]  }
0x1b7: {  	v1 =	vadd.f32 v56, v1;
	v56 =	vld [tilespmem:$0x1FF20]  }
0x1b8: {  	v7 =	vadd.f32 v48, v7;
	v48 =	vld [tilespmem:$0x16D0]  }
0x1b9: {  	v10 =	vadd.f32 v53, v10;
	v53 =	vld [tilespmem:$0x1700]  }
0x1ba: {  	v8 =	vadd.f32 v50, v8;
	v50 =	vld [tilespmem:$0x16E0]  }
0x1bb: {  	v9 =	vadd.f32 v62, v9;
	v62 =	vld [tilespmem:$0x1FF60]  }
0x1bc: {  	v6 =	vadd.f32 v58, v6;
	v58 =	vld [tilespmem:$0x1FF90]  }
0x1bd: {  	v3 =	vadd.f32 v54, v3;
	v54 =	vld [tilespmem:$0x1710]  }
0x1be: {  	v7 =	vadd.f32 v59, v7;
	v59 =	vld [tilespmem:$0x1FFA0]  }
0x1bf: {  	v10 =	vadd.f32 v63, v10;
	v63 =	vld [tilespmem:$0x1FFD0]  }
0x1c0: {  	v8 =	vadd.f32 v61, v8;
	v61 =	vld [tilespmem:$0x1FFB0]  }
0x1c1: {  	v1 =	vadd.f32 v51, v1;
	v51 =	vld [tilespmem:$0x16F0]  }
0x1c2: {  	v4 =	vadd.f32 v55, v4;
	v9 =	vadd.f32 v56, v9;
	v56 =	vld [tilespmem:$0x1FF80]  }
0x1c3: {  	v55 =	vld [tilespmem:$0x1720]  }
0x1c4: {  	v1 =	vadd.f32 v62, v1;
	v4 =	vadd.f32 v58, v4;
	v62 =	vld [tilespmem:$0x1FFC0]  }
0x1c5: {  	v58 =	vld [tilespmem:$0x1810];
	v9 =	vadd.f32 v59, v9;
	v8 =	vadd.f32 v63, v8  }
0x1c6: {  	v59 =	vld [tilespmem:$0x1820];
	v6 =	vadd.f32 v61, v6;
	v0 =	vadd.f32 v0, v4  }
0x1c7: {  	v61 =	vld [tilespmem:$0x1FFE0];
	v3 =	vadd.f32 v56, v3;
	v63 =	vadd.f32 v33, v9  }
0x1c8: {  	v56 =	vld [tilespmem:$0x1730];
	v8 =	vadd.f32 v44, v8;
	v6 =	vadd.f32 v36, v6  }
0x1c9: {  	v9 =	vld [tilespmem:$0x1750];
	v0 =	vadd.f32 v60, v0;
	v7 =	vadd.f32 v62, v7  }
0x1ca: {  	v33 =	vld [tilespmem:$0x1760];
	v3 =	vadd.f32 v25, v3;
	v4 =	vadd.f32 v21, v63  }
0x1cb: {  	v44 =	vld [tilespmem:$0x1770];
	v8 =	vadd.f32 v11, v8;
	v6 =	vadd.f32 v20, v6  }
0x1cc: {  	v60 =	vld [tilespmem:$0x1830];
	v0 =	vadd.f32 v13, v0;
	v1 =	vadd.f32 v61, v1  }
0x1cd: {  	v62 =	vld [tilespmem:$0x1FFF0];
	v7 =	vadd.f32 v41, v7;
	v3 =	vadd.f32 v57, v3  }
0x1ce: {  	v25 =	vld [tilespmem:$0x1740];
	v4 =	vadd.f32 v15, v4;
	v8 =	vadd.f32 v18, v8  }
0x1cf: {  	v21 =	vld [tilespmem:$0x1790];
	v6 =	vadd.f32 v16, v6;
	v0 =	vadd.f32 v24, v0  }
0x1d0: {  	v11 =	vld [tilespmem:$0x17D0];
	v1 =	vadd.f32 v49, v1;
	v7 =	vadd.f32 v14, v7  }
0x1d1: {  	v63 =	vld [tilespmem:$0x1860];
	v3 =	vadd.f32 v12, v3;
	v4 =	vadd.f32 v26, v4  }
0x1d2: {  	v41 =	vld [tilespmem:$0x1780];
	v8 =	vadd.f32 v29, v8;
	v10 =	vadd.f32 v62, v10  }
0x1d3: {  	v57 =	vld [tilespmem:$0x1800];
	v6 =	vadd.f32 v27, v6;
	v0 =	vadd.f32 v34, v0  }
0x1d4: {  	v61 =	vld [tilespmem:$0x1840];
	v1 =	vadd.f32 v5, v1;
	v7 =	vadd.f32 v17, v7  }
0x1d5: {  	v14 =	vld [tilespmem:$0x17A0];
	v3 =	vadd.f32 v23, v3;
	v4 =	vadd.f32 v35, v4  }
0x1d6: {  	v49 =	vld [tilespmem:$0x17E0];
	v8 =	vadd.f32 v39, v8;
	v10 =	vadd.f32 v52, v10  }
0x1d7: {  	v62 =	vld [tilespmem:$0x1850];
	v6 =	vadd.f32 v37, v6;
	v0 =	vadd.f32 v45, v0  }
0x1d8: {  	v34 =	vld [tilespmem:$0x1870];
	v1 =	vadd.f32 v19, v1;
	v7 =	vadd.f32 v28, v7  }
0x1d9: {  	v5 =	vld [tilespmem:$0x17B0];
	v3 =	vadd.f32 v32, v3;
	v4 =	vadd.f32 v46, v4  }
0x1da: {  	v35 =	vld [tilespmem:$0x1880];
	v8 =	vadd.f32 v50, v8;
	v2 =	vadd.f32 v2, v10  }
0x1db: {  	v39 =	vld [tilespmem:$0x18B0];
	v6 =	vadd.f32 v47, v6;
	v0 =	vadd.f32 v55, v0  }
0x1dc: {  	v52 =	vld [tilespmem:$0x17F0];
	v1 =	vadd.f32 v30, v1;
	v7 =	vadd.f32 v38, v7  }
0x1dd: {  	v37 =	vld [tilespmem:$0x1890];
	v3 =	vadd.f32 v43, v3;
	v4 =	vadd.f32 v56, v4  }
0x1de: {  	v45 =	vld [tilespmem:$0x1900];
	v8 =	vadd.f32 v33, v8;
	v2 =	vadd.f32 v22, v2  }
0x1df: {  	v46 =	vld [tilespmem:$0x1910];
	v6 =	vadd.f32 v25, v6;
	v0 =	vadd.f32 v14, v0  }
0x1e0: {  	v10 =	vld [tilespmem:$0x17C0];
	v1 =	vadd.f32 v40, v1;
	v7 =	vadd.f32 v48, v7  }
0x1e1: {  	v50 =	vld [tilespmem:$0x1950];
	v3 =	vadd.f32 v54, v3;
	v4 =	vadd.f32 v5, v4  }
0x1e2: {  	v38 =	vld [tilespmem:$0x18A0];
	v8 =	vadd.f32 v49, v8;
	v2 =	vadd.f32 v31, v2  }
0x1e3: {  	v47 =	vld [tilespmem:$0x1920];
	v0 =	vadd.f32 v59, v0;
	v1 =	vadd.f32 v51, v1  }
0x1e4: {  	v55 =	vld [tilespmem:$0x19A0];
	v7 =	vadd.f32 v9, v7;
	v3 =	vadd.f32 v21, v3  }
0x1e5: {  	v43 =	vld [tilespmem:$0x18E0];
	v6 =	vadd.f32 v10, v6;
	v4 =	vadd.f32 v60, v4  }
0x1e6: {  	v56 =	vld [tilespmem:$0x19B0];
	v8 =	vadd.f32 v63, v8;
	v2 =	vadd.f32 v42, v2  }
0x1e7: {  	v40 =	vld [tilespmem:$0x18C0];
	v0 =	vadd.f32 v38, v0;
	v1 =	vadd.f32 v44, v1  }
0x1e8: {  	v48 =	vld [tilespmem:$0x1930];
	v7 =	vadd.f32 v11, v7;
	v3 =	vadd.f32 v58, v3  }
0x1e9: {  	v49 =	vld [tilespmem:$0x1940];
	v6 =	vadd.f32 v61, v6;
	v4 =	vadd.f32 v39, v4  }
0x1ea: {  	v51 =	vld [tilespmem:$0x1960];
	v8 =	vadd.f32 v43, v8;
	v2 =	vadd.f32 v53, v2  }
0x1eb: {  	v42 =	vld [tilespmem:$0x18D0];
	v0 =	vadd.f32 v47, v0;
	v1 =	vadd.f32 v52, v1  }
0x1ec: {  	v54 =	vld [tilespmem:$0x1990];
	v7 =	vadd.f32 v62, v7;
	v3 =	vadd.f32 v37, v3  }
0x1ed: {  	v59 =	vld [tilespmem:$0x19E0];
	v6 =	vadd.f32 v40, v6;
	v4 =	vadd.f32 v48, v4  }
0x1ee: {  	v44 =	vld [tilespmem:$0x18F0];
	v2 =	vadd.f32 v41, v2;
	v0 =	vadd.f32 v55, v0  }
0x1ef: {  	v58 =	vld [tilespmem:$0x19D0];
	v61 =	vadd.f32 v51, v8;
	v1 =	vadd.f32 v34, v1  }
0x1f0: {  	v52 =	vld [tilespmem:$0x1970];
	v7 =	vadd.f32 v42, v7;
	v3 =	vadd.f32 v46, v3  }
0x1f1: {  	v6 =	vadd.f32 v49, v6;
	v2 =	vadd.f32 v57, v2;
	v57 =	vld [tilespmem:$0x19C0]  }
0x1f2: {  	v60 =	vld [tilespmem:$0x19F0];
	v4 =	vadd.f32 v56, v4;
	v7 =	vadd.f32 v50, v7  }
0x1f3: {  	v53 =	vld [tilespmem:$0x1980];
	[tilespmem:$0x1A20] =	vst v0;
	v1 =	vadd.f32 v44, v1;
	v3 =	vadd.f32 v54, v3  }
0x1f4: {  	[tilespmem:$0x1A30] =	vst v4;
	v2 =	vadd.f32 v35, v2;
	v63 =	vadd.f32 v58, v7  }
0x1f5: {  	[tilespmem:$0x1A10] =	vst v3;
	v62 =	vadd.f32 v52, v1;
	v3 =	vadd.f32 v59, v61  }
0x1f6: {  	v2 =	vadd.f32 v45, v2;
	v5 =	vadd.f32 v57, v6;
	[tilespmem:$0x1A50] =	vst v63  }
0x1f7: {  	v0 =	vadd.f32 v60, v62;
	[tilespmem:$0x1A60] =	vst v3  }
0x1f8: {  	s6 =	sadd.s32 $0xFFFFFFFF, s6;
	s31 =	sld [smem:$0x7ED];
	v2 =	vadd.f32 v53, v2;
	[tilespmem:$0x1A40] =	vst v5  }
0x1f9: {  	p2 =	sne.s32 s6, $0x0;
	[tilespmem:$0x1A70] =	vst v0  }
.Ltmp0:
0x1fa: {  	[tilespmem:$0x1A00] =	vst v2;
	(pc) =	sbr.rel @p2 .LBB2_1-.Ltmp0, $4  }
0x1fb: {  	[hbm4b:s31+s4] =	stream.linear.scatter [tilespmem:s25], [sflag:$0x4], $0x80, $0x38;
	[tilespmem:$0x3470] =	vst v63  }
0x1fc: {  	_ =	swait.ge [sflag:s7], $0x80  }
0x1fd: {  	[sflag:s7] =	ssyncset.done $0x0  }
0x1fe: {  	[sflag:s7] =	ssyncadd.s32 $0xFFFFFF80  }
0x1ff: {  	_ =	sfence.sel $0x180000  }
0x200: {  	[bflag:$0x0] =	sbarrier.arrive $0xFFFF  }
0x201: {  	p0 =	sne.s32 s2, $0x0;
	_ =	strace $0x90000047  }
0x202: {  	s0 =	sadd.s32 @!p0 $0x100000, s1;
	[bflag:$0x2] =	sbarrier.arrive $0xFFFF  }
0x203: {  	[sflag:s0] =	ssyncadd.tile.s32 @!p0 $0x1;
	_ =	shalt  }
.Lfunc_end2:
_tile_overlayer_lowered:
.L_overlay_start_2:
0x204: {  	(tag) =	ssettag $0x2  }
0x205: {  	s0 =	rddreg [dreg:$0x0];
	s2 =	stileid.u32  }
0x206: {  	s1 =	rddreg [dreg:$0x1];
	p0 =	sne.s32 s2, $0x0  }
0x207: {  	s3 =	rddreg [dreg:$0x2];
	[bflag:$0x3] =	sbarrier.arrive $0xFFFF;
	s2 =	simm.s32 @!p0 $0x1C04  }
0x208: {  	[timem:s3], [sflag:s2] =	dma.local @!p0 [hbm:s0], s1  }
0x209: {  	s0 =	simm.s32 @!p0 $0x4  }
0x20a: {  	_ =	swait.ge @!p0 [sflag:s0], s1  }
0x20b: {  	s1 =	ssub.s32 @!p0 $0x0, s1;
	[sflag:s0] =	ssyncset.done @!p0 $0x0  }
0x20c: {  	[sflag:s0] =	ssyncadd.s32 @!p0 s1  }
0x20d: {  	[bflag:$0x3] =	sbarrier.arrive $0xFFFF  }
0x20e: {  	_ =	shalt  }

</sc_bundles>
